<compile_context>
chip_gen: v7x
topology: tpu7x:2x2x1
jax: 0.10.2.dev20260603
libtpu: 0.0.44.dev20260713+nightly
codegen_flags: <defaults>
</compile_context>

<pallas_src>
import functools

import jax
import jax.numpy as jnp
from jax import lax
from jax.experimental import pallas as pl
from jax.experimental.pallas import tpu as pltpu
from jax.experimental.pallas import tpu_sc as plsc

N_NODES = 10000
N_EDGES = 320000
N_PAD = 10240
ROWS_PER_TILE = 640
CHUNK = 128
N_SUBCORES = 16

N_CHUNKS_SC = 2560
N_CHUNKS_BUF = 2624
E_SCAT = N_CHUNKS_SC * CHUNK
E_BUF = N_CHUNKS_BUF * CHUNK
K_FULL = N_CHUNKS_SC // N_SUBCORES
K_HALF = N_CHUNKS_SC // (2 * N_SUBCORES)
TRASH = N_NODES


def _issue_idx(src_hbm, src_off, dst_hbm, dst_off, sidx_b, didx_b, sem):
    pltpu.async_copy(src_hbm.at[pl.ds(src_off, CHUNK)], sidx_b, sem)
    pltpu.async_copy(dst_hbm.at[pl.ds(dst_off, CHUNK)], didx_b, sem)


def _wait_idx(src_hbm, dst_hbm, sidx_b, didx_b, sem):
    pltpu.make_async_copy(src_hbm.at[pl.ds(0, CHUNK)], sidx_b, sem).wait()
    pltpu.make_async_copy(dst_hbm.at[pl.ds(0, CHUNK)], didx_b, sem).wait()


def _make_sc_agg_body(edge_split):

    def body(table, srcv, dstv, zblk, agg_out,
             sidx, didx, rows, agg_sh, sa0, sa1, sg0, sg1, *_):
        c = lax.axis_index("c")
        s = lax.axis_index("s")

        pltpu.sync_copy(zblk, agg_sh.at[pl.ds(s * ROWS_PER_TILE, ROWS_PER_TILE)])
        plsc.subcore_barrier()

        if edge_split:
            k_count = K_HALF
            chunk0 = c * (N_CHUNKS_SC // 2) + s
            src_base = 0
        else:
            k_count = K_FULL
            chunk0 = s
            src_base = c * E_BUF

        sems_a = (sa0, sa1)
        sems_g = (sg0, sg1)

        def issue_a(k, b):
            off = (chunk0 + k * N_SUBCORES) * CHUNK
            _issue_idx(srcv, src_base + off, dstv, off,
                       sidx.at[b], didx.at[b], sems_a[b])

        def wait_a(b):
            _wait_idx(srcv, dstv, sidx.at[b], didx.at[b], sems_a[b])

        def issue_g(b):
            pltpu.async_copy(table.at[sidx.at[b]], rows.at[b], sems_g[b])

        def wait_g(b):
            pltpu.make_async_copy(table.at[sidx.at[b]], rows.at[b],
                                  sems_g[b]).wait()

        def scatter(b):
            pltpu.sync_copy(rows.at[b], agg_sh.at[didx.at[b]], add=True)

        issue_a(0, 0)
        issue_a(1, 1)
        wait_a(0)
        issue_g(0)

        def pair(j, carry):
            k = 2 * j
            wait_g(0)
            wait_a(1)
            issue_g(1)
            scatter(0)
            issue_a(k + 2, 0)
            wait_g(1)
            wait_a(0)
            issue_g(0)
            scatter(1)
            issue_a(k + 3, 1)
            return carry

        lax.fori_loop(0, k_count // 2, pair, 0)
        wait_g(0)
        wait_a(1)
        plsc.subcore_barrier()

        row0 = c * N_PAD + s * ROWS_PER_TILE
        pltpu.sync_copy(agg_sh.at[pl.ds(s * ROWS_PER_TILE, ROWS_PER_TILE)],
                        agg_out.at[pl.ds(row0, ROWS_PER_TILE)])

    return body


def _make_sc_agg(edge_split):
    return pl.kernel(
        _make_sc_agg_body(edge_split),
        out_type=jax.ShapeDtypeStruct((2 * N_PAD, 128), jnp.float32),
        mesh=plsc.VectorSubcoreMesh(core_axis_name="c", subcore_axis_name="s"),
        scratch_types=(
            pltpu.VMEM((2, CHUNK), jnp.int32),
            pltpu.VMEM((2, CHUNK), jnp.int32),
            pltpu.VMEM((2, CHUNK, 128), jnp.float32),
            pltpu.VMEM_SHARED((N_PAD, 128), jnp.float32),
            pltpu.SemaphoreType.DMA,
            pltpu.SemaphoreType.DMA,
            pltpu.SemaphoreType.DMA,
            pltpu.SemaphoreType.DMA,
        ),
    )


_SC_AGG_L1 = _make_sc_agg(True)
_SC_AGG_H = _make_sc_agg(False)


def _sc_deg_body(dstv, ones_in, zblk, deg_out,
                 didx, ones_v, deg_sh, sa0, sa1):
    c = lax.axis_index("c")
    s = lax.axis_index("s")

    pltpu.sync_copy(zblk, deg_sh.at[pl.ds(s * ROWS_PER_TILE, ROWS_PER_TILE)])
    pltpu.sync_copy(ones_in, ones_v)
    plsc.subcore_barrier()

    chunk0 = c * (N_CHUNKS_SC // 2) + s
    sems = (sa0, sa1)

    def issue_a(k, b):
        off = (chunk0 + k * N_SUBCORES) * CHUNK
        pltpu.async_copy(dstv.at[pl.ds(off, CHUNK)], didx.at[b], sems[b])

    def wait_a(b):
        pltpu.make_async_copy(dstv.at[pl.ds(0, CHUNK)], didx.at[b],
                              sems[b]).wait()

    issue_a(0, 0)
    issue_a(1, 1)

    def pair(j, carry):
        k = 2 * j
        wait_a(0)
        pltpu.sync_copy(ones_v, deg_sh.at[didx.at[0]], add=True)
        issue_a(k + 2, 0)
        wait_a(1)
        pltpu.sync_copy(ones_v, deg_sh.at[didx.at[1]], add=True)
        issue_a(k + 3, 1)
        return carry

    lax.fori_loop(0, K_HALF // 2, pair, 0)
    wait_a(0)
    wait_a(1)
    plsc.subcore_barrier()

    row0 = c * N_PAD + s * ROWS_PER_TILE
    pltpu.sync_copy(deg_sh.at[pl.ds(s * ROWS_PER_TILE, ROWS_PER_TILE)],
                    deg_out.at[pl.ds(row0, ROWS_PER_TILE)])


_SC_DEG = pl.kernel(
    _sc_deg_body,
    out_type=jax.ShapeDtypeStruct((2 * N_PAD, 128), jnp.float32),
    mesh=plsc.VectorSubcoreMesh(core_axis_name="c", subcore_axis_name="s"),
    scratch_types=(
        pltpu.VMEM((2, CHUNK), jnp.int32),
        pltpu.VMEM((CHUNK, 128), jnp.float32),
        pltpu.VMEM_SHARED((N_PAD, 128), jnp.float32),
        pltpu.SemaphoreType.DMA,
        pltpu.SemaphoreType.DMA,
    ),
)


_DOT = functools.partial(jnp.dot, preferred_element_type=jnp.float32,
                         precision=lax.Precision.HIGHEST)
_BM = 1000


def _tc_pre_body(two_part, *refs):
    if two_part:
        h0, h1, ws0, ws1, b, out = refs
        acc = _DOT(h0[...], ws0[...]) + _DOT(h1[...], ws1[...]) + b[...]
    else:
        h, ws, b, out = refs
        acc = _DOT(h[...], ws[...]) + b[...]
    out[...] = acc


def _make_tc_pre(two_part):
    bm = _BM
    hspec = pl.BlockSpec((bm, 128), lambda m: (m, 0))
    wspec = pl.BlockSpec((128, 256), lambda m: (0, 0))
    in_specs = [hspec] * (2 if two_part else 1) + \
               [wspec] * (2 if two_part else 1) + \
               [pl.BlockSpec((1, 256), lambda m: (0, 0))]
    return pl.pallas_call(
        functools.partial(_tc_pre_body, two_part),
        grid=(N_NODES // bm,),
        in_specs=in_specs,
        out_specs=pl.BlockSpec((bm, 256), lambda m: (m, 0)),
        out_shape=jax.ShapeDtypeStruct((N_NODES, 256), jnp.float32),
    )


def _tc_post1_body(slf, p0, p1, d0, d1, wn, out, deg_out):
    degsum = d0[...] + d1[...]
    inv = 1.0 / jnp.maximum(degsum, 1.0)
    acc = slf[...] + _DOT((p0[...] + p1[...]) * inv, wn[...])
    acc = jnp.maximum(acc, 0.0)
    out[0] = acc[:, :128]
    out[1] = acc[:, 128:]
    deg_out[...] = degsum


def _make_tc_post1():
    bm = _BM
    in_specs = [
        pl.BlockSpec((bm, 256), lambda m: (m, 0)),
        pl.BlockSpec((bm, 128), lambda m: (m, 0)),
        pl.BlockSpec((bm, 128), lambda m: (m, 0)),
        pl.BlockSpec((bm, 1), lambda m: (m, 0)),
        pl.BlockSpec((bm, 1), lambda m: (m, 0)),
        pl.BlockSpec((128, 256), lambda m: (0, 0)),
    ]
    return pl.pallas_call(
        _tc_post1_body,
        grid=(N_NODES // bm,),
        in_specs=in_specs,
        out_specs=(pl.BlockSpec((2, bm, 128), lambda m: (0, m, 0)),
                   pl.BlockSpec((bm, 1), lambda m: (m, 0))),
        out_shape=(jax.ShapeDtypeStruct((2, N_NODES, 128), jnp.float32),
                   jax.ShapeDtypeStruct((N_NODES, 1), jnp.float32)),
    )


def _tc_post_body(relu, split_out, slf, a0, a1, deg, wn0, wn1, out):
    inv = 1.0 / jnp.maximum(deg[...], 1.0)
    acc = slf[...] + _DOT(a0[...] * inv, wn0[...]) + _DOT(a1[...] * inv, wn1[...])
    if relu:
        acc = jnp.maximum(acc, 0.0)
    if split_out:
        out[0] = acc[:, :128]
        out[1] = acc[:, 128:]
    else:
        out[...] = acc


def _make_tc_post(relu, split_out):
    bm = _BM
    in_specs = [
        pl.BlockSpec((bm, 256), lambda m: (m, 0)),
        pl.BlockSpec((bm, 128), lambda m: (m, 0)),
        pl.BlockSpec((bm, 128), lambda m: (m, 0)),
        pl.BlockSpec((bm, 1), lambda m: (m, 0)),
        pl.BlockSpec((128, 256), lambda m: (0, 0)),
        pl.BlockSpec((128, 256), lambda m: (0, 0)),
    ]
    if split_out:
        out_shape = jax.ShapeDtypeStruct((2, N_NODES, 128), jnp.float32)
        out_spec = pl.BlockSpec((2, bm, 128), lambda m: (0, m, 0))
    else:
        out_shape = jax.ShapeDtypeStruct((N_NODES, 256), jnp.float32)
        out_spec = pl.BlockSpec((bm, 256), lambda m: (m, 0))
    return pl.pallas_call(
        functools.partial(_tc_post_body, relu, split_out),
        grid=(N_NODES // bm,),
        in_specs=in_specs,
        out_specs=out_spec,
        out_shape=out_shape,
    )


_TC_PRE1 = _make_tc_pre(False)
_TC_PRE = _make_tc_pre(True)
_TC_POST1 = _make_tc_post1()
_TC_POST2 = _make_tc_post(True, True)
_TC_POST3 = _make_tc_post(False, False)


def kernel(x, edge_index, W_self1, W_neigh1, b1, W_self2, W_neigh2, b2,
           W_self3, W_neigh3, b3):
    n = N_NODES
    src = edge_index[0].astype(jnp.int32)
    dst = edge_index[1].astype(jnp.int32)

    pad_iota = jnp.arange(E_BUF - N_EDGES, dtype=jnp.int32)
    src_p = jnp.concatenate([src, pad_iota % N_NODES])
    dst_p = jnp.concatenate([
        dst,
        TRASH + pad_iota[:E_SCAT - N_EDGES] % (N_PAD - N_NODES),
        jnp.zeros((E_BUF - E_SCAT,), jnp.int32),
    ])
    srcx = jnp.concatenate([src_p, src_p + n])

    z128 = jnp.zeros((ROWS_PER_TILE, 128), jnp.float32)
    ones128 = jnp.ones((CHUNK, 128), jnp.float32)

    degp = _SC_DEG(dst_p, ones128, z128)
    agg1 = _SC_AGG_L1(x, src_p, dst_p, z128)
    self1 = _TC_PRE1(x, W_self1, b1.reshape(1, -1))
    h, degc = _TC_POST1(self1, agg1[:n], agg1[N_PAD:N_PAD + n],
                        degp[:n, 0:1], degp[N_PAD:N_PAD + n, 0:1], W_neigh1)
    h2 = h.reshape(2 * n, 128)

    agg2 = _SC_AGG_H(h2, srcx, dst_p, z128)
    self2 = _TC_PRE(h2[:n], h2[n:], W_self2[:128], W_self2[128:],
                    b2.reshape(1, -1))
    h = _TC_POST2(self2, agg2[:n], agg2[N_PAD:N_PAD + n], degc,
                  W_neigh2[:128], W_neigh2[128:])
    h3 = h.reshape(2 * n, 128)

    agg3 = _SC_AGG_H(h3, srcx, dst_p, z128)
    self3 = _TC_PRE(h3[:n], h3[n:], W_self3[:128], W_self3[128:],
                    b3.reshape(1, -1))
    out = _TC_POST3(self3, agg3[:n], agg3[N_PAD:N_PAD + n], degc,
                    W_neigh3[:128], W_neigh3[128:])
    return out

# --- scband reference (transcript-rebuilt; emitter-appended) ---
"""Pipeline reference for scband-sage-25013889532310 (READ-ONLY COPY).

The authoritative reference and input builder live on the scoring server;
editing this copy changes nothing except your own understanding.
"""

import jax, jax.numpy as jnp
import numpy as np

N_NODES = 10000
N_EDGES = 320000
D_IN = 128
D_HID = 256


def setup_inputs(seed: int = 0) -> dict:
    key = jax.random.key(seed)
    ks = jax.random.split(key, 12)
    x = jax.random.normal(ks[0], (N_NODES, D_IN), dtype=jnp.float32)
    edge_index = jax.random.randint(ks[1], (2, N_EDGES), 0, N_NODES, dtype=jnp.int64)
    def lin(k, fan_in, fan_out):
        s = 1.0 / np.sqrt(fan_in)
        return jax.random.uniform(k, (fan_in, fan_out), dtype=jnp.float32, minval=-s, maxval=s)
    W_self1 = lin(ks[2], D_IN, D_HID)
    W_neigh1 = lin(ks[3], D_IN, D_HID)
    b1 = jnp.zeros((D_HID,), dtype=jnp.float32)
    W_self2 = lin(ks[4], D_HID, D_HID)
    W_neigh2 = lin(ks[5], D_HID, D_HID)
    b2 = jnp.zeros((D_HID,), dtype=jnp.float32)
    W_self3 = lin(ks[6], D_HID, D_HID)
    W_neigh3 = lin(ks[7], D_HID, D_HID)
    b3 = jnp.zeros((D_HID,), dtype=jnp.float32)
    return {"x": x, "edge_index": edge_index,
            "W_self1": W_self1, "W_neigh1": W_neigh1, "b1": b1,
            "W_self2": W_self2, "W_neigh2": W_neigh2, "b2": b2,
            "W_self3": W_self3, "W_neigh3": W_neigh3, "b3": b3}


def _sage_conv_mean(x, src, dst, W_self, W_neigh, b, n_nodes):
    # DGL SAGEConv with 'mean' aggregator: fc_self(x) + fc_neigh(mean_{u in N(v)} x_u) + bias
    gathered = jnp.take(x, src, axis=0)
    agg = jax.ops.segment_sum(gathered, dst, num_segments=n_nodes)
    deg = jax.ops.segment_sum(jnp.ones((src.shape[0],), dtype=x.dtype), dst, num_segments=n_nodes)
    mean_neigh = agg / jnp.maximum(deg, 1.0)[:, None]
    return x @ W_self + mean_neigh @ W_neigh + b


def reference(x, edge_index, W_self1, W_neigh1, b1, W_self2, W_neigh2, b2, W_self3, W_neigh3, b3):
    src = edge_index[0]
    dst = edge_index[1]
    n = x.shape[0]
    h = _sage_conv_mean(x, src, dst, W_self1, W_neigh1, b1, n)
    h = jax.nn.relu(h)
    h = _sage_conv_mean(h, src, dst, W_self2, W_neigh2, b2, n)
    h = jax.nn.relu(h)
    h = _sage_conv_mean(h, src, dst, W_self3, W_neigh3, b3, n)
    return h

if __name__ == "__main__":
    import jax
    _d = setup_inputs()
    print(jax.jit(kernel)(*tuple(_d.values())))

</pallas_src>

<mosaic_0001>
#map = affine_map<(d0, d1) -> (0)>
#map1 = affine_map<(d0, d1) -> (0, 0)>
module attributes {stable_mosaic.version = 14 : i64} {
  func.func @_sc_deg_body(%arg0: i32, %arg1: i32, %arg2: memref<335872xi32, #tpu.memory_space<hbm>>, %arg3: memref<128x128xf32, #tpu.memory_space<hbm>>, %arg4: memref<640x128xf32, #tpu.memory_space<hbm>>, %arg5: memref<20480x128xf32, #tpu.memory_space<hbm>>, %arg6: memref<2x128xi32, #tpu.memory_space<vmem>>, %arg7: memref<128x128xf32, #tpu.memory_space<vmem>>, %arg8: memref<10240x128xf32, #tpu.memory_space<vmem_shared>>, %arg9: memref<!tpu.dma_semaphore, #tpu.memory_space<semaphore_mem>>, %arg10: memref<!tpu.dma_semaphore, #tpu.memory_space<semaphore_mem>>) attributes {dimension_semantics = [#tpu.dimension_semantics<core_parallel>, #tpu.dimension_semantics<subcore_parallel>], iteration_bounds = array<i64: 2, 16>, scalar_prefetch = 0 : i64, scratch_operands = 5 : i64, tpu.core_type = #tpu.core_type<sc_vector_subcore>, window_params = [{transform_indices = #map}, {transform_indices = #map1}, {transform_indices = #map1}, {transform_indices = #map1}]} {
    %mul3A = arith.constant 640 : i32
    %mul3A_0 = arith.muli %arg1, %mul3A : i32
    "tpu.region"() ({
      %run_scoped3A = tpu.sem_alloc : memref<!tpu.dma_semaphore, #tpu.memory_space<semaphore_mem>>
      %dma_start3A_62 = arith.constant 0 : i32
      %dma_start3A_63 = tpu.memref_slice %arg8[%mul3A_0, %dma_start3A_62] : memref<10240x128xf32, #tpu.memory_space<vmem_shared>> -> memref<640x128xf32, #tpu.memory_space<vmem_shared>>
      tpu.enqueue_dma source(%arg4 : memref<640x128xf32, #tpu.memory_space<hbm>>) target(%dma_start3A_63 : memref<640x128xf32, #tpu.memory_space<vmem_shared>>) target_semaphore(%run_scoped3A : memref<!tpu.dma_semaphore, #tpu.memory_space<semaphore_mem>>)
      %dma_wait3A_64 = arith.constant 0 : i32
      %dma_wait3A_65 = tpu.memref_slice %arg8[%mul3A_0, %dma_wait3A_64] : memref<10240x128xf32, #tpu.memory_space<vmem_shared>> -> memref<640x128xf32, #tpu.memory_space<vmem_shared>>
      tpu.wait_dma2 semaphore(%run_scoped3A : memref<!tpu.dma_semaphore, #tpu.memory_space<semaphore_mem>>) src(%arg4 : memref<640x128xf32, #tpu.memory_space<hbm>>) dst(%dma_wait3A_65 : memref<640x128xf32, #tpu.memory_space<vmem_shared>>)
      tpu.yield
    }) : () -> ()
    "tpu.region"() ({
      %run_scoped3A = tpu.sem_alloc : memref<!tpu.dma_semaphore, #tpu.memory_space<semaphore_mem>>
      tpu.enqueue_dma source(%arg3 : memref<128x128xf32, #tpu.memory_space<hbm>>) target(%arg7 : memref<128x128xf32, #tpu.memory_space<vmem>>) target_semaphore(%run_scoped3A : memref<!tpu.dma_semaphore, #tpu.memory_space<semaphore_mem>>)
      tpu.wait_dma2 semaphore(%run_scoped3A : memref<!tpu.dma_semaphore, #tpu.memory_space<semaphore_mem>>) src(%arg3 : memref<128x128xf32, #tpu.memory_space<hbm>>) dst(%arg7 : memref<128x128xf32, #tpu.memory_space<vmem>>)
      tpu.yield
    }) : () -> ()
    %barrier3A = arith.constant 0 : index
    tpu.barrier barrier_id(%barrier3A)
    %mul3A_1 = arith.constant 1280 : i32
    %mul3A_2 = arith.muli %arg0, %mul3A_1 : i32
    %add3A = arith.addi %mul3A_2, %arg1 : i32
    %add3A_3 = arith.constant 0 : i32
    %add3A_4 = arith.addi %add3A, %add3A_3 : i32
    %mul3A_5 = arith.constant 128 : i32
    %mul3A_6 = arith.muli %add3A_4, %mul3A_5 : i32
    %dma_start3A = arith.constant 0 : i32
    %dma_start3A_7 = arith.constant 0 : i32
    %dma_start3A_8 = tpu.memref_slice %arg6[%dma_start3A, %dma_start3A_7] : memref<2x128xi32, #tpu.memory_space<vmem>> -> memref<1x128xi32, #tpu.memory_space<vmem>>
    %dma_start3A_9 = tpu.memref_squeeze %dma_start3A_8 : memref<1x128xi32, #tpu.memory_space<vmem>> -> memref<128xi32, #tpu.memory_space<vmem>>
    %dma_start3A_10 = tpu.memref_slice %arg2[%mul3A_6] : memref<335872xi32, #tpu.memory_space<hbm>> -> memref<128xi32, #tpu.memory_space<hbm>>
    %dma_start3A_11 = arith.constant 0 : i32
    %dma_start3A_12 = tpu.memref_slice %arg6[%dma_start3A, %dma_start3A_11] : memref<2x128xi32, #tpu.memory_space<vmem>> -> memref<1x128xi32, #tpu.memory_space<vmem>>
    %dma_start3A_13 = tpu.memref_squeeze %dma_start3A_12 : memref<1x128xi32, #tpu.memory_space<vmem>> -> memref<128xi32, #tpu.memory_space<vmem>>
    %dma_start3A_14 = tpu.memref_slice %arg2[%mul3A_6] : memref<335872xi32, #tpu.memory_space<hbm>> -> memref<128xi32, #tpu.memory_space<hbm>>
    tpu.enqueue_dma source(%dma_start3A_14 : memref<128xi32, #tpu.memory_space<hbm>>) target(%dma_start3A_13 : memref<128xi32, #tpu.memory_space<vmem>>) target_semaphore(%arg9 : memref<!tpu.dma_semaphore, #tpu.memory_space<semaphore_mem>>)
    %add3A_15 = arith.constant 16 : i32
    %add3A_16 = arith.addi %add3A, %add3A_15 : i32
    %mul3A_17 = arith.constant 128 : i32
    %mul3A_18 = arith.muli %add3A_16, %mul3A_17 : i32
    %dma_start3A_19 = arith.constant 1 : i32
    %dma_start3A_20 = arith.constant 0 : i32
    %dma_start3A_21 = tpu.memref_slice %arg6[%dma_start3A_19, %dma_start3A_20] : memref<2x128xi32, #tpu.memory_space<vmem>> -> memref<1x128xi32, #tpu.memory_space<vmem>>
    %dma_start3A_22 = tpu.memref_squeeze %dma_start3A_21 : memref<1x128xi32, #tpu.memory_space<vmem>> -> memref<128xi32, #tpu.memory_space<vmem>>
    %dma_start3A_23 = tpu.memref_slice %arg2[%mul3A_18] : memref<335872xi32, #tpu.memory_space<hbm>> -> memref<128xi32, #tpu.memory_space<hbm>>
    %dma_start3A_24 = arith.constant 0 : i32
    %dma_start3A_25 = tpu.memref_slice %arg6[%dma_start3A_19, %dma_start3A_24] : memref<2x128xi32, #tpu.memory_space<vmem>> -> memref<1x128xi32, #tpu.memory_space<vmem>>
    %dma_start3A_26 = tpu.memref_squeeze %dma_start3A_25 : memref<1x128xi32, #tpu.memory_space<vmem>> -> memref<128xi32, #tpu.memory_space<vmem>>
    %dma_start3A_27 = tpu.memref_slice %arg2[%mul3A_18] : memref<335872xi32, #tpu.memory_space<hbm>> -> memref<128xi32, #tpu.memory_space<hbm>>
    tpu.enqueue_dma source(%dma_start3A_27 : memref<128xi32, #tpu.memory_space<hbm>>) target(%dma_start3A_26 : memref<128xi32, #tpu.memory_space<vmem>>) target_semaphore(%arg10 : memref<!tpu.dma_semaphore, #tpu.memory_space<semaphore_mem>>)
    %scan3A = arith.constant 0 : i32
    %scan3A_28 = arith.constant 0 : i32
    %scan3A_29 = arith.constant 40 : i32
    %scan3A_30 = arith.addi %scan3A_28, %scan3A_29 : i32
    %scan3A_31 = arith.constant 1 : i32
    scf.for %scan3A_62 = %scan3A_28 to %scan3A_30 step %scan3A_31  : i32 {
      %mul3A_63 = arith.constant 2 : i32
      %mul3A_64 = arith.muli %mul3A_63, %scan3A_62 : i32
      %dma_wait3A_65 = arith.constant 0 : i32
      %dma_wait3A_66 = arith.constant 0 : i32
      %dma_wait3A_67 = tpu.memref_slice %arg6[%dma_wait3A_65, %dma_wait3A_66] : memref<2x128xi32, #tpu.memory_space<vmem>> -> memref<1x128xi32, #tpu.memory_space<vmem>>
      %dma_wait3A_68 = tpu.memref_squeeze %dma_wait3A_67 : memref<1x128xi32, #tpu.memory_space<vmem>> -> memref<128xi32, #tpu.memory_space<vmem>>
      %dma_wait3A_69 = arith.constant 0 : i32
      %dma_wait3A_70 = tpu.memref_slice %arg2[%dma_wait3A_69] : memref<335872xi32, #tpu.memory_space<hbm>> -> memref<128xi32, #tpu.memory_space<hbm>>
      %dma_wait3A_71 = arith.constant 0 : i32
      %dma_wait3A_72 = tpu.memref_slice %arg6[%dma_wait3A_65, %dma_wait3A_71] : memref<2x128xi32, #tpu.memory_space<vmem>> -> memref<1x128xi32, #tpu.memory_space<vmem>>
      %dma_wait3A_73 = tpu.memref_squeeze %dma_wait3A_72 : memref<1x128xi32, #tpu.memory_space<vmem>> -> memref<128xi32, #tpu.memory_space<vmem>>
      %dma_wait3A_74 = arith.constant 0 : i32
      %dma_wait3A_75 = tpu.memref_slice %arg2[%dma_wait3A_74] : memref<335872xi32, #tpu.memory_space<hbm>> -> memref<128xi32, #tpu.memory_space<hbm>>
      tpu.wait_dma2 semaphore(%arg9 : memref<!tpu.dma_semaphore, #tpu.memory_space<semaphore_mem>>) src(%dma_wait3A_75 : memref<128xi32, #tpu.memory_space<hbm>>) dst(%dma_wait3A_73 : memref<128xi32, #tpu.memory_space<vmem>>)
      %run_scoped3A = arith.constant 0 : i32
      "tpu.region"() ({
        %run_scoped3A_120 = tpu.sem_alloc : memref<!tpu.dma_semaphore, #tpu.memory_space<semaphore_mem>>
        %dma_start3A_121 = arith.constant 0 : i32
        %dma_start3A_122 = tpu.memref_slice %arg6[%run_scoped3A, %dma_start3A_121] : memref<2x128xi32, #tpu.memory_space<vmem>> -> memref<1x128xi32, #tpu.memory_space<vmem>>
        %dma_start3A_123 = tpu.memref_squeeze %dma_start3A_122 : memref<1x128xi32, #tpu.memory_space<vmem>> -> memref<128xi32, #tpu.memory_space<vmem>>
        %dma_start3A_124 = arith.constant 0 : i32
        %dma_start3A_125 = arith.constant 0 : i32
        %dma_start3A_126 = tpu.memref_slice %arg8[%dma_start3A_124, %dma_start3A_125] : memref<10240x128xf32, #tpu.memory_space<vmem_shared>> -> memref<10240x128xf32, #tpu.memory_space<vmem_shared>>
        tpu.enqueue_indirect_dma source(%arg7 : memref<128x128xf32, #tpu.memory_space<vmem>>) target(%dma_start3A_126 : memref<10240x128xf32, #tpu.memory_space<vmem_shared>>) offsets(%dma_start3A_123 : memref<128xi32, #tpu.memory_space<vmem>>) semaphore(%run_scoped3A_120 : memref<!tpu.dma_semaphore, #tpu.memory_space<semaphore_mem>>) {add = true}
        %dma_wait3A_127 = arith.constant 0 : i32
        %dma_wait3A_128 = tpu.memref_slice %arg6[%run_scoped3A, %dma_wait3A_127] : memref<2x128xi32, #tpu.memory_space<vmem>> -> memref<1x128xi32, #tpu.memory_space<vmem>>
        %dma_wait3A_129 = tpu.memref_squeeze %dma_wait3A_128 : memref<1x128xi32, #tpu.memory_space<vmem>> -> memref<128xi32, #tpu.memory_space<vmem>>
        %dma_wait3A_130 = arith.constant 0 : i32
        %dma_wait3A_131 = arith.constant 0 : i32
        %dma_wait3A_132 = tpu.memref_slice %arg8[%dma_wait3A_130, %dma_wait3A_131] : memref<10240x128xf32, #tpu.memory_space<vmem_shared>> -> memref<10240x128xf32, #tpu.memory_space<vmem_shared>>
        tpu.wait_indirect_dma semaphore(%run_scoped3A_120 : memref<!tpu.dma_semaphore, #tpu.memory_space<semaphore_mem>>) src(%arg7 : memref<128x128xf32, #tpu.memory_space<vmem>>) dst(%dma_wait3A_132 : memref<10240x128xf32, #tpu.memory_space<vmem_shared>>)
        tpu.yield
      }) : () -> ()
      %add3A_76 = arith.constant 2 : i32
      %add3A_77 = arith.addi %mul3A_64, %add3A_76 : i32
      %mul3A_78 = arith.constant 16 : i32
      %mul3A_79 = arith.muli %add3A_77, %mul3A_78 : i32
      %add3A_80 = arith.addi %add3A, %mul3A_79 : i32
      %mul3A_81 = arith.constant 128 : i32
      %mul3A_82 = arith.muli %add3A_80, %mul3A_81 : i32
      %dma_start3A_83 = arith.constant 0 : i32
      %dma_start3A_84 = arith.constant 0 : i32
      %dma_start3A_85 = tpu.memref_slice %arg6[%dma_start3A_83, %dma_start3A_84] : memref<2x128xi32, #tpu.memory_space<vmem>> -> memref<1x128xi32, #tpu.memory_space<vmem>>
      %dma_start3A_86 = tpu.memref_squeeze %dma_start3A_85 : memref<1x128xi32, #tpu.memory_space<vmem>> -> memref<128xi32, #tpu.memory_space<vmem>>
      %dma_start3A_87 = tpu.memref_slice %arg2[%mul3A_82] : memref<335872xi32, #tpu.memory_space<hbm>> -> memref<128xi32, #tpu.memory_space<hbm>>
      %dma_start3A_88 = arith.constant 0 : i32
      %dma_start3A_89 = tpu.memref_slice %arg6[%dma_start3A_83, %dma_start3A_88] : memref<2x128xi32, #tpu.memory_space<vmem>> -> memref<1x128xi32, #tpu.memory_space<vmem>>
      %dma_start3A_90 = tpu.memref_squeeze %dma_start3A_89 : memref<1x128xi32, #tpu.memory_space<vmem>> -> memref<128xi32, #tpu.memory_space<vmem>>
      %dma_start3A_91 = tpu.memref_slice %arg2[%mul3A_82] : memref<335872xi32, #tpu.memory_space<hbm>> -> memref<128xi32, #tpu.memory_space<hbm>>
      tpu.enqueue_dma source(%dma_start3A_91 : memref<128xi32, #tpu.memory_space<hbm>>) target(%dma_start3A_90 : memref<128xi32, #tpu.memory_space<vmem>>) target_semaphore(%arg9 : memref<!tpu.dma_semaphore, #tpu.memory_space<semaphore_mem>>)
      %dma_wait3A_92 = arith.constant 1 : i32
      %dma_wait3A_93 = arith.constant 0 : i32
      %dma_wait3A_94 = tpu.memref_slice %arg6[%dma_wait3A_92, %dma_wait3A_93] : memref<2x128xi32, #tpu.memory_space<vmem>> -> memref<1x128xi32, #tpu.memory_space<vmem>>
      %dma_wait3A_95 = tpu.memref_squeeze %dma_wait3A_94 : memref<1x128xi32, #tpu.memory_space<vmem>> -> memref<128xi32, #tpu.memory_space<vmem>>
      %dma_wait3A_96 = arith.constant 0 : i32
      %dma_wait3A_97 = tpu.memref_slice %arg2[%dma_wait3A_96] : memref<335872xi32, #tpu.memory_space<hbm>> -> memref<128xi32, #tpu.memory_space<hbm>>
      %dma_wait3A_98 = arith.constant 0 : i32
      %dma_wait3A_99 = tpu.memref_slice %arg6[%dma_wait3A_92, %dma_wait3A_98] : memref<2x128xi32, #tpu.memory_space<vmem>> -> memref<1x128xi32, #tpu.memory_space<vmem>>
      %dma_wait3A_100 = tpu.memref_squeeze %dma_wait3A_99 : memref<1x128xi32, #tpu.memory_space<vmem>> -> memref<128xi32, #tpu.memory_space<vmem>>
      %dma_wait3A_101 = arith.constant 0 : i32
      %dma_wait3A_102 = tpu.memref_slice %arg2[%dma_wait3A_101] : memref<335872xi32, #tpu.memory_space<hbm>> -> memref<128xi32, #tpu.memory_space<hbm>>
      tpu.wait_dma2 semaphore(%arg10 : memref<!tpu.dma_semaphore, #tpu.memory_space<semaphore_mem>>) src(%dma_wait3A_102 : memref<128xi32, #tpu.memory_space<hbm>>) dst(%dma_wait3A_100 : memref<128xi32, #tpu.memory_space<vmem>>)
      %run_scoped3A_103 = arith.constant 1 : i32
      "tpu.region"() ({
        %run_scoped3A_120 = tpu.sem_alloc : memref<!tpu.dma_semaphore, #tpu.memory_space<semaphore_mem>>
        %dma_start3A_121 = arith.constant 0 : i32
        %dma_start3A_122 = tpu.memref_slice %arg6[%run_scoped3A_103, %dma_start3A_121] : memref<2x128xi32, #tpu.memory_space<vmem>> -> memref<1x128xi32, #tpu.memory_space<vmem>>
        %dma_start3A_123 = tpu.memref_squeeze %dma_start3A_122 : memref<1x128xi32, #tpu.memory_space<vmem>> -> memref<128xi32, #tpu.memory_space<vmem>>
        %dma_start3A_124 = arith.constant 0 : i32
        %dma_start3A_125 = arith.constant 0 : i32
        %dma_start3A_126 = tpu.memref_slice %arg8[%dma_start3A_124, %dma_start3A_125] : memref<10240x128xf32, #tpu.memory_space<vmem_shared>> -> memref<10240x128xf32, #tpu.memory_space<vmem_shared>>
        tpu.enqueue_indirect_dma source(%arg7 : memref<128x128xf32, #tpu.memory_space<vmem>>) target(%dma_start3A_126 : memref<10240x128xf32, #tpu.memory_space<vmem_shared>>) offsets(%dma_start3A_123 : memref<128xi32, #tpu.memory_space<vmem>>) semaphore(%run_scoped3A_120 : memref<!tpu.dma_semaphore, #tpu.memory_space<semaphore_mem>>) {add = true}
        %dma_wait3A_127 = arith.constant 0 : i32
        %dma_wait3A_128 = tpu.memref_slice %arg6[%run_scoped3A_103, %dma_wait3A_127] : memref<2x128xi32, #tpu.memory_space<vmem>> -> memref<1x128xi32, #tpu.memory_space<vmem>>
        %dma_wait3A_129 = tpu.memref_squeeze %dma_wait3A_128 : memref<1x128xi32, #tpu.memory_space<vmem>> -> memref<128xi32, #tpu.memory_space<vmem>>
        %dma_wait3A_130 = arith.constant 0 : i32
        %dma_wait3A_131 = arith.constant 0 : i32
        %dma_wait3A_132 = tpu.memref_slice %arg8[%dma_wait3A_130, %dma_wait3A_131] : memref<10240x128xf32, #tpu.memory_space<vmem_shared>> -> memref<10240x128xf32, #tpu.memory_space<vmem_shared>>
        tpu.wait_indirect_dma semaphore(%run_scoped3A_120 : memref<!tpu.dma_semaphore, #tpu.memory_space<semaphore_mem>>) src(%arg7 : memref<128x128xf32, #tpu.memory_space<vmem>>) dst(%dma_wait3A_132 : memref<10240x128xf32, #tpu.memory_space<vmem_shared>>)
        tpu.yield
      }) : () -> ()
      %add3A_104 = arith.constant 3 : i32
      %add3A_105 = arith.addi %mul3A_64, %add3A_104 : i32
      %mul3A_106 = arith.constant 16 : i32
      %mul3A_107 = arith.muli %add3A_105, %mul3A_106 : i32
      %add3A_108 = arith.addi %add3A, %mul3A_107 : i32
      %mul3A_109 = arith.constant 128 : i32
      %mul3A_110 = arith.muli %add3A_108, %mul3A_109 : i32
      %dma_start3A_111 = arith.constant 1 : i32
      %dma_start3A_112 = arith.constant 0 : i32
      %dma_start3A_113 = tpu.memref_slice %arg6[%dma_start3A_111, %dma_start3A_112] : memref<2x128xi32, #tpu.memory_space<vmem>> -> memref<1x128xi32, #tpu.memory_space<vmem>>
      %dma_start3A_114 = tpu.memref_squeeze %dma_start3A_113 : memref<1x128xi32, #tpu.memory_space<vmem>> -> memref<128xi32, #tpu.memory_space<vmem>>
      %dma_start3A_115 = tpu.memref_slice %arg2[%mul3A_110] : memref<335872xi32, #tpu.memory_space<hbm>> -> memref<128xi32, #tpu.memory_space<hbm>>
      %dma_start3A_116 = arith.constant 0 : i32
      %dma_start3A_117 = tpu.memref_slice %arg6[%dma_start3A_111, %dma_start3A_116] : memref<2x128xi32, #tpu.memory_space<vmem>> -> memref<1x128xi32, #tpu.memory_space<vmem>>
      %dma_start3A_118 = tpu.memref_squeeze %dma_start3A_117 : memref<1x128xi32, #tpu.memory_space<vmem>> -> memref<128xi32, #tpu.memory_space<vmem>>
      %dma_start3A_119 = tpu.memref_slice %arg2[%mul3A_110] : memref<335872xi32, #tpu.memory_space<hbm>> -> memref<128xi32, #tpu.memory_space<hbm>>
      tpu.enqueue_dma source(%dma_start3A_119 : memref<128xi32, #tpu.memory_space<hbm>>) target(%dma_start3A_118 : memref<128xi32, #tpu.memory_space<vmem>>) target_semaphore(%arg10 : memref<!tpu.dma_semaphore, #tpu.memory_space<semaphore_mem>>)
    }
    %scan3A_32 = arith.constant 40 : i32
    %dma_wait3A = arith.constant 0 : i32
    %dma_wait3A_33 = arith.constant 0 : i32
    %dma_wait3A_34 = tpu.memref_slice %arg6[%dma_wait3A, %dma_wait3A_33] : memref<2x128xi32, #tpu.memory_space<vmem>> -> memref<1x128xi32, #tpu.memory_space<vmem>>
    %dma_wait3A_35 = tpu.memref_squeeze %dma_wait3A_34 : memref<1x128xi32, #tpu.memory_space<vmem>> -> memref<128xi32, #tpu.memory_space<vmem>>
    %dma_wait3A_36 = arith.constant 0 : i32
    %dma_wait3A_37 = tpu.memref_slice %arg2[%dma_wait3A_36] : memref<335872xi32, #tpu.memory_space<hbm>> -> memref<128xi32, #tpu.memory_space<hbm>>
    %dma_wait3A_38 = arith.constant 0 : i32
    %dma_wait3A_39 = tpu.memref_slice %arg6[%dma_wait3A, %dma_wait3A_38] : memref<2x128xi32, #tpu.memory_space<vmem>> -> memref<1x128xi32, #tpu.memory_space<vmem>>
    %dma_wait3A_40 = tpu.memref_squeeze %dma_wait3A_39 : memref<1x128xi32, #tpu.memory_space<vmem>> -> memref<128xi32, #tpu.memory_space<vmem>>
    %dma_wait3A_41 = arith.constant 0 : i32
    %dma_wait3A_42 = tpu.memref_slice %arg2[%dma_wait3A_41] : memref<335872xi32, #tpu.memory_space<hbm>> -> memref<128xi32, #tpu.memory_space<hbm>>
    tpu.wait_dma2 semaphore(%arg9 : memref<!tpu.dma_semaphore, #tpu.memory_space<semaphore_mem>>) src(%dma_wait3A_42 : memref<128xi32, #tpu.memory_space<hbm>>) dst(%dma_wait3A_40 : memref<128xi32, #tpu.memory_space<vmem>>)
    %dma_wait3A_43 = arith.constant 1 : i32
    %dma_wait3A_44 = arith.constant 0 : i32
    %dma_wait3A_45 = tpu.memref_slice %arg6[%dma_wait3A_43, %dma_wait3A_44] : memref<2x128xi32, #tpu.memory_space<vmem>> -> memref<1x128xi32, #tpu.memory_space<vmem>>
    %dma_wait3A_46 = tpu.memref_squeeze %dma_wait3A_45 : memref<1x128xi32, #tpu.memory_space<vmem>> -> memref<128xi32, #tpu.memory_space<vmem>>
    %dma_wait3A_47 = arith.constant 0 : i32
    %dma_wait3A_48 = tpu.memref_slice %arg2[%dma_wait3A_47] : memref<335872xi32, #tpu.memory_space<hbm>> -> memref<128xi32, #tpu.memory_space<hbm>>
    %dma_wait3A_49 = arith.constant 0 : i32
    %dma_wait3A_50 = tpu.memref_slice %arg6[%dma_wait3A_43, %dma_wait3A_49] : memref<2x128xi32, #tpu.memory_space<vmem>> -> memref<1x128xi32, #tpu.memory_space<vmem>>
    %dma_wait3A_51 = tpu.memref_squeeze %dma_wait3A_50 : memref<1x128xi32, #tpu.memory_space<vmem>> -> memref<128xi32, #tpu.memory_space<vmem>>
    %dma_wait3A_52 = arith.constant 0 : i32
    %dma_wait3A_53 = tpu.memref_slice %arg2[%dma_wait3A_52] : memref<335872xi32, #tpu.memory_space<hbm>> -> memref<128xi32, #tpu.memory_space<hbm>>
    tpu.wait_dma2 semaphore(%arg10 : memref<!tpu.dma_semaphore, #tpu.memory_space<semaphore_mem>>) src(%dma_wait3A_53 : memref<128xi32, #tpu.memory_space<hbm>>) dst(%dma_wait3A_51 : memref<128xi32, #tpu.memory_space<vmem>>)
    %barrier3A_54 = arith.constant 0 : index
    tpu.barrier barrier_id(%barrier3A_54)
    %mul3A_55 = arith.constant 10240 : i32
    %mul3A_56 = arith.muli %arg0, %mul3A_55 : i32
    %mul3A_57 = arith.constant 640 : i32
    %mul3A_58 = arith.muli %arg1, %mul3A_57 : i32
    %add3A_59 = arith.addi %mul3A_56, %mul3A_58 : i32
    %mul3A_60 = arith.constant 640 : i32
    %mul3A_61 = arith.muli %arg1, %mul3A_60 : i32
    "tpu.region"() ({
      %run_scoped3A = tpu.sem_alloc : memref<!tpu.dma_semaphore, #tpu.memory_space<semaphore_mem>>
      %dma_start3A_62 = arith.constant 0 : i32
      %dma_start3A_63 = tpu.memref_slice %arg5[%add3A_59, %dma_start3A_62] : memref<20480x128xf32, #tpu.memory_space<hbm>> -> memref<640x128xf32, #tpu.memory_space<hbm>>
      %dma_start3A_64 = arith.constant 0 : i32
      %dma_start3A_65 = tpu.memref_slice %arg8[%mul3A_61, %dma_start3A_64] : memref<10240x128xf32, #tpu.memory_space<vmem_shared>> -> memref<640x128xf32, #tpu.memory_space<vmem_shared>>
      tpu.enqueue_dma source(%dma_start3A_65 : memref<640x128xf32, #tpu.memory_space<vmem_shared>>) target(%dma_start3A_63 : memref<640x128xf32, #tpu.memory_space<hbm>>) target_semaphore(%run_scoped3A : memref<!tpu.dma_semaphore, #tpu.memory_space<semaphore_mem>>)
      %dma_wait3A_66 = arith.constant 0 : i32
      %dma_wait3A_67 = tpu.memref_slice %arg5[%add3A_59, %dma_wait3A_66] : memref<20480x128xf32, #tpu.memory_space<hbm>> -> memref<640x128xf32, #tpu.memory_space<hbm>>
      %dma_wait3A_68 = arith.constant 0 : i32
      %dma_wait3A_69 = tpu.memref_slice %arg8[%mul3A_61, %dma_wait3A_68] : memref<10240x128xf32, #tpu.memory_space<vmem_shared>> -> memref<640x128xf32, #tpu.memory_space<vmem_shared>>
      tpu.wait_dma2 semaphore(%run_scoped3A : memref<!tpu.dma_semaphore, #tpu.memory_space<semaphore_mem>>) src(%dma_wait3A_69 : memref<640x128xf32, #tpu.memory_space<vmem_shared>>) dst(%dma_wait3A_67 : memref<640x128xf32, #tpu.memory_space<hbm>>)
      tpu.yield
    }) : () -> ()
    return
  }
}

#map = affine_map<(d0, d1) -> (0, 0)>
#map1 = affine_map<(d0, d1) -> (0)>
module attributes {stable_mosaic.version = 14 : i64} {
  func.func @body(%arg0: i32, %arg1: i32, %arg2: memref<10000x128xf32, #tpu.memory_space<hbm>>, %arg3: memref<335872xi32, #tpu.memory_space<hbm>>, %arg4: memref<335872xi32, #tpu.memory_space<hbm>>, %arg5: memref<640x128xf32, #tpu.memory_space<hbm>>, %arg6: memref<20480x128xf32, #tpu.memory_space<hbm>>, %arg7: memref<2x128xi32, #tpu.memory_space<vmem>>, %arg8: memref<2x128xi32, #tpu.memory_space<vmem>>, %arg9: memref<2x128x128xf32, #tpu.memory_space<vmem>>, %arg10: memref<10240x128xf32, #tpu.memory_space<vmem_shared>>, %arg11: memref<!tpu.dma_semaphore, #tpu.memory_space<semaphore_mem>>, %arg12: memref<!tpu.dma_semaphore, #tpu.memory_space<semaphore_mem>>, %arg13: memref<!tpu.dma_semaphore, #tpu.memory_space<semaphore_mem>>, %arg14: memref<!tpu.dma_semaphore, #tpu.memory_space<semaphore_mem>>) attributes {dimension_semantics = [#tpu.dimension_semantics<core_parallel>, #tpu.dimension_semantics<subcore_parallel>], iteration_bounds = array<i64: 2, 16>, scalar_prefetch = 0 : i64, scratch_operands = 8 : i64, tpu.core_type = #tpu.core_type<sc_vector_subcore>, window_params = [{transform_indices = #map}, {transform_indices = #map1}, {transform_indices = #map1}, {transform_indices = #map}, {transform_indices = #map}]} {
    %mul3A = arith.constant 640 : i32
    %mul3A_0 = arith.muli %arg1, %mul3A : i32
    "tpu.region"() ({
      %run_scoped3A = tpu.sem_alloc : memref<!tpu.dma_semaphore, #tpu.memory_space<semaphore_mem>>
      %dma_start3A_130 = arith.constant 0 : i32
      %dma_start3A_131 = tpu.memref_slice %arg10[%mul3A_0, %dma_start3A_130] : memref<10240x128xf32, #tpu.memory_space<vmem_shared>> -> memref<640x128xf32, #tpu.memory_space<vmem_shared>>
      tpu.enqueue_dma source(%arg5 : memref<640x128xf32, #tpu.memory_space<hbm>>) target(%dma_start3A_131 : memref<640x128xf32, #tpu.memory_space<vmem_shared>>) target_semaphore(%run_scoped3A : memref<!tpu.dma_semaphore, #tpu.memory_space<semaphore_mem>>)
      %dma_wait3A_132 = arith.constant 0 : i32
      %dma_wait3A_133 = tpu.memref_slice %arg10[%mul3A_0, %dma_wait3A_132] : memref<10240x128xf32, #tpu.memory_space<vmem_shared>> -> memref<640x128xf32, #tpu.memory_space<vmem_shared>>
      tpu.wait_dma2 semaphore(%run_scoped3A : memref<!tpu.dma_semaphore, #tpu.memory_space<semaphore_mem>>) src(%arg5 : memref<640x128xf32, #tpu.memory_space<hbm>>) dst(%dma_wait3A_133 : memref<640x128xf32, #tpu.memory_space<vmem_shared>>)
      tpu.yield
    }) : () -> ()
    %barrier3A = arith.constant 0 : index
    tpu.barrier barrier_id(%barrier3A)
    %mul3A_1 = arith.constant 1280 : i32
    %mul3A_2 = arith.muli %arg0, %mul3A_1 : i32
    %add3A = arith.addi %mul3A_2, %arg1 : i32
    %add3A_3 = arith.constant 0 : i32
    %add3A_4 = arith.addi %add3A, %add3A_3 : i32
    %mul3A_5 = arith.constant 128 : i32
    %mul3A_6 = arith.muli %add3A_4, %mul3A_5 : i32
    %add3A_7 = arith.constant 0 : i32
    %add3A_8 = arith.addi %add3A_7, %mul3A_6 : i32
    %dma_start3A = arith.constant 0 : i32
    %dma_start3A_9 = arith.constant 0 : i32
    %dma_start3A_10 = tpu.memref_slice %arg7[%dma_start3A, %dma_start3A_9] : memref<2x128xi32, #tpu.memory_space<vmem>> -> memref<1x128xi32, #tpu.memory_space<vmem>>
    %dma_start3A_11 = tpu.memref_squeeze %dma_start3A_10 : memref<1x128xi32, #tpu.memory_space<vmem>> -> memref<128xi32, #tpu.memory_space<vmem>>
    %dma_start3A_12 = tpu.memref_slice %arg3[%add3A_8] : memref<335872xi32, #tpu.memory_space<hbm>> -> memref<128xi32, #tpu.memory_space<hbm>>
    %dma_start3A_13 = arith.constant 0 : i32
    %dma_start3A_14 = tpu.memref_slice %arg7[%dma_start3A, %dma_start3A_13] : memref<2x128xi32, #tpu.memory_space<vmem>> -> memref<1x128xi32, #tpu.memory_space<vmem>>
    %dma_start3A_15 = tpu.memref_squeeze %dma_start3A_14 : memref<1x128xi32, #tpu.memory_space<vmem>> -> memref<128xi32, #tpu.memory_space<vmem>>
    %dma_start3A_16 = tpu.memref_slice %arg3[%add3A_8] : memref<335872xi32, #tpu.memory_space<hbm>> -> memref<128xi32, #tpu.memory_space<hbm>>
    tpu.enqueue_dma source(%dma_start3A_16 : memref<128xi32, #tpu.memory_space<hbm>>) target(%dma_start3A_15 : memref<128xi32, #tpu.memory_space<vmem>>) target_semaphore(%arg11 : memref<!tpu.dma_semaphore, #tpu.memory_space<semaphore_mem>>)
    %dma_start3A_17 = arith.constant 0 : i32
    %dma_start3A_18 = arith.constant 0 : i32
    %dma_start3A_19 = tpu.memref_slice %arg8[%dma_start3A_17, %dma_start3A_18] : memref<2x128xi32, #tpu.memory_space<vmem>> -> memref<1x128xi32, #tpu.memory_space<vmem>>
    %dma_start3A_20 = tpu.memref_squeeze %dma_start3A_19 : memref<1x128xi32, #tpu.memory_space<vmem>> -> memref<128xi32, #tpu.memory_space<vmem>>
    %dma_start3A_21 = tpu.memref_slice %arg4[%mul3A_6] : memref<335872xi32, #tpu.memory_space<hbm>> -> memref<128xi32, #tpu.memory_space<hbm>>
    %dma_start3A_22 = arith.constant 0 : i32
    %dma_start3A_23 = tpu.memref_slice %arg8[%dma_start3A_17, %dma_start3A_22] : memref<2x128xi32, #tpu.memory_space<vmem>> -> memref<1x128xi32, #tpu.memory_space<vmem>>
    %dma_start3A_24 = tpu.memref_squeeze %dma_start3A_23 : memref<1x128xi32, #tpu.memory_space<vmem>> -> memref<128xi32, #tpu.memory_space<vmem>>
    %dma_start3A_25 = tpu.memref_slice %arg4[%mul3A_6] : memref<335872xi32, #tpu.memory_space<hbm>> -> memref<128xi32, #tpu.memory_space<hbm>>
    tpu.enqueue_dma source(%dma_start3A_25 : memref<128xi32, #tpu.memory_space<hbm>>) target(%dma_start3A_24 : memref<128xi32, #tpu.memory_space<vmem>>) target_semaphore(%arg11 : memref<!tpu.dma_semaphore, #tpu.memory_space<semaphore_mem>>)
    %add3A_26 = arith.constant 16 : i32
    %add3A_27 = arith.addi %add3A, %add3A_26 : i32
    %mul3A_28 = arith.constant 128 : i32
    %mul3A_29 = arith.muli %add3A_27, %mul3A_28 : i32
    %add3A_30 = arith.constant 0 : i32
    %add3A_31 = arith.addi %add3A_30, %mul3A_29 : i32
    %dma_start3A_32 = arith.constant 1 : i32
    %dma_start3A_33 = arith.constant 0 : i32
    %dma_start3A_34 = tpu.memref_slice %arg7[%dma_start3A_32, %dma_start3A_33] : memref<2x128xi32, #tpu.memory_space<vmem>> -> memref<1x128xi32, #tpu.memory_space<vmem>>
    %dma_start3A_35 = tpu.memref_squeeze %dma_start3A_34 : memref<1x128xi32, #tpu.memory_space<vmem>> -> memref<128xi32, #tpu.memory_space<vmem>>
    %dma_start3A_36 = tpu.memref_slice %arg3[%add3A_31] : memref<335872xi32, #tpu.memory_space<hbm>> -> memref<128xi32, #tpu.memory_space<hbm>>
    %dma_start3A_37 = arith.constant 0 : i32
    %dma_start3A_38 = tpu.memref_slice %arg7[%dma_start3A_32, %dma_start3A_37] : memref<2x128xi32, #tpu.memory_space<vmem>> -> memref<1x128xi32, #tpu.memory_space<vmem>>
    %dma_start3A_39 = tpu.memref_squeeze %dma_start3A_38 : memref<1x128xi32, #tpu.memory_space<vmem>> -> memref<128xi32, #tpu.memory_space<vmem>>
    %dma_start3A_40 = tpu.memref_slice %arg3[%add3A_31] : memref<335872xi32, #tpu.memory_space<hbm>> -> memref<128xi32, #tpu.memory_space<hbm>>
    tpu.enqueue_dma source(%dma_start3A_40 : memref<128xi32, #tpu.memory_space<hbm>>) target(%dma_start3A_39 : memref<128xi32, #tpu.memory_space<vmem>>) target_semaphore(%arg12 : memref<!tpu.dma_semaphore, #tpu.memory_space<semaphore_mem>>)
    %dma_start3A_41 = arith.constant 1 : i32
    %dma_start3A_42 = arith.constant 0 : i32
    %dma_start3A_43 = tpu.memref_slice %arg8[%dma_start3A_41, %dma_start3A_42] : memref<2x128xi32, #tpu.memory_space<vmem>> -> memref<1x128xi32, #tpu.memory_space<vmem>>
    %dma_start3A_44 = tpu.memref_squeeze %dma_start3A_43 : memref<1x128xi32, #tpu.memory_space<vmem>> -> memref<128xi32, #tpu.memory_space<vmem>>
    %dma_start3A_45 = tpu.memref_slice %arg4[%mul3A_29] : memref<335872xi32, #tpu.memory_space<hbm>> -> memref<128xi32, #tpu.memory_space<hbm>>
    %dma_start3A_46 = arith.constant 0 : i32
    %dma_start3A_47 = tpu.memref_slice %arg8[%dma_start3A_41, %dma_start3A_46] : memref<2x128xi32, #tpu.memory_space<vmem>> -> memref<1x128xi32, #tpu.memory_space<vmem>>
    %dma_start3A_48 = tpu.memref_squeeze %dma_start3A_47 : memref<1x128xi32, #tpu.memory_space<vmem>> -> memref<128xi32, #tpu.memory_space<vmem>>
    %dma_start3A_49 = tpu.memref_slice %arg4[%mul3A_29] : memref<335872xi32, #tpu.memory_space<hbm>> -> memref<128xi32, #tpu.memory_space<hbm>>
    tpu.enqueue_dma source(%dma_start3A_49 : memref<128xi32, #tpu.memory_space<hbm>>) target(%dma_start3A_48 : memref<128xi32, #tpu.memory_space<vmem>>) target_semaphore(%arg12 : memref<!tpu.dma_semaphore, #tpu.memory_space<semaphore_mem>>)
    %dma_wait3A = arith.constant 0 : i32
    %dma_wait3A_50 = arith.constant 0 : i32
    %dma_wait3A_51 = tpu.memref_slice %arg7[%dma_wait3A, %dma_wait3A_50] : memref<2x128xi32, #tpu.memory_space<vmem>> -> memref<1x128xi32, #tpu.memory_space<vmem>>
    %dma_wait3A_52 = tpu.memref_squeeze %dma_wait3A_51 : memref<1x128xi32, #tpu.memory_space<vmem>> -> memref<128xi32, #tpu.memory_space<vmem>>
    %dma_wait3A_53 = arith.constant 0 : i32
    %dma_wait3A_54 = tpu.memref_slice %arg3[%dma_wait3A_53] : memref<335872xi32, #tpu.memory_space<hbm>> -> memref<128xi32, #tpu.memory_space<hbm>>
    %dma_wait3A_55 = arith.constant 0 : i32
    %dma_wait3A_56 = tpu.memref_slice %arg7[%dma_wait3A, %dma_wait3A_55] : memref<2x128xi32, #tpu.memory_space<vmem>> -> memref<1x128xi32, #tpu.memory_space<vmem>>
    %dma_wait3A_57 = tpu.memref_squeeze %dma_wait3A_56 : memref<1x128xi32, #tpu.memory_space<vmem>> -> memref<128xi32, #tpu.memory_space<vmem>>
    %dma_wait3A_58 = arith.constant 0 : i32
    %dma_wait3A_59 = tpu.memref_slice %arg3[%dma_wait3A_58] : memref<335872xi32, #tpu.memory_space<hbm>> -> memref<128xi32, #tpu.memory_space<hbm>>
    tpu.wait_dma2 semaphore(%arg11 : memref<!tpu.dma_semaphore, #tpu.memory_space<semaphore_mem>>) src(%dma_wait3A_59 : memref<128xi32, #tpu.memory_space<hbm>>) dst(%dma_wait3A_57 : memref<128xi32, #tpu.memory_space<vmem>>)
    %dma_wait3A_60 = arith.constant 0 : i32
    %dma_wait3A_61 = arith.constant 0 : i32
    %dma_wait3A_62 = tpu.memref_slice %arg8[%dma_wait3A_60, %dma_wait3A_61] : memref<2x128xi32, #tpu.memory_space<vmem>> -> memref<1x128xi32, #tpu.memory_space<vmem>>
    %dma_wait3A_63 = tpu.memref_squeeze %dma_wait3A_62 : memref<1x128xi32, #tpu.memory_space<vmem>> -> memref<128xi32, #tpu.memory_space<vmem>>
    %dma_wait3A_64 = arith.constant 0 : i32
    %dma_wait3A_65 = tpu.memref_slice %arg4[%dma_wait3A_64] : memref<335872xi32, #tpu.memory_space<hbm>> -> memref<128xi32, #tpu.memory_space<hbm>>
    %dma_wait3A_66 = arith.constant 0 : i32
    %dma_wait3A_67 = tpu.memref_slice %arg8[%dma_wait3A_60, %dma_wait3A_66] : memref<2x128xi32, #tpu.memory_space<vmem>> -> memref<1x128xi32, #tpu.memory_space<vmem>>
    %dma_wait3A_68 = tpu.memref_squeeze %dma_wait3A_67 : memref<1x128xi32, #tpu.memory_space<vmem>> -> memref<128xi32, #tpu.memory_space<vmem>>
    %dma_wait3A_69 = arith.constant 0 : i32
    %dma_wait3A_70 = tpu.memref_slice %arg4[%dma_wait3A_69] : memref<335872xi32, #tpu.memory_space<hbm>> -> memref<128xi32, #tpu.memory_space<hbm>>
    tpu.wait_dma2 semaphore(%arg11 : memref<!tpu.dma_semaphore, #tpu.memory_space<semaphore_mem>>) src(%dma_wait3A_70 : memref<128xi32, #tpu.memory_space<hbm>>) dst(%dma_wait3A_68 : memref<128xi32, #tpu.memory_space<vmem>>)
    %dma_start3A_71 = arith.constant 0 : i32
    %dma_start3A_72 = arith.constant 0 : i32
    %dma_start3A_73 = arith.constant 0 : i32
    %dma_start3A_74 = arith.constant 0 : i32
    %dma_start3A_75 = tpu.memref_slice %arg9[%dma_start3A_72, %dma_start3A_73, %dma_start3A_74] : memref<2x128x128xf32, #tpu.memory_space<vmem>> -> memref<1x128x128xf32, #tpu.memory_space<vmem>>
    %dma_start3A_76 = tpu.memref_squeeze %dma_start3A_75 : memref<1x128x128xf32, #tpu.memory_space<vmem>> -> memref<128x128xf32, #tpu.memory_space<vmem>>
    %dma_start3A_77 = arith.constant 0 : i32
    %dma_start3A_78 = tpu.memref_slice %arg7[%dma_start3A_71, %dma_start3A_77] : memref<2x128xi32, #tpu.memory_space<vmem>> -> memref<1x128xi32, #tpu.memory_space<vmem>>
    %dma_start3A_79 = tpu.memref_squeeze %dma_start3A_78 : memref<1x128xi32, #tpu.memory_space<vmem>> -> memref<128xi32, #tpu.memory_space<vmem>>
    %dma_start3A_80 = arith.constant 0 : i32
    %dma_start3A_81 = arith.constant 0 : i32
    %dma_start3A_82 = tpu.memref_slice %arg2[%dma_start3A_80, %dma_start3A_81] : memref<10000x128xf32, #tpu.memory_space<hbm>> -> memref<10000x128xf32, #tpu.memory_space<hbm>>
    tpu.enqueue_indirect_dma source(%dma_start3A_82 : memref<10000x128xf32, #tpu.memory_space<hbm>>) target(%dma_start3A_76 : memref<128x128xf32, #tpu.memory_space<vmem>>) offsets(%dma_start3A_79 : memref<128xi32, #tpu.memory_space<vmem>>) semaphore(%arg13 : memref<!tpu.dma_semaphore, #tpu.memory_space<semaphore_mem>>)
    %scan3A = arith.constant 0 : i32
    %scan3A_83 = arith.constant 0 : i32
    %scan3A_84 = arith.constant 40 : i32
    %scan3A_85 = arith.addi %scan3A_83, %scan3A_84 : i32
    %scan3A_86 = arith.constant 1 : i32
    scf.for %scan3A_130 = %scan3A_83 to %scan3A_85 step %scan3A_86  : i32 {
      %mul3A_131 = arith.constant 2 : i32
      %mul3A_132 = arith.muli %mul3A_131, %scan3A_130 : i32
      %dma_wait3A_133 = arith.constant 0 : i32
      %dma_wait3A_134 = arith.constant 0 : i32
      %dma_wait3A_135 = arith.constant 0 : i32
      %dma_wait3A_136 = arith.constant 0 : i32
      %dma_wait3A_137 = tpu.memref_slice %arg9[%dma_wait3A_134, %dma_wait3A_135, %dma_wait3A_136] : memref<2x128x128xf32, #tpu.memory_space<vmem>> -> memref<1x128x128xf32, #tpu.memory_space<vmem>>
      %dma_wait3A_138 = tpu.memref_squeeze %dma_wait3A_137 : memref<1x128x128xf32, #tpu.memory_space<vmem>> -> memref<128x128xf32, #tpu.memory_space<vmem>>
      %dma_wait3A_139 = arith.constant 0 : i32
      %dma_wait3A_140 = tpu.memref_slice %arg7[%dma_wait3A_133, %dma_wait3A_139] : memref<2x128xi32, #tpu.memory_space<vmem>> -> memref<1x128xi32, #tpu.memory_space<vmem>>
      %dma_wait3A_141 = tpu.memref_squeeze %dma_wait3A_140 : memref<1x128xi32, #tpu.memory_space<vmem>> -> memref<128xi32, #tpu.memory_space<vmem>>
      %dma_wait3A_142 = arith.constant 0 : i32
      %dma_wait3A_143 = arith.constant 0 : i32
      %dma_wait3A_144 = tpu.memref_slice %arg2[%dma_wait3A_142, %dma_wait3A_143] : memref<10000x128xf32, #tpu.memory_space<hbm>> -> memref<10000x128xf32, #tpu.memory_space<hbm>>
      tpu.wait_indirect_dma semaphore(%arg13 : memref<!tpu.dma_semaphore, #tpu.memory_space<semaphore_mem>>) src(%dma_wait3A_144 : memref<10000x128xf32, #tpu.memory_space<hbm>>) dst(%dma_wait3A_138 : memref<128x128xf32, #tpu.memory_space<vmem>>)
      %dma_wait3A_145 = arith.constant 1 : i32
      %dma_wait3A_146 = arith.constant 0 : i32
      %dma_wait3A_147 = tpu.memref_slice %arg7[%dma_wait3A_145, %dma_wait3A_146] : memref<2x128xi32, #tpu.memory_space<vmem>> -> memref<1x128xi32, #tpu.memory_space<vmem>>
      %dma_wait3A_148 = tpu.memref_squeeze %dma_wait3A_147 : memref<1x128xi32, #tpu.memory_space<vmem>> -> memref<128xi32, #tpu.memory_space<vmem>>
      %dma_wait3A_149 = arith.constant 0 : i32
      %dma_wait3A_150 = tpu.memref_slice %arg3[%dma_wait3A_149] : memref<335872xi32, #tpu.memory_space<hbm>> -> memref<128xi32, #tpu.memory_space<hbm>>
      %dma_wait3A_151 = arith.constant 0 : i32
      %dma_wait3A_152 = tpu.memref_slice %arg7[%dma_wait3A_145, %dma_wait3A_151] : memref<2x128xi32, #tpu.memory_space<vmem>> -> memref<1x128xi32, #tpu.memory_space<vmem>>
      %dma_wait3A_153 = tpu.memref_squeeze %dma_wait3A_152 : memref<1x128xi32, #tpu.memory_space<vmem>> -> memref<128xi32, #tpu.memory_space<vmem>>
      %dma_wait3A_154 = arith.constant 0 : i32
      %dma_wait3A_155 = tpu.memref_slice %arg3[%dma_wait3A_154] : memref<335872xi32, #tpu.memory_space<hbm>> -> memref<128xi32, #tpu.memory_space<hbm>>
      tpu.wait_dma2 semaphore(%arg12 : memref<!tpu.dma_semaphore, #tpu.memory_space<semaphore_mem>>) src(%dma_wait3A_155 : memref<128xi32, #tpu.memory_space<hbm>>) dst(%dma_wait3A_153 : memref<128xi32, #tpu.memory_space<vmem>>)
      %dma_wait3A_156 = arith.constant 1 : i32
      %dma_wait3A_157 = arith.constant 0 : i32
      %dma_wait3A_158 = tpu.memref_slice %arg8[%dma_wait3A_156, %dma_wait3A_157] : memref<2x128xi32, #tpu.memory_space<vmem>> -> memref<1x128xi32, #tpu.memory_space<vmem>>
      %dma_wait3A_159 = tpu.memref_squeeze %dma_wait3A_158 : memref<1x128xi32, #tpu.memory_space<vmem>> -> memref<128xi32, #tpu.memory_space<vmem>>
      %dma_wait3A_160 = arith.constant 0 : i32
      %dma_wait3A_161 = tpu.memref_slice %arg4[%dma_wait3A_160] : memref<335872xi32, #tpu.memory_space<hbm>> -> memref<128xi32, #tpu.memory_space<hbm>>
      %dma_wait3A_162 = arith.constant 0 : i32
      %dma_wait3A_163 = tpu.memref_slice %arg8[%dma_wait3A_156, %dma_wait3A_162] : memref<2x128xi32, #tpu.memory_space<vmem>> -> memref<1x128xi32, #tpu.memory_space<vmem>>
      %dma_wait3A_164 = tpu.memref_squeeze %dma_wait3A_163 : memref<1x128xi32, #tpu.memory_space<vmem>> -> memref<128xi32, #tpu.memory_space<vmem>>
      %dma_wait3A_165 = arith.constant 0 : i32
      %dma_wait3A_166 = tpu.memref_slice %arg4[%dma_wait3A_165] : memref<335872xi32, #tpu.memory_space<hbm>> -> memref<128xi32, #tpu.memory_space<hbm>>
      tpu.wait_dma2 semaphore(%arg12 : memref<!tpu.dma_semaphore, #tpu.memory_space<semaphore_mem>>) src(%dma_wait3A_166 : memref<128xi32, #tpu.memory_space<hbm>>) dst(%dma_wait3A_164 : memref<128xi32, #tpu.memory_space<vmem>>)
      %dma_start3A_167 = arith.constant 1 : i32
      %dma_start3A_168 = arith.constant 1 : i32
      %dma_start3A_169 = arith.constant 0 : i32
      %dma_start3A_170 = arith.constant 0 : i32
      %dma_start3A_171 = tpu.memref_slice %arg9[%dma_start3A_168, %dma_start3A_169, %dma_start3A_170] : memref<2x128x128xf32, #tpu.memory_space<vmem>> -> memref<1x128x128xf32, #tpu.memory_space<vmem>>
      %dma_start3A_172 = tpu.memref_squeeze %dma_start3A_171 : memref<1x128x128xf32, #tpu.memory_space<vmem>> -> memref<128x128xf32, #tpu.memory_space<vmem>>
      %dma_start3A_173 = arith.constant 0 : i32
      %dma_start3A_174 = tpu.memref_slice %arg7[%dma_start3A_167, %dma_start3A_173] : memref<2x128xi32, #tpu.memory_space<vmem>> -> memref<1x128xi32, #tpu.memory_space<vmem>>
      %dma_start3A_175 = tpu.memref_squeeze %dma_start3A_174 : memref<1x128xi32, #tpu.memory_space<vmem>> -> memref<128xi32, #tpu.memory_space<vmem>>
      %dma_start3A_176 = arith.constant 0 : i32
      %dma_start3A_177 = arith.constant 0 : i32
      %dma_start3A_178 = tpu.memref_slice %arg2[%dma_start3A_176, %dma_start3A_177] : memref<10000x128xf32, #tpu.memory_space<hbm>> -> memref<10000x128xf32, #tpu.memory_space<hbm>>
      tpu.enqueue_indirect_dma source(%dma_start3A_178 : memref<10000x128xf32, #tpu.memory_space<hbm>>) target(%dma_start3A_172 : memref<128x128xf32, #tpu.memory_space<vmem>>) offsets(%dma_start3A_175 : memref<128xi32, #tpu.memory_space<vmem>>) semaphore(%arg14 : memref<!tpu.dma_semaphore, #tpu.memory_space<semaphore_mem>>)
      %run_scoped3A = arith.constant 0 : i32
      %run_scoped3A_179 = arith.constant 0 : i32
      "tpu.region"() ({
        %run_scoped3A_282 = tpu.sem_alloc : memref<!tpu.dma_semaphore, #tpu.memory_space<semaphore_mem>>
        %dma_start3A_283 = arith.constant 0 : i32
        %dma_start3A_284 = arith.constant 0 : i32
        %dma_start3A_285 = tpu.memref_slice %arg9[%run_scoped3A, %dma_start3A_283, %dma_start3A_284] : memref<2x128x128xf32, #tpu.memory_space<vmem>> -> memref<1x128x128xf32, #tpu.memory_space<vmem>>
        %dma_start3A_286 = tpu.memref_squeeze %dma_start3A_285 : memref<1x128x128xf32, #tpu.memory_space<vmem>> -> memref<128x128xf32, #tpu.memory_space<vmem>>
        %dma_start3A_287 = arith.constant 0 : i32
        %dma_start3A_288 = tpu.memref_slice %arg8[%run_scoped3A_179, %dma_start3A_287] : memref<2x128xi32, #tpu.memory_space<vmem>> -> memref<1x128xi32, #tpu.memory_space<vmem>>
        %dma_start3A_289 = tpu.memref_squeeze %dma_start3A_288 : memref<1x128xi32, #tpu.memory_space<vmem>> -> memref<128xi32, #tpu.memory_space<vmem>>
        %dma_start3A_290 = arith.constant 0 : i32
        %dma_start3A_291 = arith.constant 0 : i32
        %dma_start3A_292 = tpu.memref_slice %arg10[%dma_start3A_290, %dma_start3A_291] : memref<10240x128xf32, #tpu.memory_space<vmem_shared>> -> memref<10240x128xf32, #tpu.memory_space<vmem_shared>>
        tpu.enqueue_indirect_dma source(%dma_start3A_286 : memref<128x128xf32, #tpu.memory_space<vmem>>) target(%dma_start3A_292 : memref<10240x128xf32, #tpu.memory_space<vmem_shared>>) offsets(%dma_start3A_289 : memref<128xi32, #tpu.memory_space<vmem>>) semaphore(%run_scoped3A_282 : memref<!tpu.dma_semaphore, #tpu.memory_space<semaphore_mem>>) {add = true}
        %dma_wait3A_293 = arith.constant 0 : i32
        %dma_wait3A_294 = arith.constant 0 : i32
        %dma_wait3A_295 = tpu.memref_slice %arg9[%run_scoped3A, %dma_wait3A_293, %dma_wait3A_294] : memref<2x128x128xf32, #tpu.memory_space<vmem>> -> memref<1x128x128xf32, #tpu.memory_space<vmem>>
        %dma_wait3A_296 = tpu.memref_squeeze %dma_wait3A_295 : memref<1x128x128xf32, #tpu.memory_space<vmem>> -> memref<128x128xf32, #tpu.memory_space<vmem>>
        %dma_wait3A_297 = arith.constant 0 : i32
        %dma_wait3A_298 = tpu.memref_slice %arg8[%run_scoped3A_179, %dma_wait3A_297] : memref<2x128xi32, #tpu.memory_space<vmem>> -> memref<1x128xi32, #tpu.memory_space<vmem>>
        %dma_wait3A_299 = tpu.memref_squeeze %dma_wait3A_298 : memref<1x128xi32, #tpu.memory_space<vmem>> -> memref<128xi32, #tpu.memory_space<vmem>>
        %dma_wait3A_300 = arith.constant 0 : i32
        %dma_wait3A_301 = arith.constant 0 : i32
        %dma_wait3A_302 = tpu.memref_slice %arg10[%dma_wait3A_300, %dma_wait3A_301] : memref<10240x128xf32, #tpu.memory_space<vmem_shared>> -> memref<10240x128xf32, #tpu.memory_space<vmem_shared>>
        tpu.wait_indirect_dma semaphore(%run_scoped3A_282 : memref<!tpu.dma_semaphore, #tpu.memory_space<semaphore_mem>>) src(%dma_wait3A_296 : memref<128x128xf32, #tpu.memory_space<vmem>>) dst(%dma_wait3A_302 : memref<10240x128xf32, #tpu.memory_space<vmem_shared>>)
        tpu.yield
      }) : () -> ()
      %add3A_180 = arith.constant 2 : i32
      %add3A_181 = arith.addi %mul3A_132, %add3A_180 : i32
      %mul3A_182 = arith.constant 16 : i32
      %mul3A_183 = arith.muli %add3A_181, %mul3A_182 : i32
      %add3A_184 = arith.addi %add3A, %mul3A_183 : i32
      %mul3A_185 = arith.constant 128 : i32
      %mul3A_186 = arith.muli %add3A_184, %mul3A_185 : i32
      %add3A_187 = arith.constant 0 : i32
      %add3A_188 = arith.addi %add3A_187, %mul3A_186 : i32
      %dma_start3A_189 = arith.constant 0 : i32
      %dma_start3A_190 = arith.constant 0 : i32
      %dma_start3A_191 = tpu.memref_slice %arg7[%dma_start3A_189, %dma_start3A_190] : memref<2x128xi32, #tpu.memory_space<vmem>> -> memref<1x128xi32, #tpu.memory_space<vmem>>
      %dma_start3A_192 = tpu.memref_squeeze %dma_start3A_191 : memref<1x128xi32, #tpu.memory_space<vmem>> -> memref<128xi32, #tpu.memory_space<vmem>>
      %dma_start3A_193 = tpu.memref_slice %arg3[%add3A_188] : memref<335872xi32, #tpu.memory_space<hbm>> -> memref<128xi32, #tpu.memory_space<hbm>>
      %dma_start3A_194 = arith.constant 0 : i32
      %dma_start3A_195 = tpu.memref_slice %arg7[%dma_start3A_189, %dma_start3A_194] : memref<2x128xi32, #tpu.memory_space<vmem>> -> memref<1x128xi32, #tpu.memory_space<vmem>>
      %dma_start3A_196 = tpu.memref_squeeze %dma_start3A_195 : memref<1x128xi32, #tpu.memory_space<vmem>> -> memref<128xi32, #tpu.memory_space<vmem>>
      %dma_start3A_197 = tpu.memref_slice %arg3[%add3A_188] : memref<335872xi32, #tpu.memory_space<hbm>> -> memref<128xi32, #tpu.memory_space<hbm>>
      tpu.enqueue_dma source(%dma_start3A_197 : memref<128xi32, #tpu.memory_space<hbm>>) target(%dma_start3A_196 : memref<128xi32, #tpu.memory_space<vmem>>) target_semaphore(%arg11 : memref<!tpu.dma_semaphore, #tpu.memory_space<semaphore_mem>>)
      %dma_start3A_198 = arith.constant 0 : i32
      %dma_start3A_199 = arith.constant 0 : i32
      %dma_start3A_200 = tpu.memref_slice %arg8[%dma_start3A_198, %dma_start3A_199] : memref<2x128xi32, #tpu.memory_space<vmem>> -> memref<1x128xi32, #tpu.memory_space<vmem>>
      %dma_start3A_201 = tpu.memref_squeeze %dma_start3A_200 : memref<1x128xi32, #tpu.memory_space<vmem>> -> memref<128xi32, #tpu.memory_space<vmem>>
      %dma_start3A_202 = tpu.memref_slice %arg4[%mul3A_186] : memref<335872xi32, #tpu.memory_space<hbm>> -> memref<128xi32, #tpu.memory_space<hbm>>
      %dma_start3A_203 = arith.constant 0 : i32
      %dma_start3A_204 = tpu.memref_slice %arg8[%dma_start3A_198, %dma_start3A_203] : memref<2x128xi32, #tpu.memory_space<vmem>> -> memref<1x128xi32, #tpu.memory_space<vmem>>
      %dma_start3A_205 = tpu.memref_squeeze %dma_start3A_204 : memref<1x128xi32, #tpu.memory_space<vmem>> -> memref<128xi32, #tpu.memory_space<vmem>>
      %dma_start3A_206 = tpu.memref_slice %arg4[%mul3A_186] : memref<335872xi32, #tpu.memory_space<hbm>> -> memref<128xi32, #tpu.memory_space<hbm>>
      tpu.enqueue_dma source(%dma_start3A_206 : memref<128xi32, #tpu.memory_space<hbm>>) target(%dma_start3A_205 : memref<128xi32, #tpu.memory_space<vmem>>) target_semaphore(%arg11 : memref<!tpu.dma_semaphore, #tpu.memory_space<semaphore_mem>>)
      %dma_wait3A_207 = arith.constant 1 : i32
      %dma_wait3A_208 = arith.constant 1 : i32
      %dma_wait3A_209 = arith.constant 0 : i32
      %dma_wait3A_210 = arith.constant 0 : i32
      %dma_wait3A_211 = tpu.memref_slice %arg9[%dma_wait3A_208, %dma_wait3A_209, %dma_wait3A_210] : memref<2x128x128xf32, #tpu.memory_space<vmem>> -> memref<1x128x128xf32, #tpu.memory_space<vmem>>
      %dma_wait3A_212 = tpu.memref_squeeze %dma_wait3A_211 : memref<1x128x128xf32, #tpu.memory_space<vmem>> -> memref<128x128xf32, #tpu.memory_space<vmem>>
      %dma_wait3A_213 = arith.constant 0 : i32
      %dma_wait3A_214 = tpu.memref_slice %arg7[%dma_wait3A_207, %dma_wait3A_213] : memref<2x128xi32, #tpu.memory_space<vmem>> -> memref<1x128xi32, #tpu.memory_space<vmem>>
      %dma_wait3A_215 = tpu.memref_squeeze %dma_wait3A_214 : memref<1x128xi32, #tpu.memory_space<vmem>> -> memref<128xi32, #tpu.memory_space<vmem>>
      %dma_wait3A_216 = arith.constant 0 : i32
      %dma_wait3A_217 = arith.constant 0 : i32
      %dma_wait3A_218 = tpu.memref_slice %arg2[%dma_wait3A_216, %dma_wait3A_217] : memref<10000x128xf32, #tpu.memory_space<hbm>> -> memref<10000x128xf32, #tpu.memory_space<hbm>>
      tpu.wait_indirect_dma semaphore(%arg14 : memref<!tpu.dma_semaphore, #tpu.memory_space<semaphore_mem>>) src(%dma_wait3A_218 : memref<10000x128xf32, #tpu.memory_space<hbm>>) dst(%dma_wait3A_212 : memref<128x128xf32, #tpu.memory_space<vmem>>)
      %dma_wait3A_219 = arith.constant 0 : i32
      %dma_wait3A_220 = arith.constant 0 : i32
      %dma_wait3A_221 = tpu.memref_slice %arg7[%dma_wait3A_219, %dma_wait3A_220] : memref<2x128xi32, #tpu.memory_space<vmem>> -> memref<1x128xi32, #tpu.memory_space<vmem>>
      %dma_wait3A_222 = tpu.memref_squeeze %dma_wait3A_221 : memref<1x128xi32, #tpu.memory_space<vmem>> -> memref<128xi32, #tpu.memory_space<vmem>>
      %dma_wait3A_223 = arith.constant 0 : i32
      %dma_wait3A_224 = tpu.memref_slice %arg3[%dma_wait3A_223] : memref<335872xi32, #tpu.memory_space<hbm>> -> memref<128xi32, #tpu.memory_space<hbm>>
      %dma_wait3A_225 = arith.constant 0 : i32
      %dma_wait3A_226 = tpu.memref_slice %arg7[%dma_wait3A_219, %dma_wait3A_225] : memref<2x128xi32, #tpu.memory_space<vmem>> -> memref<1x128xi32, #tpu.memory_space<vmem>>
      %dma_wait3A_227 = tpu.memref_squeeze %dma_wait3A_226 : memref<1x128xi32, #tpu.memory_space<vmem>> -> memref<128xi32, #tpu.memory_space<vmem>>
      %dma_wait3A_228 = arith.constant 0 : i32
      %dma_wait3A_229 = tpu.memref_slice %arg3[%dma_wait3A_228] : memref<335872xi32, #tpu.memory_space<hbm>> -> memref<128xi32, #tpu.memory_space<hbm>>
      tpu.wait_dma2 semaphore(%arg11 : memref<!tpu.dma_semaphore, #tpu.memory_space<semaphore_mem>>) src(%dma_wait3A_229 : memref<128xi32, #tpu.memory_space<hbm>>) dst(%dma_wait3A_227 : memref<128xi32, #tpu.memory_space<vmem>>)
      %dma_wait3A_230 = arith.constant 0 : i32
      %dma_wait3A_231 = arith.constant 0 : i32
      %dma_wait3A_232 = tpu.memref_slice %arg8[%dma_wait3A_230, %dma_wait3A_231] : memref<2x128xi32, #tpu.memory_space<vmem>> -> memref<1x128xi32, #tpu.memory_space<vmem>>
      %dma_wait3A_233 = tpu.memref_squeeze %dma_wait3A_232 : memref<1x128xi32, #tpu.memory_space<vmem>> -> memref<128xi32, #tpu.memory_space<vmem>>
      %dma_wait3A_234 = arith.constant 0 : i32
      %dma_wait3A_235 = tpu.memref_slice %arg4[%dma_wait3A_234] : memref<335872xi32, #tpu.memory_space<hbm>> -> memref<128xi32, #tpu.memory_space<hbm>>
      %dma_wait3A_236 = arith.constant 0 : i32
      %dma_wait3A_237 = tpu.memref_slice %arg8[%dma_wait3A_230, %dma_wait3A_236] : memref<2x128xi32, #tpu.memory_space<vmem>> -> memref<1x128xi32, #tpu.memory_space<vmem>>
      %dma_wait3A_238 = tpu.memref_squeeze %dma_wait3A_237 : memref<1x128xi32, #tpu.memory_space<vmem>> -> memref<128xi32, #tpu.memory_space<vmem>>
      %dma_wait3A_239 = arith.constant 0 : i32
      %dma_wait3A_240 = tpu.memref_slice %arg4[%dma_wait3A_239] : memref<335872xi32, #tpu.memory_space<hbm>> -> memref<128xi32, #tpu.memory_space<hbm>>
      tpu.wait_dma2 semaphore(%arg11 : memref<!tpu.dma_semaphore, #tpu.memory_space<semaphore_mem>>) src(%dma_wait3A_240 : memref<128xi32, #tpu.memory_space<hbm>>) dst(%dma_wait3A_238 : memref<128xi32, #tpu.memory_space<vmem>>)
      %dma_start3A_241 = arith.constant 0 : i32
      %dma_start3A_242 = arith.constant 0 : i32
      %dma_start3A_243 = arith.constant 0 : i32
      %dma_start3A_244 = arith.constant 0 : i32
      %dma_start3A_245 = tpu.memref_slice %arg9[%dma_start3A_242, %dma_start3A_243, %dma_start3A_244] : memref<2x128x128xf32, #tpu.memory_space<vmem>> -> memref<1x128x128xf32, #tpu.memory_space<vmem>>
      %dma_start3A_246 = tpu.memref_squeeze %dma_start3A_245 : memref<1x128x128xf32, #tpu.memory_space<vmem>> -> memref<128x128xf32, #tpu.memory_space<vmem>>
      %dma_start3A_247 = arith.constant 0 : i32
      %dma_start3A_248 = tpu.memref_slice %arg7[%dma_start3A_241, %dma_start3A_247] : memref<2x128xi32, #tpu.memory_space<vmem>> -> memref<1x128xi32, #tpu.memory_space<vmem>>
      %dma_start3A_249 = tpu.memref_squeeze %dma_start3A_248 : memref<1x128xi32, #tpu.memory_space<vmem>> -> memref<128xi32, #tpu.memory_space<vmem>>
      %dma_start3A_250 = arith.constant 0 : i32
      %dma_start3A_251 = arith.constant 0 : i32
      %dma_start3A_252 = tpu.memref_slice %arg2[%dma_start3A_250, %dma_start3A_251] : memref<10000x128xf32, #tpu.memory_space<hbm>> -> memref<10000x128xf32, #tpu.memory_space<hbm>>
      tpu.enqueue_indirect_dma source(%dma_start3A_252 : memref<10000x128xf32, #tpu.memory_space<hbm>>) target(%dma_start3A_246 : memref<128x128xf32, #tpu.memory_space<vmem>>) offsets(%dma_start3A_249 : memref<128xi32, #tpu.memory_space<vmem>>) semaphore(%arg13 : memref<!tpu.dma_semaphore, #tpu.memory_space<semaphore_mem>>)
      %run_scoped3A_253 = arith.constant 1 : i32
      %run_scoped3A_254 = arith.constant 1 : i32
      "tpu.region"() ({
        %run_scoped3A_282 = tpu.sem_alloc : memref<!tpu.dma_semaphore, #tpu.memory_space<semaphore_mem>>
        %dma_start3A_283 = arith.constant 0 : i32
        %dma_start3A_284 = arith.constant 0 : i32
        %dma_start3A_285 = tpu.memref_slice %arg9[%run_scoped3A_253, %dma_start3A_283, %dma_start3A_284] : memref<2x128x128xf32, #tpu.memory_space<vmem>> -> memref<1x128x128xf32, #tpu.memory_space<vmem>>
        %dma_start3A_286 = tpu.memref_squeeze %dma_start3A_285 : memref<1x128x128xf32, #tpu.memory_space<vmem>> -> memref<128x128xf32, #tpu.memory_space<vmem>>
        %dma_start3A_287 = arith.constant 0 : i32
        %dma_start3A_288 = tpu.memref_slice %arg8[%run_scoped3A_254, %dma_start3A_287] : memref<2x128xi32, #tpu.memory_space<vmem>> -> memref<1x128xi32, #tpu.memory_space<vmem>>
        %dma_start3A_289 = tpu.memref_squeeze %dma_start3A_288 : memref<1x128xi32, #tpu.memory_space<vmem>> -> memref<128xi32, #tpu.memory_space<vmem>>
        %dma_start3A_290 = arith.constant 0 : i32
        %dma_start3A_291 = arith.constant 0 : i32
        %dma_start3A_292 = tpu.memref_slice %arg10[%dma_start3A_290, %dma_start3A_291] : memref<10240x128xf32, #tpu.memory_space<vmem_shared>> -> memref<10240x128xf32, #tpu.memory_space<vmem_shared>>
        tpu.enqueue_indirect_dma source(%dma_start3A_286 : memref<128x128xf32, #tpu.memory_space<vmem>>) target(%dma_start3A_292 : memref<10240x128xf32, #tpu.memory_space<vmem_shared>>) offsets(%dma_start3A_289 : memref<128xi32, #tpu.memory_space<vmem>>) semaphore(%run_scoped3A_282 : memref<!tpu.dma_semaphore, #tpu.memory_space<semaphore_mem>>) {add = true}
        %dma_wait3A_293 = arith.constant 0 : i32
        %dma_wait3A_294 = arith.constant 0 : i32
        %dma_wait3A_295 = tpu.memref_slice %arg9[%run_scoped3A_253, %dma_wait3A_293, %dma_wait3A_294] : memref<2x128x128xf32, #tpu.memory_space<vmem>> -> memref<1x128x128xf32, #tpu.memory_space<vmem>>
        %dma_wait3A_296 = tpu.memref_squeeze %dma_wait3A_295 : memref<1x128x128xf32, #tpu.memory_space<vmem>> -> memref<128x128xf32, #tpu.memory_space<vmem>>
        %dma_wait3A_297 = arith.constant 0 : i32
        %dma_wait3A_298 = tpu.memref_slice %arg8[%run_scoped3A_254, %dma_wait3A_297] : memref<2x128xi32, #tpu.memory_space<vmem>> -> memref<1x128xi32, #tpu.memory_space<vmem>>
        %dma_wait3A_299 = tpu.memref_squeeze %dma_wait3A_298 : memref<1x128xi32, #tpu.memory_space<vmem>> -> memref<128xi32, #tpu.memory_space<vmem>>
        %dma_wait3A_300 = arith.constant 0 : i32
        %dma_wait3A_301 = arith.constant 0 : i32
        %dma_wait3A_302 = tpu.memref_slice %arg10[%dma_wait3A_300, %dma_wait3A_301] : memref<10240x128xf32, #tpu.memory_space<vmem_shared>> -> memref<10240x128xf32, #tpu.memory_space<vmem_shared>>
        tpu.wait_indirect_dma semaphore(%run_scoped3A_282 : memref<!tpu.dma_semaphore, #tpu.memory_space<semaphore_mem>>) src(%dma_wait3A_296 : memref<128x128xf32, #tpu.memory_space<vmem>>) dst(%dma_wait3A_302 : memref<10240x128xf32, #tpu.memory_space<vmem_shared>>)
        tpu.yield
      }) : () -> ()
      %add3A_255 = arith.constant 3 : i32
      %add3A_256 = arith.addi %mul3A_132, %add3A_255 : i32
      %mul3A_257 = arith.constant 16 : i32
      %mul3A_258 = arith.muli %add3A_256, %mul3A_257 : i32
      %add3A_259 = arith.addi %add3A, %mul3A_258 : i32
      %mul3A_260 = arith.constant 128 : i32
      %mul3A_261 = arith.muli %add3A_259, %mul3A_260 : i32
      %add3A_262 = arith.constant 0 : i32
      %add3A_263 = arith.addi %add3A_262, %mul3A_261 : i32
      %dma_start3A_264 = arith.constant 1 : i32
      %dma_start3A_265 = arith.constant 0 : i32
      %dma_start3A_266 = tpu.memref_slice %arg7[%dma_start3A_264, %dma_start3A_265] : memref<2x128xi32, #tpu.memory_space<vmem>> -> memref<1x128xi32, #tpu.memory_space<vmem>>
      %dma_start3A_267 = tpu.memref_squeeze %dma_start3A_266 : memref<1x128xi32, #tpu.memory_space<vmem>> -> memref<128xi32, #tpu.memory_space<vmem>>
      %dma_start3A_268 = tpu.memref_slice %arg3[%add3A_263] : memref<335872xi32, #tpu.memory_space<hbm>> -> memref<128xi32, #tpu.memory_space<hbm>>
      %dma_start3A_269 = arith.constant 0 : i32
      %dma_start3A_270 = tpu.memref_slice %arg7[%dma_start3A_264, %dma_start3A_269] : memref<2x128xi32, #tpu.memory_space<vmem>> -> memref<1x128xi32, #tpu.memory_space<vmem>>
      %dma_start3A_271 = tpu.memref_squeeze %dma_start3A_270 : memref<1x128xi32, #tpu.memory_space<vmem>> -> memref<128xi32, #tpu.memory_space<vmem>>
      %dma_start3A_272 = tpu.memref_slice %arg3[%add3A_263] : memref<335872xi32, #tpu.memory_space<hbm>> -> memref<128xi32, #tpu.memory_space<hbm>>
      tpu.enqueue_dma source(%dma_start3A_272 : memref<128xi32, #tpu.memory_space<hbm>>) target(%dma_start3A_271 : memref<128xi32, #tpu.memory_space<vmem>>) target_semaphore(%arg12 : memref<!tpu.dma_semaphore, #tpu.memory_space<semaphore_mem>>)
      %dma_start3A_273 = arith.constant 1 : i32
      %dma_start3A_274 = arith.constant 0 : i32
      %dma_start3A_275 = tpu.memref_slice %arg8[%dma_start3A_273, %dma_start3A_274] : memref<2x128xi32, #tpu.memory_space<vmem>> -> memref<1x128xi32, #tpu.memory_space<vmem>>
      %dma_start3A_276 = tpu.memref_squeeze %dma_start3A_275 : memref<1x128xi32, #tpu.memory_space<vmem>> -> memref<128xi32, #tpu.memory_space<vmem>>
      %dma_start3A_277 = tpu.memref_slice %arg4[%mul3A_261] : memref<335872xi32, #tpu.memory_space<hbm>> -> memref<128xi32, #tpu.memory_space<hbm>>
      %dma_start3A_278 = arith.constant 0 : i32
      %dma_start3A_279 = tpu.memref_slice %arg8[%dma_start3A_273, %dma_start3A_278] : memref<2x128xi32, #tpu.memory_space<vmem>> -> memref<1x128xi32, #tpu.memory_space<vmem>>
      %dma_start3A_280 = tpu.memref_squeeze %dma_start3A_279 : memref<1x128xi32, #tpu.memory_space<vmem>> -> memref<128xi32, #tpu.memory_space<vmem>>
      %dma_start3A_281 = tpu.memref_slice %arg4[%mul3A_261] : memref<335872xi32, #tpu.memory_space<hbm>> -> memref<128xi32, #tpu.memory_space<hbm>>
      tpu.enqueue_dma source(%dma_start3A_281 : memref<128xi32, #tpu.memory_space<hbm>>) target(%dma_start3A_280 : memref<128xi32, #tpu.memory_space<vmem>>) target_semaphore(%arg12 : memref<!tpu.dma_semaphore, #tpu.memory_space<semaphore_mem>>)
    }
    %scan3A_87 = arith.constant 40 : i32
    %dma_wait3A_88 = arith.constant 0 : i32
    %dma_wait3A_89 = arith.constant 0 : i32
    %dma_wait3A_90 = arith.constant 0 : i32
    %dma_wait3A_91 = arith.constant 0 : i32
    %dma_wait3A_92 = tpu.memref_slice %arg9[%dma_wait3A_89, %dma_wait3A_90, %dma_wait3A_91] : memref<2x128x128xf32, #tpu.memory_space<vmem>> -> memref<1x128x128xf32, #tpu.memory_space<vmem>>
    %dma_wait3A_93 = tpu.memref_squeeze %dma_wait3A_92 : memref<1x128x128xf32, #tpu.memory_space<vmem>> -> memref<128x128xf32, #tpu.memory_space<vmem>>
    %dma_wait3A_94 = arith.constant 0 : i32
    %dma_wait3A_95 = tpu.memref_slice %arg7[%dma_wait3A_88, %dma_wait3A_94] : memref<2x128xi32, #tpu.memory_space<vmem>> -> memref<1x128xi32, #tpu.memory_space<vmem>>
    %dma_wait3A_96 = tpu.memref_squeeze %dma_wait3A_95 : memref<1x128xi32, #tpu.memory_space<vmem>> -> memref<128xi32, #tpu.memory_space<vmem>>
    %dma_wait3A_97 = arith.constant 0 : i32
    %dma_wait3A_98 = arith.constant 0 : i32
    %dma_wait3A_99 = tpu.memref_slice %arg2[%dma_wait3A_97, %dma_wait3A_98] : memref<10000x128xf32, #tpu.memory_space<hbm>> -> memref<10000x128xf32, #tpu.memory_space<hbm>>
    tpu.wait_indirect_dma semaphore(%arg13 : memref<!tpu.dma_semaphore, #tpu.memory_space<semaphore_mem>>) src(%dma_wait3A_99 : memref<10000x128xf32, #tpu.memory_space<hbm>>) dst(%dma_wait3A_93 : memref<128x128xf32, #tpu.memory_space<vmem>>)
    %dma_wait3A_100 = arith.constant 1 : i32
    %dma_wait3A_101 = arith.constant 0 : i32
    %dma_wait3A_102 = tpu.memref_slice %arg7[%dma_wait3A_100, %dma_wait3A_101] : memref<2x128xi32, #tpu.memory_space<vmem>> -> memref<1x128xi32, #tpu.memory_space<vmem>>
    %dma_wait3A_103 = tpu.memref_squeeze %dma_wait3A_102 : memref<1x128xi32, #tpu.memory_space<vmem>> -> memref<128xi32, #tpu.memory_space<vmem>>
    %dma_wait3A_104 = arith.constant 0 : i32
    %dma_wait3A_105 = tpu.memref_slice %arg3[%dma_wait3A_104] : memref<335872xi32, #tpu.memory_space<hbm>> -> memref<128xi32, #tpu.memory_space<hbm>>
    %dma_wait3A_106 = arith.constant 0 : i32
    %dma_wait3A_107 = tpu.memref_slice %arg7[%dma_wait3A_100, %dma_wait3A_106] : memref<2x128xi32, #tpu.memory_space<vmem>> -> memref<1x128xi32, #tpu.memory_space<vmem>>
    %dma_wait3A_108 = tpu.memref_squeeze %dma_wait3A_107 : memref<1x128xi32, #tpu.memory_space<vmem>> -> memref<128xi32, #tpu.memory_space<vmem>>
    %dma_wait3A_109 = arith.constant 0 : i32
    %dma_wait3A_110 = tpu.memref_slice %arg3[%dma_wait3A_109] : memref<335872xi32, #tpu.memory_space<hbm>> -> memref<128xi32, #tpu.memory_space<hbm>>
    tpu.wait_dma2 semaphore(%arg12 : memref<!tpu.dma_semaphore, #tpu.memory_space<semaphore_mem>>) src(%dma_wait3A_110 : memref<128xi32, #tpu.memory_space<hbm>>) dst(%dma_wait3A_108 : memref<128xi32, #tpu.memory_space<vmem>>)
    %dma_wait3A_111 = arith.constant 1 : i32
    %dma_wait3A_112 = arith.constant 0 : i32
    %dma_wait3A_113 = tpu.memref_slice %arg8[%dma_wait3A_111, %dma_wait3A_112] : memref<2x128xi32, #tpu.memory_space<vmem>> -> memref<1x128xi32, #tpu.memory_space<vmem>>
    %dma_wait3A_114 = tpu.memref_squeeze %dma_wait3A_113 : memref<1x128xi32, #tpu.memory_space<vmem>> -> memref<128xi32, #tpu.memory_space<vmem>>
    %dma_wait3A_115 = arith.constant 0 : i32
    %dma_wait3A_116 = tpu.memref_slice %arg4[%dma_wait3A_115] : memref<335872xi32, #tpu.memory_space<hbm>> -> memref<128xi32, #tpu.memory_space<hbm>>
    %dma_wait3A_117 = arith.constant 0 : i32
    %dma_wait3A_118 = tpu.memref_slice %arg8[%dma_wait3A_111, %dma_wait3A_117] : memref<2x128xi32, #tpu.memory_space<vmem>> -> memref<1x128xi32, #tpu.memory_space<vmem>>
    %dma_wait3A_119 = tpu.memref_squeeze %dma_wait3A_118 : memref<1x128xi32, #tpu.memory_space<vmem>> -> memref<128xi32, #tpu.memory_space<vmem>>
    %dma_wait3A_120 = arith.constant 0 : i32
    %dma_wait3A_121 = tpu.memref_slice %arg4[%dma_wait3A_120] : memref<335872xi32, #tpu.memory_space<hbm>> -> memref<128xi32, #tpu.memory_space<hbm>>
    tpu.wait_dma2 semaphore(%arg12 : memref<!tpu.dma_semaphore, #tpu.memory_space<semaphore_mem>>) src(%dma_wait3A_121 : memref<128xi32, #tpu.memory_space<hbm>>) dst(%dma_wait3A_119 : memref<128xi32, #tpu.memory_space<vmem>>)
    %barrier3A_122 = arith.constant 0 : index
    tpu.barrier barrier_id(%barrier3A_122)
    %mul3A_123 = arith.constant 10240 : i32
    %mul3A_124 = arith.muli %arg0, %mul3A_123 : i32
    %mul3A_125 = arith.constant 640 : i32
    %mul3A_126 = arith.muli %arg1, %mul3A_125 : i32
    %add3A_127 = arith.addi %mul3A_124, %mul3A_126 : i32
    %mul3A_128 = arith.constant 640 : i32
    %mul3A_129 = arith.muli %arg1, %mul3A_128 : i32
    "tpu.region"() ({
      %run_scoped3A = tpu.sem_alloc : memref<!tpu.dma_semaphore, #tpu.memory_space<semaphore_mem>>
      %dma_start3A_130 = arith.constant 0 : i32
      %dma_start3A_131 = tpu.memref_slice %arg6[%add3A_127, %dma_start3A_130] : memref<20480x128xf32, #tpu.memory_space<hbm>> -> memref<640x128xf32, #tpu.memory_space<hbm>>
      %dma_start3A_132 = arith.constant 0 : i32
      %dma_start3A_133 = tpu.memref_slice %arg10[%mul3A_129, %dma_start3A_132] : memref<10240x128xf32, #tpu.memory_space<vmem_shared>> -> memref<640x128xf32, #tpu.memory_space<vmem_shared>>
      tpu.enqueue_dma source(%dma_start3A_133 : memref<640x128xf32, #tpu.memory_space<vmem_shared>>) target(%dma_start3A_131 : memref<640x128xf32, #tpu.memory_space<hbm>>) target_semaphore(%run_scoped3A : memref<!tpu.dma_semaphore, #tpu.memory_space<semaphore_mem>>)
      %dma_wait3A_134 = arith.constant 0 : i32
      %dma_wait3A_135 = tpu.memref_slice %arg6[%add3A_127, %dma_wait3A_134] : memref<20480x128xf32, #tpu.memory_space<hbm>> -> memref<640x128xf32, #tpu.memory_space<hbm>>
      %dma_wait3A_136 = arith.constant 0 : i32
      %dma_wait3A_137 = tpu.memref_slice %arg10[%mul3A_129, %dma_wait3A_136] : memref<10240x128xf32, #tpu.memory_space<vmem_shared>> -> memref<640x128xf32, #tpu.memory_space<vmem_shared>>
      tpu.wait_dma2 semaphore(%run_scoped3A : memref<!tpu.dma_semaphore, #tpu.memory_space<semaphore_mem>>) src(%dma_wait3A_137 : memref<640x128xf32, #tpu.memory_space<vmem_shared>>) dst(%dma_wait3A_135 : memref<640x128xf32, #tpu.memory_space<hbm>>)
      tpu.yield
    }) : () -> ()
    return
  }
}

#map = affine_map<(d0, d1) -> (0, 0)>
#map1 = affine_map<(d0, d1) -> (0)>
module attributes {stable_mosaic.version = 14 : i64} {
  func.func @body(%arg0: i32, %arg1: i32, %arg2: memref<20000x128xf32, #tpu.memory_space<hbm>>, %arg3: memref<671744xi32, #tpu.memory_space<hbm>>, %arg4: memref<335872xi32, #tpu.memory_space<hbm>>, %arg5: memref<640x128xf32, #tpu.memory_space<hbm>>, %arg6: memref<20480x128xf32, #tpu.memory_space<hbm>>, %arg7: memref<2x128xi32, #tpu.memory_space<vmem>>, %arg8: memref<2x128xi32, #tpu.memory_space<vmem>>, %arg9: memref<2x128x128xf32, #tpu.memory_space<vmem>>, %arg10: memref<10240x128xf32, #tpu.memory_space<vmem_shared>>, %arg11: memref<!tpu.dma_semaphore, #tpu.memory_space<semaphore_mem>>, %arg12: memref<!tpu.dma_semaphore, #tpu.memory_space<semaphore_mem>>, %arg13: memref<!tpu.dma_semaphore, #tpu.memory_space<semaphore_mem>>, %arg14: memref<!tpu.dma_semaphore, #tpu.memory_space<semaphore_mem>>) attributes {dimension_semantics = [#tpu.dimension_semantics<core_parallel>, #tpu.dimension_semantics<subcore_parallel>], iteration_bounds = array<i64: 2, 16>, scalar_prefetch = 0 : i64, scratch_operands = 8 : i64, tpu.core_type = #tpu.core_type<sc_vector_subcore>, window_params = [{transform_indices = #map}, {transform_indices = #map1}, {transform_indices = #map1}, {transform_indices = #map}, {transform_indices = #map}]} {
    %mul3A = arith.constant 640 : i32
    %mul3A_0 = arith.muli %arg1, %mul3A : i32
    "tpu.region"() ({
      %run_scoped3A = tpu.sem_alloc : memref<!tpu.dma_semaphore, #tpu.memory_space<semaphore_mem>>
      %dma_start3A_127 = arith.constant 0 : i32
      %dma_start3A_128 = tpu.memref_slice %arg10[%mul3A_0, %dma_start3A_127] : memref<10240x128xf32, #tpu.memory_space<vmem_shared>> -> memref<640x128xf32, #tpu.memory_space<vmem_shared>>
      tpu.enqueue_dma source(%arg5 : memref<640x128xf32, #tpu.memory_space<hbm>>) target(%dma_start3A_128 : memref<640x128xf32, #tpu.memory_space<vmem_shared>>) target_semaphore(%run_scoped3A : memref<!tpu.dma_semaphore, #tpu.memory_space<semaphore_mem>>)
      %dma_wait3A_129 = arith.constant 0 : i32
      %dma_wait3A_130 = tpu.memref_slice %arg10[%mul3A_0, %dma_wait3A_129] : memref<10240x128xf32, #tpu.memory_space<vmem_shared>> -> memref<640x128xf32, #tpu.memory_space<vmem_shared>>
      tpu.wait_dma2 semaphore(%run_scoped3A : memref<!tpu.dma_semaphore, #tpu.memory_space<semaphore_mem>>) src(%arg5 : memref<640x128xf32, #tpu.memory_space<hbm>>) dst(%dma_wait3A_130 : memref<640x128xf32, #tpu.memory_space<vmem_shared>>)
      tpu.yield
    }) : () -> ()
    %barrier3A = arith.constant 0 : index
    tpu.barrier barrier_id(%barrier3A)
    %mul3A_1 = arith.constant 335872 : i32
    %mul3A_2 = arith.muli %arg0, %mul3A_1 : i32
    %add3A = arith.constant 0 : i32
    %add3A_3 = arith.addi %arg1, %add3A : i32
    %mul3A_4 = arith.constant 128 : i32
    %mul3A_5 = arith.muli %add3A_3, %mul3A_4 : i32
    %add3A_6 = arith.addi %mul3A_2, %mul3A_5 : i32
    %dma_start3A = arith.constant 0 : i32
    %dma_start3A_7 = arith.constant 0 : i32
    %dma_start3A_8 = tpu.memref_slice %arg7[%dma_start3A, %dma_start3A_7] : memref<2x128xi32, #tpu.memory_space<vmem>> -> memref<1x128xi32, #tpu.memory_space<vmem>>
    %dma_start3A_9 = tpu.memref_squeeze %dma_start3A_8 : memref<1x128xi32, #tpu.memory_space<vmem>> -> memref<128xi32, #tpu.memory_space<vmem>>
    %dma_start3A_10 = tpu.memref_slice %arg3[%add3A_6] : memref<671744xi32, #tpu.memory_space<hbm>> -> memref<128xi32, #tpu.memory_space<hbm>>
    %dma_start3A_11 = arith.constant 0 : i32
    %dma_start3A_12 = tpu.memref_slice %arg7[%dma_start3A, %dma_start3A_11] : memref<2x128xi32, #tpu.memory_space<vmem>> -> memref<1x128xi32, #tpu.memory_space<vmem>>
    %dma_start3A_13 = tpu.memref_squeeze %dma_start3A_12 : memref<1x128xi32, #tpu.memory_space<vmem>> -> memref<128xi32, #tpu.memory_space<vmem>>
    %dma_start3A_14 = tpu.memref_slice %arg3[%add3A_6] : memref<671744xi32, #tpu.memory_space<hbm>> -> memref<128xi32, #tpu.memory_space<hbm>>
    tpu.enqueue_dma source(%dma_start3A_14 : memref<128xi32, #tpu.memory_space<hbm>>) target(%dma_start3A_13 : memref<128xi32, #tpu.memory_space<vmem>>) target_semaphore(%arg11 : memref<!tpu.dma_semaphore, #tpu.memory_space<semaphore_mem>>)
    %dma_start3A_15 = arith.constant 0 : i32
    %dma_start3A_16 = arith.constant 0 : i32
    %dma_start3A_17 = tpu.memref_slice %arg8[%dma_start3A_15, %dma_start3A_16] : memref<2x128xi32, #tpu.memory_space<vmem>> -> memref<1x128xi32, #tpu.memory_space<vmem>>
    %dma_start3A_18 = tpu.memref_squeeze %dma_start3A_17 : memref<1x128xi32, #tpu.memory_space<vmem>> -> memref<128xi32, #tpu.memory_space<vmem>>
    %dma_start3A_19 = tpu.memref_slice %arg4[%mul3A_5] : memref<335872xi32, #tpu.memory_space<hbm>> -> memref<128xi32, #tpu.memory_space<hbm>>
    %dma_start3A_20 = arith.constant 0 : i32
    %dma_start3A_21 = tpu.memref_slice %arg8[%dma_start3A_15, %dma_start3A_20] : memref<2x128xi32, #tpu.memory_space<vmem>> -> memref<1x128xi32, #tpu.memory_space<vmem>>
    %dma_start3A_22 = tpu.memref_squeeze %dma_start3A_21 : memref<1x128xi32, #tpu.memory_space<vmem>> -> memref<128xi32, #tpu.memory_space<vmem>>
    %dma_start3A_23 = tpu.memref_slice %arg4[%mul3A_5] : memref<335872xi32, #tpu.memory_space<hbm>> -> memref<128xi32, #tpu.memory_space<hbm>>
    tpu.enqueue_dma source(%dma_start3A_23 : memref<128xi32, #tpu.memory_space<hbm>>) target(%dma_start3A_22 : memref<128xi32, #tpu.memory_space<vmem>>) target_semaphore(%arg11 : memref<!tpu.dma_semaphore, #tpu.memory_space<semaphore_mem>>)
    %add3A_24 = arith.constant 16 : i32
    %add3A_25 = arith.addi %arg1, %add3A_24 : i32
    %mul3A_26 = arith.constant 128 : i32
    %mul3A_27 = arith.muli %add3A_25, %mul3A_26 : i32
    %add3A_28 = arith.addi %mul3A_2, %mul3A_27 : i32
    %dma_start3A_29 = arith.constant 1 : i32
    %dma_start3A_30 = arith.constant 0 : i32
    %dma_start3A_31 = tpu.memref_slice %arg7[%dma_start3A_29, %dma_start3A_30] : memref<2x128xi32, #tpu.memory_space<vmem>> -> memref<1x128xi32, #tpu.memory_space<vmem>>
    %dma_start3A_32 = tpu.memref_squeeze %dma_start3A_31 : memref<1x128xi32, #tpu.memory_space<vmem>> -> memref<128xi32, #tpu.memory_space<vmem>>
    %dma_start3A_33 = tpu.memref_slice %arg3[%add3A_28] : memref<671744xi32, #tpu.memory_space<hbm>> -> memref<128xi32, #tpu.memory_space<hbm>>
    %dma_start3A_34 = arith.constant 0 : i32
    %dma_start3A_35 = tpu.memref_slice %arg7[%dma_start3A_29, %dma_start3A_34] : memref<2x128xi32, #tpu.memory_space<vmem>> -> memref<1x128xi32, #tpu.memory_space<vmem>>
    %dma_start3A_36 = tpu.memref_squeeze %dma_start3A_35 : memref<1x128xi32, #tpu.memory_space<vmem>> -> memref<128xi32, #tpu.memory_space<vmem>>
    %dma_start3A_37 = tpu.memref_slice %arg3[%add3A_28] : memref<671744xi32, #tpu.memory_space<hbm>> -> memref<128xi32, #tpu.memory_space<hbm>>
    tpu.enqueue_dma source(%dma_start3A_37 : memref<128xi32, #tpu.memory_space<hbm>>) target(%dma_start3A_36 : memref<128xi32, #tpu.memory_space<vmem>>) target_semaphore(%arg12 : memref<!tpu.dma_semaphore, #tpu.memory_space<semaphore_mem>>)
    %dma_start3A_38 = arith.constant 1 : i32
    %dma_start3A_39 = arith.constant 0 : i32
    %dma_start3A_40 = tpu.memref_slice %arg8[%dma_start3A_38, %dma_start3A_39] : memref<2x128xi32, #tpu.memory_space<vmem>> -> memref<1x128xi32, #tpu.memory_space<vmem>>
    %dma_start3A_41 = tpu.memref_squeeze %dma_start3A_40 : memref<1x128xi32, #tpu.memory_space<vmem>> -> memref<128xi32, #tpu.memory_space<vmem>>
    %dma_start3A_42 = tpu.memref_slice %arg4[%mul3A_27] : memref<335872xi32, #tpu.memory_space<hbm>> -> memref<128xi32, #tpu.memory_space<hbm>>
    %dma_start3A_43 = arith.constant 0 : i32
    %dma_start3A_44 = tpu.memref_slice %arg8[%dma_start3A_38, %dma_start3A_43] : memref<2x128xi32, #tpu.memory_space<vmem>> -> memref<1x128xi32, #tpu.memory_space<vmem>>
    %dma_start3A_45 = tpu.memref_squeeze %dma_start3A_44 : memref<1x128xi32, #tpu.memory_space<vmem>> -> memref<128xi32, #tpu.memory_space<vmem>>
    %dma_start3A_46 = tpu.memref_slice %arg4[%mul3A_27] : memref<335872xi32, #tpu.memory_space<hbm>> -> memref<128xi32, #tpu.memory_space<hbm>>
    tpu.enqueue_dma source(%dma_start3A_46 : memref<128xi32, #tpu.memory_space<hbm>>) target(%dma_start3A_45 : memref<128xi32, #tpu.memory_space<vmem>>) target_semaphore(%arg12 : memref<!tpu.dma_semaphore, #tpu.memory_space<semaphore_mem>>)
    %dma_wait3A = arith.constant 0 : i32
    %dma_wait3A_47 = arith.constant 0 : i32
    %dma_wait3A_48 = tpu.memref_slice %arg7[%dma_wait3A, %dma_wait3A_47] : memref<2x128xi32, #tpu.memory_space<vmem>> -> memref<1x128xi32, #tpu.memory_space<vmem>>
    %dma_wait3A_49 = tpu.memref_squeeze %dma_wait3A_48 : memref<1x128xi32, #tpu.memory_space<vmem>> -> memref<128xi32, #tpu.memory_space<vmem>>
    %dma_wait3A_50 = arith.constant 0 : i32
    %dma_wait3A_51 = tpu.memref_slice %arg3[%dma_wait3A_50] : memref<671744xi32, #tpu.memory_space<hbm>> -> memref<128xi32, #tpu.memory_space<hbm>>
    %dma_wait3A_52 = arith.constant 0 : i32
    %dma_wait3A_53 = tpu.memref_slice %arg7[%dma_wait3A, %dma_wait3A_52] : memref<2x128xi32, #tpu.memory_space<vmem>> -> memref<1x128xi32, #tpu.memory_space<vmem>>
    %dma_wait3A_54 = tpu.memref_squeeze %dma_wait3A_53 : memref<1x128xi32, #tpu.memory_space<vmem>> -> memref<128xi32, #tpu.memory_space<vmem>>
    %dma_wait3A_55 = arith.constant 0 : i32
    %dma_wait3A_56 = tpu.memref_slice %arg3[%dma_wait3A_55] : memref<671744xi32, #tpu.memory_space<hbm>> -> memref<128xi32, #tpu.memory_space<hbm>>
    tpu.wait_dma2 semaphore(%arg11 : memref<!tpu.dma_semaphore, #tpu.memory_space<semaphore_mem>>) src(%dma_wait3A_56 : memref<128xi32, #tpu.memory_space<hbm>>) dst(%dma_wait3A_54 : memref<128xi32, #tpu.memory_space<vmem>>)
    %dma_wait3A_57 = arith.constant 0 : i32
    %dma_wait3A_58 = arith.constant 0 : i32
    %dma_wait3A_59 = tpu.memref_slice %arg8[%dma_wait3A_57, %dma_wait3A_58] : memref<2x128xi32, #tpu.memory_space<vmem>> -> memref<1x128xi32, #tpu.memory_space<vmem>>
    %dma_wait3A_60 = tpu.memref_squeeze %dma_wait3A_59 : memref<1x128xi32, #tpu.memory_space<vmem>> -> memref<128xi32, #tpu.memory_space<vmem>>
    %dma_wait3A_61 = arith.constant 0 : i32
    %dma_wait3A_62 = tpu.memref_slice %arg4[%dma_wait3A_61] : memref<335872xi32, #tpu.memory_space<hbm>> -> memref<128xi32, #tpu.memory_space<hbm>>
    %dma_wait3A_63 = arith.constant 0 : i32
    %dma_wait3A_64 = tpu.memref_slice %arg8[%dma_wait3A_57, %dma_wait3A_63] : memref<2x128xi32, #tpu.memory_space<vmem>> -> memref<1x128xi32, #tpu.memory_space<vmem>>
    %dma_wait3A_65 = tpu.memref_squeeze %dma_wait3A_64 : memref<1x128xi32, #tpu.memory_space<vmem>> -> memref<128xi32, #tpu.memory_space<vmem>>
    %dma_wait3A_66 = arith.constant 0 : i32
    %dma_wait3A_67 = tpu.memref_slice %arg4[%dma_wait3A_66] : memref<335872xi32, #tpu.memory_space<hbm>> -> memref<128xi32, #tpu.memory_space<hbm>>
    tpu.wait_dma2 semaphore(%arg11 : memref<!tpu.dma_semaphore, #tpu.memory_space<semaphore_mem>>) src(%dma_wait3A_67 : memref<128xi32, #tpu.memory_space<hbm>>) dst(%dma_wait3A_65 : memref<128xi32, #tpu.memory_space<vmem>>)
    %dma_start3A_68 = arith.constant 0 : i32
    %dma_start3A_69 = arith.constant 0 : i32
    %dma_start3A_70 = arith.constant 0 : i32
    %dma_start3A_71 = arith.constant 0 : i32
    %dma_start3A_72 = tpu.memref_slice %arg9[%dma_start3A_69, %dma_start3A_70, %dma_start3A_71] : memref<2x128x128xf32, #tpu.memory_space<vmem>> -> memref<1x128x128xf32, #tpu.memory_space<vmem>>
    %dma_start3A_73 = tpu.memref_squeeze %dma_start3A_72 : memref<1x128x128xf32, #tpu.memory_space<vmem>> -> memref<128x128xf32, #tpu.memory_space<vmem>>
    %dma_start3A_74 = arith.constant 0 : i32
    %dma_start3A_75 = tpu.memref_slice %arg7[%dma_start3A_68, %dma_start3A_74] : memref<2x128xi32, #tpu.memory_space<vmem>> -> memref<1x128xi32, #tpu.memory_space<vmem>>
    %dma_start3A_76 = tpu.memref_squeeze %dma_start3A_75 : memref<1x128xi32, #tpu.memory_space<vmem>> -> memref<128xi32, #tpu.memory_space<vmem>>
    %dma_start3A_77 = arith.constant 0 : i32
    %dma_start3A_78 = arith.constant 0 : i32
    %dma_start3A_79 = tpu.memref_slice %arg2[%dma_start3A_77, %dma_start3A_78] : memref<20000x128xf32, #tpu.memory_space<hbm>> -> memref<20000x128xf32, #tpu.memory_space<hbm>>
    tpu.enqueue_indirect_dma source(%dma_start3A_79 : memref<20000x128xf32, #tpu.memory_space<hbm>>) target(%dma_start3A_73 : memref<128x128xf32, #tpu.memory_space<vmem>>) offsets(%dma_start3A_76 : memref<128xi32, #tpu.memory_space<vmem>>) semaphore(%arg13 : memref<!tpu.dma_semaphore, #tpu.memory_space<semaphore_mem>>)
    %scan3A = arith.constant 0 : i32
    %scan3A_80 = arith.constant 0 : i32
    %scan3A_81 = arith.constant 80 : i32
    %scan3A_82 = arith.addi %scan3A_80, %scan3A_81 : i32
    %scan3A_83 = arith.constant 1 : i32
    scf.for %scan3A_127 = %scan3A_80 to %scan3A_82 step %scan3A_83  : i32 {
      %mul3A_128 = arith.constant 2 : i32
      %mul3A_129 = arith.muli %mul3A_128, %scan3A_127 : i32
      %dma_wait3A_130 = arith.constant 0 : i32
      %dma_wait3A_131 = arith.constant 0 : i32
      %dma_wait3A_132 = arith.constant 0 : i32
      %dma_wait3A_133 = arith.constant 0 : i32
      %dma_wait3A_134 = tpu.memref_slice %arg9[%dma_wait3A_131, %dma_wait3A_132, %dma_wait3A_133] : memref<2x128x128xf32, #tpu.memory_space<vmem>> -> memref<1x128x128xf32, #tpu.memory_space<vmem>>
      %dma_wait3A_135 = tpu.memref_squeeze %dma_wait3A_134 : memref<1x128x128xf32, #tpu.memory_space<vmem>> -> memref<128x128xf32, #tpu.memory_space<vmem>>
      %dma_wait3A_136 = arith.constant 0 : i32
      %dma_wait3A_137 = tpu.memref_slice %arg7[%dma_wait3A_130, %dma_wait3A_136] : memref<2x128xi32, #tpu.memory_space<vmem>> -> memref<1x128xi32, #tpu.memory_space<vmem>>
      %dma_wait3A_138 = tpu.memref_squeeze %dma_wait3A_137 : memref<1x128xi32, #tpu.memory_space<vmem>> -> memref<128xi32, #tpu.memory_space<vmem>>
      %dma_wait3A_139 = arith.constant 0 : i32
      %dma_wait3A_140 = arith.constant 0 : i32
      %dma_wait3A_141 = tpu.memref_slice %arg2[%dma_wait3A_139, %dma_wait3A_140] : memref<20000x128xf32, #tpu.memory_space<hbm>> -> memref<20000x128xf32, #tpu.memory_space<hbm>>
      tpu.wait_indirect_dma semaphore(%arg13 : memref<!tpu.dma_semaphore, #tpu.memory_space<semaphore_mem>>) src(%dma_wait3A_141 : memref<20000x128xf32, #tpu.memory_space<hbm>>) dst(%dma_wait3A_135 : memref<128x128xf32, #tpu.memory_space<vmem>>)
      %dma_wait3A_142 = arith.constant 1 : i32
      %dma_wait3A_143 = arith.constant 0 : i32
      %dma_wait3A_144 = tpu.memref_slice %arg7[%dma_wait3A_142, %dma_wait3A_143] : memref<2x128xi32, #tpu.memory_space<vmem>> -> memref<1x128xi32, #tpu.memory_space<vmem>>
      %dma_wait3A_145 = tpu.memref_squeeze %dma_wait3A_144 : memref<1x128xi32, #tpu.memory_space<vmem>> -> memref<128xi32, #tpu.memory_space<vmem>>
      %dma_wait3A_146 = arith.constant 0 : i32
      %dma_wait3A_147 = tpu.memref_slice %arg3[%dma_wait3A_146] : memref<671744xi32, #tpu.memory_space<hbm>> -> memref<128xi32, #tpu.memory_space<hbm>>
      %dma_wait3A_148 = arith.constant 0 : i32
      %dma_wait3A_149 = tpu.memref_slice %arg7[%dma_wait3A_142, %dma_wait3A_148] : memref<2x128xi32, #tpu.memory_space<vmem>> -> memref<1x128xi32, #tpu.memory_space<vmem>>
      %dma_wait3A_150 = tpu.memref_squeeze %dma_wait3A_149 : memref<1x128xi32, #tpu.memory_space<vmem>> -> memref<128xi32, #tpu.memory_space<vmem>>
      %dma_wait3A_151 = arith.constant 0 : i32
      %dma_wait3A_152 = tpu.memref_slice %arg3[%dma_wait3A_151] : memref<671744xi32, #tpu.memory_space<hbm>> -> memref<128xi32, #tpu.memory_space<hbm>>
      tpu.wait_dma2 semaphore(%arg12 : memref<!tpu.dma_semaphore, #tpu.memory_space<semaphore_mem>>) src(%dma_wait3A_152 : memref<128xi32, #tpu.memory_space<hbm>>) dst(%dma_wait3A_150 : memref<128xi32, #tpu.memory_space<vmem>>)
      %dma_wait3A_153 = arith.constant 1 : i32
      %dma_wait3A_154 = arith.constant 0 : i32
      %dma_wait3A_155 = tpu.memref_slice %arg8[%dma_wait3A_153, %dma_wait3A_154] : memref<2x128xi32, #tpu.memory_space<vmem>> -> memref<1x128xi32, #tpu.memory_space<vmem>>
      %dma_wait3A_156 = tpu.memref_squeeze %dma_wait3A_155 : memref<1x128xi32, #tpu.memory_space<vmem>> -> memref<128xi32, #tpu.memory_space<vmem>>
      %dma_wait3A_157 = arith.constant 0 : i32
      %dma_wait3A_158 = tpu.memref_slice %arg4[%dma_wait3A_157] : memref<335872xi32, #tpu.memory_space<hbm>> -> memref<128xi32, #tpu.memory_space<hbm>>
      %dma_wait3A_159 = arith.constant 0 : i32
      %dma_wait3A_160 = tpu.memref_slice %arg8[%dma_wait3A_153, %dma_wait3A_159] : memref<2x128xi32, #tpu.memory_space<vmem>> -> memref<1x128xi32, #tpu.memory_space<vmem>>
      %dma_wait3A_161 = tpu.memref_squeeze %dma_wait3A_160 : memref<1x128xi32, #tpu.memory_space<vmem>> -> memref<128xi32, #tpu.memory_space<vmem>>
      %dma_wait3A_162 = arith.constant 0 : i32
      %dma_wait3A_163 = tpu.memref_slice %arg4[%dma_wait3A_162] : memref<335872xi32, #tpu.memory_space<hbm>> -> memref<128xi32, #tpu.memory_space<hbm>>
      tpu.wait_dma2 semaphore(%arg12 : memref<!tpu.dma_semaphore, #tpu.memory_space<semaphore_mem>>) src(%dma_wait3A_163 : memref<128xi32, #tpu.memory_space<hbm>>) dst(%dma_wait3A_161 : memref<128xi32, #tpu.memory_space<vmem>>)
      %dma_start3A_164 = arith.constant 1 : i32
      %dma_start3A_165 = arith.constant 1 : i32
      %dma_start3A_166 = arith.constant 0 : i32
      %dma_start3A_167 = arith.constant 0 : i32
      %dma_start3A_168 = tpu.memref_slice %arg9[%dma_start3A_165, %dma_start3A_166, %dma_start3A_167] : memref<2x128x128xf32, #tpu.memory_space<vmem>> -> memref<1x128x128xf32, #tpu.memory_space<vmem>>
      %dma_start3A_169 = tpu.memref_squeeze %dma_start3A_168 : memref<1x128x128xf32, #tpu.memory_space<vmem>> -> memref<128x128xf32, #tpu.memory_space<vmem>>
      %dma_start3A_170 = arith.constant 0 : i32
      %dma_start3A_171 = tpu.memref_slice %arg7[%dma_start3A_164, %dma_start3A_170] : memref<2x128xi32, #tpu.memory_space<vmem>> -> memref<1x128xi32, #tpu.memory_space<vmem>>
      %dma_start3A_172 = tpu.memref_squeeze %dma_start3A_171 : memref<1x128xi32, #tpu.memory_space<vmem>> -> memref<128xi32, #tpu.memory_space<vmem>>
      %dma_start3A_173 = arith.constant 0 : i32
      %dma_start3A_174 = arith.constant 0 : i32
      %dma_start3A_175 = tpu.memref_slice %arg2[%dma_start3A_173, %dma_start3A_174] : memref<20000x128xf32, #tpu.memory_space<hbm>> -> memref<20000x128xf32, #tpu.memory_space<hbm>>
      tpu.enqueue_indirect_dma source(%dma_start3A_175 : memref<20000x128xf32, #tpu.memory_space<hbm>>) target(%dma_start3A_169 : memref<128x128xf32, #tpu.memory_space<vmem>>) offsets(%dma_start3A_172 : memref<128xi32, #tpu.memory_space<vmem>>) semaphore(%arg14 : memref<!tpu.dma_semaphore, #tpu.memory_space<semaphore_mem>>)
      %run_scoped3A = arith.constant 0 : i32
      %run_scoped3A_176 = arith.constant 0 : i32
      "tpu.region"() ({
        %run_scoped3A_277 = tpu.sem_alloc : memref<!tpu.dma_semaphore, #tpu.memory_space<semaphore_mem>>
        %dma_start3A_278 = arith.constant 0 : i32
        %dma_start3A_279 = arith.constant 0 : i32
        %dma_start3A_280 = tpu.memref_slice %arg9[%run_scoped3A, %dma_start3A_278, %dma_start3A_279] : memref<2x128x128xf32, #tpu.memory_space<vmem>> -> memref<1x128x128xf32, #tpu.memory_space<vmem>>
        %dma_start3A_281 = tpu.memref_squeeze %dma_start3A_280 : memref<1x128x128xf32, #tpu.memory_space<vmem>> -> memref<128x128xf32, #tpu.memory_space<vmem>>
        %dma_start3A_282 = arith.constant 0 : i32
        %dma_start3A_283 = tpu.memref_slice %arg8[%run_scoped3A_176, %dma_start3A_282] : memref<2x128xi32, #tpu.memory_space<vmem>> -> memref<1x128xi32, #tpu.memory_space<vmem>>
        %dma_start3A_284 = tpu.memref_squeeze %dma_start3A_283 : memref<1x128xi32, #tpu.memory_space<vmem>> -> memref<128xi32, #tpu.memory_space<vmem>>
        %dma_start3A_285 = arith.constant 0 : i32
        %dma_start3A_286 = arith.constant 0 : i32
        %dma_start3A_287 = tpu.memref_slice %arg10[%dma_start3A_285, %dma_start3A_286] : memref<10240x128xf32, #tpu.memory_space<vmem_shared>> -> memref<10240x128xf32, #tpu.memory_space<vmem_shared>>
        tpu.enqueue_indirect_dma source(%dma_start3A_281 : memref<128x128xf32, #tpu.memory_space<vmem>>) target(%dma_start3A_287 : memref<10240x128xf32, #tpu.memory_space<vmem_shared>>) offsets(%dma_start3A_284 : memref<128xi32, #tpu.memory_space<vmem>>) semaphore(%run_scoped3A_277 : memref<!tpu.dma_semaphore, #tpu.memory_space<semaphore_mem>>) {add = true}
        %dma_wait3A_288 = arith.constant 0 : i32
        %dma_wait3A_289 = arith.constant 0 : i32
        %dma_wait3A_290 = tpu.memref_slice %arg9[%run_scoped3A, %dma_wait3A_288, %dma_wait3A_289] : memref<2x128x128xf32, #tpu.memory_space<vmem>> -> memref<1x128x128xf32, #tpu.memory_space<vmem>>
        %dma_wait3A_291 = tpu.memref_squeeze %dma_wait3A_290 : memref<1x128x128xf32, #tpu.memory_space<vmem>> -> memref<128x128xf32, #tpu.memory_space<vmem>>
        %dma_wait3A_292 = arith.constant 0 : i32
        %dma_wait3A_293 = tpu.memref_slice %arg8[%run_scoped3A_176, %dma_wait3A_292] : memref<2x128xi32, #tpu.memory_space<vmem>> -> memref<1x128xi32, #tpu.memory_space<vmem>>
        %dma_wait3A_294 = tpu.memref_squeeze %dma_wait3A_293 : memref<1x128xi32, #tpu.memory_space<vmem>> -> memref<128xi32, #tpu.memory_space<vmem>>
        %dma_wait3A_295 = arith.constant 0 : i32
        %dma_wait3A_296 = arith.constant 0 : i32
        %dma_wait3A_297 = tpu.memref_slice %arg10[%dma_wait3A_295, %dma_wait3A_296] : memref<10240x128xf32, #tpu.memory_space<vmem_shared>> -> memref<10240x128xf32, #tpu.memory_space<vmem_shared>>
        tpu.wait_indirect_dma semaphore(%run_scoped3A_277 : memref<!tpu.dma_semaphore, #tpu.memory_space<semaphore_mem>>) src(%dma_wait3A_291 : memref<128x128xf32, #tpu.memory_space<vmem>>) dst(%dma_wait3A_297 : memref<10240x128xf32, #tpu.memory_space<vmem_shared>>)
        tpu.yield
      }) : () -> ()
      %add3A_177 = arith.constant 2 : i32
      %add3A_178 = arith.addi %mul3A_129, %add3A_177 : i32
      %mul3A_179 = arith.constant 16 : i32
      %mul3A_180 = arith.muli %add3A_178, %mul3A_179 : i32
      %add3A_181 = arith.addi %arg1, %mul3A_180 : i32
      %mul3A_182 = arith.constant 128 : i32
      %mul3A_183 = arith.muli %add3A_181, %mul3A_182 : i32
      %add3A_184 = arith.addi %mul3A_2, %mul3A_183 : i32
      %dma_start3A_185 = arith.constant 0 : i32
      %dma_start3A_186 = arith.constant 0 : i32
      %dma_start3A_187 = tpu.memref_slice %arg7[%dma_start3A_185, %dma_start3A_186] : memref<2x128xi32, #tpu.memory_space<vmem>> -> memref<1x128xi32, #tpu.memory_space<vmem>>
      %dma_start3A_188 = tpu.memref_squeeze %dma_start3A_187 : memref<1x128xi32, #tpu.memory_space<vmem>> -> memref<128xi32, #tpu.memory_space<vmem>>
      %dma_start3A_189 = tpu.memref_slice %arg3[%add3A_184] : memref<671744xi32, #tpu.memory_space<hbm>> -> memref<128xi32, #tpu.memory_space<hbm>>
      %dma_start3A_190 = arith.constant 0 : i32
      %dma_start3A_191 = tpu.memref_slice %arg7[%dma_start3A_185, %dma_start3A_190] : memref<2x128xi32, #tpu.memory_space<vmem>> -> memref<1x128xi32, #tpu.memory_space<vmem>>
      %dma_start3A_192 = tpu.memref_squeeze %dma_start3A_191 : memref<1x128xi32, #tpu.memory_space<vmem>> -> memref<128xi32, #tpu.memory_space<vmem>>
      %dma_start3A_193 = tpu.memref_slice %arg3[%add3A_184] : memref<671744xi32, #tpu.memory_space<hbm>> -> memref<128xi32, #tpu.memory_space<hbm>>
      tpu.enqueue_dma source(%dma_start3A_193 : memref<128xi32, #tpu.memory_space<hbm>>) target(%dma_start3A_192 : memref<128xi32, #tpu.memory_space<vmem>>) target_semaphore(%arg11 : memref<!tpu.dma_semaphore, #tpu.memory_space<semaphore_mem>>)
      %dma_start3A_194 = arith.constant 0 : i32
      %dma_start3A_195 = arith.constant 0 : i32
      %dma_start3A_196 = tpu.memref_slice %arg8[%dma_start3A_194, %dma_start3A_195] : memref<2x128xi32, #tpu.memory_space<vmem>> -> memref<1x128xi32, #tpu.memory_space<vmem>>
      %dma_start3A_197 = tpu.memref_squeeze %dma_start3A_196 : memref<1x128xi32, #tpu.memory_space<vmem>> -> memref<128xi32, #tpu.memory_space<vmem>>
      %dma_start3A_198 = tpu.memref_slice %arg4[%mul3A_183] : memref<335872xi32, #tpu.memory_space<hbm>> -> memref<128xi32, #tpu.memory_space<hbm>>
      %dma_start3A_199 = arith.constant 0 : i32
      %dma_start3A_200 = tpu.memref_slice %arg8[%dma_start3A_194, %dma_start3A_199] : memref<2x128xi32, #tpu.memory_space<vmem>> -> memref<1x128xi32, #tpu.memory_space<vmem>>
      %dma_start3A_201 = tpu.memref_squeeze %dma_start3A_200 : memref<1x128xi32, #tpu.memory_space<vmem>> -> memref<128xi32, #tpu.memory_space<vmem>>
      %dma_start3A_202 = tpu.memref_slice %arg4[%mul3A_183] : memref<335872xi32, #tpu.memory_space<hbm>> -> memref<128xi32, #tpu.memory_space<hbm>>
      tpu.enqueue_dma source(%dma_start3A_202 : memref<128xi32, #tpu.memory_space<hbm>>) target(%dma_start3A_201 : memref<128xi32, #tpu.memory_space<vmem>>) target_semaphore(%arg11 : memref<!tpu.dma_semaphore, #tpu.memory_space<semaphore_mem>>)
      %dma_wait3A_203 = arith.constant 1 : i32
      %dma_wait3A_204 = arith.constant 1 : i32
      %dma_wait3A_205 = arith.constant 0 : i32
      %dma_wait3A_206 = arith.constant 0 : i32
      %dma_wait3A_207 = tpu.memref_slice %arg9[%dma_wait3A_204, %dma_wait3A_205, %dma_wait3A_206] : memref<2x128x128xf32, #tpu.memory_space<vmem>> -> memref<1x128x128xf32, #tpu.memory_space<vmem>>
      %dma_wait3A_208 = tpu.memref_squeeze %dma_wait3A_207 : memref<1x128x128xf32, #tpu.memory_space<vmem>> -> memref<128x128xf32, #tpu.memory_space<vmem>>
      %dma_wait3A_209 = arith.constant 0 : i32
      %dma_wait3A_210 = tpu.memref_slice %arg7[%dma_wait3A_203, %dma_wait3A_209] : memref<2x128xi32, #tpu.memory_space<vmem>> -> memref<1x128xi32, #tpu.memory_space<vmem>>
      %dma_wait3A_211 = tpu.memref_squeeze %dma_wait3A_210 : memref<1x128xi32, #tpu.memory_space<vmem>> -> memref<128xi32, #tpu.memory_space<vmem>>
      %dma_wait3A_212 = arith.constant 0 : i32
      %dma_wait3A_213 = arith.constant 0 : i32
      %dma_wait3A_214 = tpu.memref_slice %arg2[%dma_wait3A_212, %dma_wait3A_213] : memref<20000x128xf32, #tpu.memory_space<hbm>> -> memref<20000x128xf32, #tpu.memory_space<hbm>>
      tpu.wait_indirect_dma semaphore(%arg14 : memref<!tpu.dma_semaphore, #tpu.memory_space<semaphore_mem>>) src(%dma_wait3A_214 : memref<20000x128xf32, #tpu.memory_space<hbm>>) dst(%dma_wait3A_208 : memref<128x128xf32, #tpu.memory_space<vmem>>)
      %dma_wait3A_215 = arith.constant 0 : i32
      %dma_wait3A_216 = arith.constant 0 : i32
      %dma_wait3A_217 = tpu.memref_slice %arg7[%dma_wait3A_215, %dma_wait3A_216] : memref<2x128xi32, #tpu.memory_space<vmem>> -> memref<1x128xi32, #tpu.memory_space<vmem>>
      %dma_wait3A_218 = tpu.memref_squeeze %dma_wait3A_217 : memref<1x128xi32, #tpu.memory_space<vmem>> -> memref<128xi32, #tpu.memory_space<vmem>>
      %dma_wait3A_219 = arith.constant 0 : i32
      %dma_wait3A_220 = tpu.memref_slice %arg3[%dma_wait3A_219] : memref<671744xi32, #tpu.memory_space<hbm>> -> memref<128xi32, #tpu.memory_space<hbm>>
      %dma_wait3A_221 = arith.constant 0 : i32
      %dma_wait3A_222 = tpu.memref_slice %arg7[%dma_wait3A_215, %dma_wait3A_221] : memref<2x128xi32, #tpu.memory_space<vmem>> -> memref<1x128xi32, #tpu.memory_space<vmem>>
      %dma_wait3A_223 = tpu.memref_squeeze %dma_wait3A_222 : memref<1x128xi32, #tpu.memory_space<vmem>> -> memref<128xi32, #tpu.memory_space<vmem>>
      %dma_wait3A_224 = arith.constant 0 : i32
      %dma_wait3A_225 = tpu.memref_slice %arg3[%dma_wait3A_224] : memref<671744xi32, #tpu.memory_space<hbm>> -> memref<128xi32, #tpu.memory_space<hbm>>
      tpu.wait_dma2 semaphore(%arg11 : memref<!tpu.dma_semaphore, #tpu.memory_space<semaphore_mem>>) src(%dma_wait3A_225 : memref<128xi32, #tpu.memory_space<hbm>>) dst(%dma_wait3A_223 : memref<128xi32, #tpu.memory_space<vmem>>)
      %dma_wait3A_226 = arith.constant 0 : i32
      %dma_wait3A_227 = arith.constant 0 : i32
      %dma_wait3A_228 = tpu.memref_slice %arg8[%dma_wait3A_226, %dma_wait3A_227] : memref<2x128xi32, #tpu.memory_space<vmem>> -> memref<1x128xi32, #tpu.memory_space<vmem>>
      %dma_wait3A_229 = tpu.memref_squeeze %dma_wait3A_228 : memref<1x128xi32, #tpu.memory_space<vmem>> -> memref<128xi32, #tpu.memory_space<vmem>>
      %dma_wait3A_230 = arith.constant 0 : i32
      %dma_wait3A_231 = tpu.memref_slice %arg4[%dma_wait3A_230] : memref<335872xi32, #tpu.memory_space<hbm>> -> memref<128xi32, #tpu.memory_space<hbm>>
      %dma_wait3A_232 = arith.constant 0 : i32
      %dma_wait3A_233 = tpu.memref_slice %arg8[%dma_wait3A_226, %dma_wait3A_232] : memref<2x128xi32, #tpu.memory_space<vmem>> -> memref<1x128xi32, #tpu.memory_space<vmem>>
      %dma_wait3A_234 = tpu.memref_squeeze %dma_wait3A_233 : memref<1x128xi32, #tpu.memory_space<vmem>> -> memref<128xi32, #tpu.memory_space<vmem>>
      %dma_wait3A_235 = arith.constant 0 : i32
      %dma_wait3A_236 = tpu.memref_slice %arg4[%dma_wait3A_235] : memref<335872xi32, #tpu.memory_space<hbm>> -> memref<128xi32, #tpu.memory_space<hbm>>
      tpu.wait_dma2 semaphore(%arg11 : memref<!tpu.dma_semaphore, #tpu.memory_space<semaphore_mem>>) src(%dma_wait3A_236 : memref<128xi32, #tpu.memory_space<hbm>>) dst(%dma_wait3A_234 : memref<128xi32, #tpu.memory_space<vmem>>)
      %dma_start3A_237 = arith.constant 0 : i32
      %dma_start3A_238 = arith.constant 0 : i32
      %dma_start3A_239 = arith.constant 0 : i32
      %dma_start3A_240 = arith.constant 0 : i32
      %dma_start3A_241 = tpu.memref_slice %arg9[%dma_start3A_238, %dma_start3A_239, %dma_start3A_240] : memref<2x128x128xf32, #tpu.memory_space<vmem>> -> memref<1x128x128xf32, #tpu.memory_space<vmem>>
      %dma_start3A_242 = tpu.memref_squeeze %dma_start3A_241 : memref<1x128x128xf32, #tpu.memory_space<vmem>> -> memref<128x128xf32, #tpu.memory_space<vmem>>
      %dma_start3A_243 = arith.constant 0 : i32
      %dma_start3A_244 = tpu.memref_slice %arg7[%dma_start3A_237, %dma_start3A_243] : memref<2x128xi32, #tpu.memory_space<vmem>> -> memref<1x128xi32, #tpu.memory_space<vmem>>
      %dma_start3A_245 = tpu.memref_squeeze %dma_start3A_244 : memref<1x128xi32, #tpu.memory_space<vmem>> -> memref<128xi32, #tpu.memory_space<vmem>>
      %dma_start3A_246 = arith.constant 0 : i32
      %dma_start3A_247 = arith.constant 0 : i32
      %dma_start3A_248 = tpu.memref_slice %arg2[%dma_start3A_246, %dma_start3A_247] : memref<20000x128xf32, #tpu.memory_space<hbm>> -> memref<20000x128xf32, #tpu.memory_space<hbm>>
      tpu.enqueue_indirect_dma source(%dma_start3A_248 : memref<20000x128xf32, #tpu.memory_space<hbm>>) target(%dma_start3A_242 : memref<128x128xf32, #tpu.memory_space<vmem>>) offsets(%dma_start3A_245 : memref<128xi32, #tpu.memory_space<vmem>>) semaphore(%arg13 : memref<!tpu.dma_semaphore, #tpu.memory_space<semaphore_mem>>)
      %run_scoped3A_249 = arith.constant 1 : i32
      %run_scoped3A_250 = arith.constant 1 : i32
      "tpu.region"() ({
        %run_scoped3A_277 = tpu.sem_alloc : memref<!tpu.dma_semaphore, #tpu.memory_space<semaphore_mem>>
        %dma_start3A_278 = arith.constant 0 : i32
        %dma_start3A_279 = arith.constant 0 : i32
        %dma_start3A_280 = tpu.memref_slice %arg9[%run_scoped3A_249, %dma_start3A_278, %dma_start3A_279] : memref<2x128x128xf32, #tpu.memory_space<vmem>> -> memref<1x128x128xf32, #tpu.memory_space<vmem>>
        %dma_start3A_281 = tpu.memref_squeeze %dma_start3A_280 : memref<1x128x128xf32, #tpu.memory_space<vmem>> -> memref<128x128xf32, #tpu.memory_space<vmem>>
        %dma_start3A_282 = arith.constant 0 : i32
        %dma_start3A_283 = tpu.memref_slice %arg8[%run_scoped3A_250, %dma_start3A_282] : memref<2x128xi32, #tpu.memory_space<vmem>> -> memref<1x128xi32, #tpu.memory_space<vmem>>
        %dma_start3A_284 = tpu.memref_squeeze %dma_start3A_283 : memref<1x128xi32, #tpu.memory_space<vmem>> -> memref<128xi32, #tpu.memory_space<vmem>>
        %dma_start3A_285 = arith.constant 0 : i32
        %dma_start3A_286 = arith.constant 0 : i32
        %dma_start3A_287 = tpu.memref_slice %arg10[%dma_start3A_285, %dma_start3A_286] : memref<10240x128xf32, #tpu.memory_space<vmem_shared>> -> memref<10240x128xf32, #tpu.memory_space<vmem_shared>>
        tpu.enqueue_indirect_dma source(%dma_start3A_281 : memref<128x128xf32, #tpu.memory_space<vmem>>) target(%dma_start3A_287 : memref<10240x128xf32, #tpu.memory_space<vmem_shared>>) offsets(%dma_start3A_284 : memref<128xi32, #tpu.memory_space<vmem>>) semaphore(%run_scoped3A_277 : memref<!tpu.dma_semaphore, #tpu.memory_space<semaphore_mem>>) {add = true}
        %dma_wait3A_288 = arith.constant 0 : i32
        %dma_wait3A_289 = arith.constant 0 : i32
        %dma_wait3A_290 = tpu.memref_slice %arg9[%run_scoped3A_249, %dma_wait3A_288, %dma_wait3A_289] : memref<2x128x128xf32, #tpu.memory_space<vmem>> -> memref<1x128x128xf32, #tpu.memory_space<vmem>>
        %dma_wait3A_291 = tpu.memref_squeeze %dma_wait3A_290 : memref<1x128x128xf32, #tpu.memory_space<vmem>> -> memref<128x128xf32, #tpu.memory_space<vmem>>
        %dma_wait3A_292 = arith.constant 0 : i32
        %dma_wait3A_293 = tpu.memref_slice %arg8[%run_scoped3A_250, %dma_wait3A_292] : memref<2x128xi32, #tpu.memory_space<vmem>> -> memref<1x128xi32, #tpu.memory_space<vmem>>
        %dma_wait3A_294 = tpu.memref_squeeze %dma_wait3A_293 : memref<1x128xi32, #tpu.memory_space<vmem>> -> memref<128xi32, #tpu.memory_space<vmem>>
        %dma_wait3A_295 = arith.constant 0 : i32
        %dma_wait3A_296 = arith.constant 0 : i32
        %dma_wait3A_297 = tpu.memref_slice %arg10[%dma_wait3A_295, %dma_wait3A_296] : memref<10240x128xf32, #tpu.memory_space<vmem_shared>> -> memref<10240x128xf32, #tpu.memory_space<vmem_shared>>
        tpu.wait_indirect_dma semaphore(%run_scoped3A_277 : memref<!tpu.dma_semaphore, #tpu.memory_space<semaphore_mem>>) src(%dma_wait3A_291 : memref<128x128xf32, #tpu.memory_space<vmem>>) dst(%dma_wait3A_297 : memref<10240x128xf32, #tpu.memory_space<vmem_shared>>)
        tpu.yield
      }) : () -> ()
      %add3A_251 = arith.constant 3 : i32
      %add3A_252 = arith.addi %mul3A_129, %add3A_251 : i32
      %mul3A_253 = arith.constant 16 : i32
      %mul3A_254 = arith.muli %add3A_252, %mul3A_253 : i32
      %add3A_255 = arith.addi %arg1, %mul3A_254 : i32
      %mul3A_256 = arith.constant 128 : i32
      %mul3A_257 = arith.muli %add3A_255, %mul3A_256 : i32
      %add3A_258 = arith.addi %mul3A_2, %mul3A_257 : i32
      %dma_start3A_259 = arith.constant 1 : i32
      %dma_start3A_260 = arith.constant 0 : i32
      %dma_start3A_261 = tpu.memref_slice %arg7[%dma_start3A_259, %dma_start3A_260] : memref<2x128xi32, #tpu.memory_space<vmem>> -> memref<1x128xi32, #tpu.memory_space<vmem>>
      %dma_start3A_262 = tpu.memref_squeeze %dma_start3A_261 : memref<1x128xi32, #tpu.memory_space<vmem>> -> memref<128xi32, #tpu.memory_space<vmem>>
      %dma_start3A_263 = tpu.memref_slice %arg3[%add3A_258] : memref<671744xi32, #tpu.memory_space<hbm>> -> memref<128xi32, #tpu.memory_space<hbm>>
      %dma_start3A_264 = arith.constant 0 : i32
      %dma_start3A_265 = tpu.memref_slice %arg7[%dma_start3A_259, %dma_start3A_264] : memref<2x128xi32, #tpu.memory_space<vmem>> -> memref<1x128xi32, #tpu.memory_space<vmem>>
      %dma_start3A_266 = tpu.memref_squeeze %dma_start3A_265 : memref<1x128xi32, #tpu.memory_space<vmem>> -> memref<128xi32, #tpu.memory_space<vmem>>
      %dma_start3A_267 = tpu.memref_slice %arg3[%add3A_258] : memref<671744xi32, #tpu.memory_space<hbm>> -> memref<128xi32, #tpu.memory_space<hbm>>
      tpu.enqueue_dma source(%dma_start3A_267 : memref<128xi32, #tpu.memory_space<hbm>>) target(%dma_start3A_266 : memref<128xi32, #tpu.memory_space<vmem>>) target_semaphore(%arg12 : memref<!tpu.dma_semaphore, #tpu.memory_space<semaphore_mem>>)
      %dma_start3A_268 = arith.constant 1 : i32
      %dma_start3A_269 = arith.constant 0 : i32
      %dma_start3A_270 = tpu.memref_slice %arg8[%dma_start3A_268, %dma_start3A_269] : memref<2x128xi32, #tpu.memory_space<vmem>> -> memref<1x128xi32, #tpu.memory_space<vmem>>
      %dma_start3A_271 = tpu.memref_squeeze %dma_start3A_270 : memref<1x128xi32, #tpu.memory_space<vmem>> -> memref<128xi32, #tpu.memory_space<vmem>>
      %dma_start3A_272 = tpu.memref_slice %arg4[%mul3A_257] : memref<335872xi32, #tpu.memory_space<hbm>> -> memref<128xi32, #tpu.memory_space<hbm>>
      %dma_start3A_273 = arith.constant 0 : i32
      %dma_start3A_274 = tpu.memref_slice %arg8[%dma_start3A_268, %dma_start3A_273] : memref<2x128xi32, #tpu.memory_space<vmem>> -> memref<1x128xi32, #tpu.memory_space<vmem>>
      %dma_start3A_275 = tpu.memref_squeeze %dma_start3A_274 : memref<1x128xi32, #tpu.memory_space<vmem>> -> memref<128xi32, #tpu.memory_space<vmem>>
      %dma_start3A_276 = tpu.memref_slice %arg4[%mul3A_257] : memref<335872xi32, #tpu.memory_space<hbm>> -> memref<128xi32, #tpu.memory_space<hbm>>
      tpu.enqueue_dma source(%dma_start3A_276 : memref<128xi32, #tpu.memory_space<hbm>>) target(%dma_start3A_275 : memref<128xi32, #tpu.memory_space<vmem>>) target_semaphore(%arg12 : memref<!tpu.dma_semaphore, #tpu.memory_space<semaphore_mem>>)
    }
    %scan3A_84 = arith.constant 80 : i32
    %dma_wait3A_85 = arith.constant 0 : i32
    %dma_wait3A_86 = arith.constant 0 : i32
    %dma_wait3A_87 = arith.constant 0 : i32
    %dma_wait3A_88 = arith.constant 0 : i32
    %dma_wait3A_89 = tpu.memref_slice %arg9[%dma_wait3A_86, %dma_wait3A_87, %dma_wait3A_88] : memref<2x128x128xf32, #tpu.memory_space<vmem>> -> memref<1x128x128xf32, #tpu.memory_space<vmem>>
    %dma_wait3A_90 = tpu.memref_squeeze %dma_wait3A_89 : memref<1x128x128xf32, #tpu.memory_space<vmem>> -> memref<128x128xf32, #tpu.memory_space<vmem>>
    %dma_wait3A_91 = arith.constant 0 : i32
    %dma_wait3A_92 = tpu.memref_slice %arg7[%dma_wait3A_85, %dma_wait3A_91] : memref<2x128xi32, #tpu.memory_space<vmem>> -> memref<1x128xi32, #tpu.memory_space<vmem>>
    %dma_wait3A_93 = tpu.memref_squeeze %dma_wait3A_92 : memref<1x128xi32, #tpu.memory_space<vmem>> -> memref<128xi32, #tpu.memory_space<vmem>>
    %dma_wait3A_94 = arith.constant 0 : i32
    %dma_wait3A_95 = arith.constant 0 : i32
    %dma_wait3A_96 = tpu.memref_slice %arg2[%dma_wait3A_94, %dma_wait3A_95] : memref<20000x128xf32, #tpu.memory_space<hbm>> -> memref<20000x128xf32, #tpu.memory_space<hbm>>
    tpu.wait_indirect_dma semaphore(%arg13 : memref<!tpu.dma_semaphore, #tpu.memory_space<semaphore_mem>>) src(%dma_wait3A_96 : memref<20000x128xf32, #tpu.memory_space<hbm>>) dst(%dma_wait3A_90 : memref<128x128xf32, #tpu.memory_space<vmem>>)
    %dma_wait3A_97 = arith.constant 1 : i32
    %dma_wait3A_98 = arith.constant 0 : i32
    %dma_wait3A_99 = tpu.memref_slice %arg7[%dma_wait3A_97, %dma_wait3A_98] : memref<2x128xi32, #tpu.memory_space<vmem>> -> memref<1x128xi32, #tpu.memory_space<vmem>>
    %dma_wait3A_100 = tpu.memref_squeeze %dma_wait3A_99 : memref<1x128xi32, #tpu.memory_space<vmem>> -> memref<128xi32, #tpu.memory_space<vmem>>
    %dma_wait3A_101 = arith.constant 0 : i32
    %dma_wait3A_102 = tpu.memref_slice %arg3[%dma_wait3A_101] : memref<671744xi32, #tpu.memory_space<hbm>> -> memref<128xi32, #tpu.memory_space<hbm>>
    %dma_wait3A_103 = arith.constant 0 : i32
    %dma_wait3A_104 = tpu.memref_slice %arg7[%dma_wait3A_97, %dma_wait3A_103] : memref<2x128xi32, #tpu.memory_space<vmem>> -> memref<1x128xi32, #tpu.memory_space<vmem>>
    %dma_wait3A_105 = tpu.memref_squeeze %dma_wait3A_104 : memref<1x128xi32, #tpu.memory_space<vmem>> -> memref<128xi32, #tpu.memory_space<vmem>>
    %dma_wait3A_106 = arith.constant 0 : i32
    %dma_wait3A_107 = tpu.memref_slice %arg3[%dma_wait3A_106] : memref<671744xi32, #tpu.memory_space<hbm>> -> memref<128xi32, #tpu.memory_space<hbm>>
    tpu.wait_dma2 semaphore(%arg12 : memref<!tpu.dma_semaphore, #tpu.memory_space<semaphore_mem>>) src(%dma_wait3A_107 : memref<128xi32, #tpu.memory_space<hbm>>) dst(%dma_wait3A_105 : memref<128xi32, #tpu.memory_space<vmem>>)
    %dma_wait3A_108 = arith.constant 1 : i32
    %dma_wait3A_109 = arith.constant 0 : i32
    %dma_wait3A_110 = tpu.memref_slice %arg8[%dma_wait3A_108, %dma_wait3A_109] : memref<2x128xi32, #tpu.memory_space<vmem>> -> memref<1x128xi32, #tpu.memory_space<vmem>>
    %dma_wait3A_111 = tpu.memref_squeeze %dma_wait3A_110 : memref<1x128xi32, #tpu.memory_space<vmem>> -> memref<128xi32, #tpu.memory_space<vmem>>
    %dma_wait3A_112 = arith.constant 0 : i32
    %dma_wait3A_113 = tpu.memref_slice %arg4[%dma_wait3A_112] : memref<335872xi32, #tpu.memory_space<hbm>> -> memref<128xi32, #tpu.memory_space<hbm>>
    %dma_wait3A_114 = arith.constant 0 : i32
    %dma_wait3A_115 = tpu.memref_slice %arg8[%dma_wait3A_108, %dma_wait3A_114] : memref<2x128xi32, #tpu.memory_space<vmem>> -> memref<1x128xi32, #tpu.memory_space<vmem>>
    %dma_wait3A_116 = tpu.memref_squeeze %dma_wait3A_115 : memref<1x128xi32, #tpu.memory_space<vmem>> -> memref<128xi32, #tpu.memory_space<vmem>>
    %dma_wait3A_117 = arith.constant 0 : i32
    %dma_wait3A_118 = tpu.memref_slice %arg4[%dma_wait3A_117] : memref<335872xi32, #tpu.memory_space<hbm>> -> memref<128xi32, #tpu.memory_space<hbm>>
    tpu.wait_dma2 semaphore(%arg12 : memref<!tpu.dma_semaphore, #tpu.memory_space<semaphore_mem>>) src(%dma_wait3A_118 : memref<128xi32, #tpu.memory_space<hbm>>) dst(%dma_wait3A_116 : memref<128xi32, #tpu.memory_space<vmem>>)
    %barrier3A_119 = arith.constant 0 : index
    tpu.barrier barrier_id(%barrier3A_119)
    %mul3A_120 = arith.constant 10240 : i32
    %mul3A_121 = arith.muli %arg0, %mul3A_120 : i32
    %mul3A_122 = arith.constant 640 : i32
    %mul3A_123 = arith.muli %arg1, %mul3A_122 : i32
    %add3A_124 = arith.addi %mul3A_121, %mul3A_123 : i32
    %mul3A_125 = arith.constant 640 : i32
    %mul3A_126 = arith.muli %arg1, %mul3A_125 : i32
    "tpu.region"() ({
      %run_scoped3A = tpu.sem_alloc : memref<!tpu.dma_semaphore, #tpu.memory_space<semaphore_mem>>
      %dma_start3A_127 = arith.constant 0 : i32
      %dma_start3A_128 = tpu.memref_slice %arg6[%add3A_124, %dma_start3A_127] : memref<20480x128xf32, #tpu.memory_space<hbm>> -> memref<640x128xf32, #tpu.memory_space<hbm>>
      %dma_start3A_129 = arith.constant 0 : i32
      %dma_start3A_130 = tpu.memref_slice %arg10[%mul3A_126, %dma_start3A_129] : memref<10240x128xf32, #tpu.memory_space<vmem_shared>> -> memref<640x128xf32, #tpu.memory_space<vmem_shared>>
      tpu.enqueue_dma source(%dma_start3A_130 : memref<640x128xf32, #tpu.memory_space<vmem_shared>>) target(%dma_start3A_128 : memref<640x128xf32, #tpu.memory_space<hbm>>) target_semaphore(%run_scoped3A : memref<!tpu.dma_semaphore, #tpu.memory_space<semaphore_mem>>)
      %dma_wait3A_131 = arith.constant 0 : i32
      %dma_wait3A_132 = tpu.memref_slice %arg6[%add3A_124, %dma_wait3A_131] : memref<20480x128xf32, #tpu.memory_space<hbm>> -> memref<640x128xf32, #tpu.memory_space<hbm>>
      %dma_wait3A_133 = arith.constant 0 : i32
      %dma_wait3A_134 = tpu.memref_slice %arg10[%mul3A_126, %dma_wait3A_133] : memref<10240x128xf32, #tpu.memory_space<vmem_shared>> -> memref<640x128xf32, #tpu.memory_space<vmem_shared>>
      tpu.wait_dma2 semaphore(%run_scoped3A : memref<!tpu.dma_semaphore, #tpu.memory_space<semaphore_mem>>) src(%dma_wait3A_134 : memref<640x128xf32, #tpu.memory_space<vmem_shared>>) dst(%dma_wait3A_132 : memref<640x128xf32, #tpu.memory_space<hbm>>)
      tpu.yield
    }) : () -> ()
    return
  }
}

#map = affine_map<(d0, d1) -> (0, 0)>
#map1 = affine_map<(d0, d1) -> (0)>
module attributes {stable_mosaic.version = 14 : i64} {
  func.func @body(%arg0: i32, %arg1: i32, %arg2: memref<20000x128xf32, #tpu.memory_space<hbm>>, %arg3: memref<671744xi32, #tpu.memory_space<hbm>>, %arg4: memref<335872xi32, #tpu.memory_space<hbm>>, %arg5: memref<640x128xf32, #tpu.memory_space<hbm>>, %arg6: memref<20480x128xf32, #tpu.memory_space<hbm>>, %arg7: memref<2x128xi32, #tpu.memory_space<vmem>>, %arg8: memref<2x128xi32, #tpu.memory_space<vmem>>, %arg9: memref<2x128x128xf32, #tpu.memory_space<vmem>>, %arg10: memref<10240x128xf32, #tpu.memory_space<vmem_shared>>, %arg11: memref<!tpu.dma_semaphore, #tpu.memory_space<semaphore_mem>>, %arg12: memref<!tpu.dma_semaphore, #tpu.memory_space<semaphore_mem>>, %arg13: memref<!tpu.dma_semaphore, #tpu.memory_space<semaphore_mem>>, %arg14: memref<!tpu.dma_semaphore, #tpu.memory_space<semaphore_mem>>) attributes {dimension_semantics = [#tpu.dimension_semantics<core_parallel>, #tpu.dimension_semantics<subcore_parallel>], iteration_bounds = array<i64: 2, 16>, scalar_prefetch = 0 : i64, scratch_operands = 8 : i64, tpu.core_type = #tpu.core_type<sc_vector_subcore>, window_params = [{transform_indices = #map}, {transform_indices = #map1}, {transform_indices = #map1}, {transform_indices = #map}, {transform_indices = #map}]} {
    %mul3A = arith.constant 640 : i32
    %mul3A_0 = arith.muli %arg1, %mul3A : i32
    "tpu.region"() ({
      %run_scoped3A = tpu.sem_alloc : memref<!tpu.dma_semaphore, #tpu.memory_space<semaphore_mem>>
      %dma_start3A_127 = arith.constant 0 : i32
      %dma_start3A_128 = tpu.memref_slice %arg10[%mul3A_0, %dma_start3A_127] : memref<10240x128xf32, #tpu.memory_space<vmem_shared>> -> memref<640x128xf32, #tpu.memory_space<vmem_shared>>
      tpu.enqueue_dma source(%arg5 : memref<640x128xf32, #tpu.memory_space<hbm>>) target(%dma_start3A_128 : memref<640x128xf32, #tpu.memory_space<vmem_shared>>) target_semaphore(%run_scoped3A : memref<!tpu.dma_semaphore, #tpu.memory_space<semaphore_mem>>)
      %dma_wait3A_129 = arith.constant 0 : i32
      %dma_wait3A_130 = tpu.memref_slice %arg10[%mul3A_0, %dma_wait3A_129] : memref<10240x128xf32, #tpu.memory_space<vmem_shared>> -> memref<640x128xf32, #tpu.memory_space<vmem_shared>>
      tpu.wait_dma2 semaphore(%run_scoped3A : memref<!tpu.dma_semaphore, #tpu.memory_space<semaphore_mem>>) src(%arg5 : memref<640x128xf32, #tpu.memory_space<hbm>>) dst(%dma_wait3A_130 : memref<640x128xf32, #tpu.memory_space<vmem_shared>>)
      tpu.yield
    }) : () -> ()
    %barrier3A = arith.constant 0 : index
    tpu.barrier barrier_id(%barrier3A)
    %mul3A_1 = arith.constant 335872 : i32
    %mul3A_2 = arith.muli %arg0, %mul3A_1 : i32
    %add3A = arith.constant 0 : i32
    %add3A_3 = arith.addi %arg1, %add3A : i32
    %mul3A_4 = arith.constant 128 : i32
    %mul3A_5 = arith.muli %add3A_3, %mul3A_4 : i32
    %add3A_6 = arith.addi %mul3A_2, %mul3A_5 : i32
    %dma_start3A = arith.constant 0 : i32
    %dma_start3A_7 = arith.constant 0 : i32
    %dma_start3A_8 = tpu.memref_slice %arg7[%dma_start3A, %dma_start3A_7] : memref<2x128xi32, #tpu.memory_space<vmem>> -> memref<1x128xi32, #tpu.memory_space<vmem>>
    %dma_start3A_9 = tpu.memref_squeeze %dma_start3A_8 : memref<1x128xi32, #tpu.memory_space<vmem>> -> memref<128xi32, #tpu.memory_space<vmem>>
    %dma_start3A_10 = tpu.memref_slice %arg3[%add3A_6] : memref<671744xi32, #tpu.memory_space<hbm>> -> memref<128xi32, #tpu.memory_space<hbm>>
    %dma_start3A_11 = arith.constant 0 : i32
    %dma_start3A_12 = tpu.memref_slice %arg7[%dma_start3A, %dma_start3A_11] : memref<2x128xi32, #tpu.memory_space<vmem>> -> memref<1x128xi32, #tpu.memory_space<vmem>>
    %dma_start3A_13 = tpu.memref_squeeze %dma_start3A_12 : memref<1x128xi32, #tpu.memory_space<vmem>> -> memref<128xi32, #tpu.memory_space<vmem>>
    %dma_start3A_14 = tpu.memref_slice %arg3[%add3A_6] : memref<671744xi32, #tpu.memory_space<hbm>> -> memref<128xi32, #tpu.memory_space<hbm>>
    tpu.enqueue_dma source(%dma_start3A_14 : memref<128xi32, #tpu.memory_space<hbm>>) target(%dma_start3A_13 : memref<128xi32, #tpu.memory_space<vmem>>) target_semaphore(%arg11 : memref<!tpu.dma_semaphore, #tpu.memory_space<semaphore_mem>>)
    %dma_start3A_15 = arith.constant 0 : i32
    %dma_start3A_16 = arith.constant 0 : i32
    %dma_start3A_17 = tpu.memref_slice %arg8[%dma_start3A_15, %dma_start3A_16] : memref<2x128xi32, #tpu.memory_space<vmem>> -> memref<1x128xi32, #tpu.memory_space<vmem>>
    %dma_start3A_18 = tpu.memref_squeeze %dma_start3A_17 : memref<1x128xi32, #tpu.memory_space<vmem>> -> memref<128xi32, #tpu.memory_space<vmem>>
    %dma_start3A_19 = tpu.memref_slice %arg4[%mul3A_5] : memref<335872xi32, #tpu.memory_space<hbm>> -> memref<128xi32, #tpu.memory_space<hbm>>
    %dma_start3A_20 = arith.constant 0 : i32
    %dma_start3A_21 = tpu.memref_slice %arg8[%dma_start3A_15, %dma_start3A_20] : memref<2x128xi32, #tpu.memory_space<vmem>> -> memref<1x128xi32, #tpu.memory_space<vmem>>
    %dma_start3A_22 = tpu.memref_squeeze %dma_start3A_21 : memref<1x128xi32, #tpu.memory_space<vmem>> -> memref<128xi32, #tpu.memory_space<vmem>>
    %dma_start3A_23 = tpu.memref_slice %arg4[%mul3A_5] : memref<335872xi32, #tpu.memory_space<hbm>> -> memref<128xi32, #tpu.memory_space<hbm>>
    tpu.enqueue_dma source(%dma_start3A_23 : memref<128xi32, #tpu.memory_space<hbm>>) target(%dma_start3A_22 : memref<128xi32, #tpu.memory_space<vmem>>) target_semaphore(%arg11 : memref<!tpu.dma_semaphore, #tpu.memory_space<semaphore_mem>>)
    %add3A_24 = arith.constant 16 : i32
    %add3A_25 = arith.addi %arg1, %add3A_24 : i32
    %mul3A_26 = arith.constant 128 : i32
    %mul3A_27 = arith.muli %add3A_25, %mul3A_26 : i32
    %add3A_28 = arith.addi %mul3A_2, %mul3A_27 : i32
    %dma_start3A_29 = arith.constant 1 : i32
    %dma_start3A_30 = arith.constant 0 : i32
    %dma_start3A_31 = tpu.memref_slice %arg7[%dma_start3A_29, %dma_start3A_30] : memref<2x128xi32, #tpu.memory_space<vmem>> -> memref<1x128xi32, #tpu.memory_space<vmem>>
    %dma_start3A_32 = tpu.memref_squeeze %dma_start3A_31 : memref<1x128xi32, #tpu.memory_space<vmem>> -> memref<128xi32, #tpu.memory_space<vmem>>
    %dma_start3A_33 = tpu.memref_slice %arg3[%add3A_28] : memref<671744xi32, #tpu.memory_space<hbm>> -> memref<128xi32, #tpu.memory_space<hbm>>
    %dma_start3A_34 = arith.constant 0 : i32
    %dma_start3A_35 = tpu.memref_slice %arg7[%dma_start3A_29, %dma_start3A_34] : memref<2x128xi32, #tpu.memory_space<vmem>> -> memref<1x128xi32, #tpu.memory_space<vmem>>
    %dma_start3A_36 = tpu.memref_squeeze %dma_start3A_35 : memref<1x128xi32, #tpu.memory_space<vmem>> -> memref<128xi32, #tpu.memory_space<vmem>>
    %dma_start3A_37 = tpu.memref_slice %arg3[%add3A_28] : memref<671744xi32, #tpu.memory_space<hbm>> -> memref<128xi32, #tpu.memory_space<hbm>>
    tpu.enqueue_dma source(%dma_start3A_37 : memref<128xi32, #tpu.memory_space<hbm>>) target(%dma_start3A_36 : memref<128xi32, #tpu.memory_space<vmem>>) target_semaphore(%arg12 : memref<!tpu.dma_semaphore, #tpu.memory_space<semaphore_mem>>)
    %dma_start3A_38 = arith.constant 1 : i32
    %dma_start3A_39 = arith.constant 0 : i32
    %dma_start3A_40 = tpu.memref_slice %arg8[%dma_start3A_38, %dma_start3A_39] : memref<2x128xi32, #tpu.memory_space<vmem>> -> memref<1x128xi32, #tpu.memory_space<vmem>>
    %dma_start3A_41 = tpu.memref_squeeze %dma_start3A_40 : memref<1x128xi32, #tpu.memory_space<vmem>> -> memref<128xi32, #tpu.memory_space<vmem>>
    %dma_start3A_42 = tpu.memref_slice %arg4[%mul3A_27] : memref<335872xi32, #tpu.memory_space<hbm>> -> memref<128xi32, #tpu.memory_space<hbm>>
    %dma_start3A_43 = arith.constant 0 : i32
    %dma_start3A_44 = tpu.memref_slice %arg8[%dma_start3A_38, %dma_start3A_43] : memref<2x128xi32, #tpu.memory_space<vmem>> -> memref<1x128xi32, #tpu.memory_space<vmem>>
    %dma_start3A_45 = tpu.memref_squeeze %dma_start3A_44 : memref<1x128xi32, #tpu.memory_space<vmem>> -> memref<128xi32, #tpu.memory_space<vmem>>
    %dma_start3A_46 = tpu.memref_slice %arg4[%mul3A_27] : memref<335872xi32, #tpu.memory_space<hbm>> -> memref<128xi32, #tpu.memory_space<hbm>>
    tpu.enqueue_dma source(%dma_start3A_46 : memref<128xi32, #tpu.memory_space<hbm>>) target(%dma_start3A_45 : memref<128xi32, #tpu.memory_space<vmem>>) target_semaphore(%arg12 : memref<!tpu.dma_semaphore, #tpu.memory_space<semaphore_mem>>)
    %dma_wait3A = arith.constant 0 : i32
    %dma_wait3A_47 = arith.constant 0 : i32
    %dma_wait3A_48 = tpu.memref_slice %arg7[%dma_wait3A, %dma_wait3A_47] : memref<2x128xi32, #tpu.memory_space<vmem>> -> memref<1x128xi32, #tpu.memory_space<vmem>>
    %dma_wait3A_49 = tpu.memref_squeeze %dma_wait3A_48 : memref<1x128xi32, #tpu.memory_space<vmem>> -> memref<128xi32, #tpu.memory_space<vmem>>
    %dma_wait3A_50 = arith.constant 0 : i32
    %dma_wait3A_51 = tpu.memref_slice %arg3[%dma_wait3A_50] : memref<671744xi32, #tpu.memory_space<hbm>> -> memref<128xi32, #tpu.memory_space<hbm>>
    %dma_wait3A_52 = arith.constant 0 : i32
    %dma_wait3A_53 = tpu.memref_slice %arg7[%dma_wait3A, %dma_wait3A_52] : memref<2x128xi32, #tpu.memory_space<vmem>> -> memref<1x128xi32, #tpu.memory_space<vmem>>
    %dma_wait3A_54 = tpu.memref_squeeze %dma_wait3A_53 : memref<1x128xi32, #tpu.memory_space<vmem>> -> memref<128xi32, #tpu.memory_space<vmem>>
    %dma_wait3A_55 = arith.constant 0 : i32
    %dma_wait3A_56 = tpu.memref_slice %arg3[%dma_wait3A_55] : memref<671744xi32, #tpu.memory_space<hbm>> -> memref<128xi32, #tpu.memory_space<hbm>>
    tpu.wait_dma2 semaphore(%arg11 : memref<!tpu.dma_semaphore, #tpu.memory_space<semaphore_mem>>) src(%dma_wait3A_56 : memref<128xi32, #tpu.memory_space<hbm>>) dst(%dma_wait3A_54 : memref<128xi32, #tpu.memory_space<vmem>>)
    %dma_wait3A_57 = arith.constant 0 : i32
    %dma_wait3A_58 = arith.constant 0 : i32
    %dma_wait3A_59 = tpu.memref_slice %arg8[%dma_wait3A_57, %dma_wait3A_58] : memref<2x128xi32, #tpu.memory_space<vmem>> -> memref<1x128xi32, #tpu.memory_space<vmem>>
    %dma_wait3A_60 = tpu.memref_squeeze %dma_wait3A_59 : memref<1x128xi32, #tpu.memory_space<vmem>> -> memref<128xi32, #tpu.memory_space<vmem>>
    %dma_wait3A_61 = arith.constant 0 : i32
    %dma_wait3A_62 = tpu.memref_slice %arg4[%dma_wait3A_61] : memref<335872xi32, #tpu.memory_space<hbm>> -> memref<128xi32, #tpu.memory_space<hbm>>
    %dma_wait3A_63 = arith.constant 0 : i32
    %dma_wait3A_64 = tpu.memref_slice %arg8[%dma_wait3A_57, %dma_wait3A_63] : memref<2x128xi32, #tpu.memory_space<vmem>> -> memref<1x128xi32, #tpu.memory_space<vmem>>
    %dma_wait3A_65 = tpu.memref_squeeze %dma_wait3A_64 : memref<1x128xi32, #tpu.memory_space<vmem>> -> memref<128xi32, #tpu.memory_space<vmem>>
    %dma_wait3A_66 = arith.constant 0 : i32
    %dma_wait3A_67 = tpu.memref_slice %arg4[%dma_wait3A_66] : memref<335872xi32, #tpu.memory_space<hbm>> -> memref<128xi32, #tpu.memory_space<hbm>>
    tpu.wait_dma2 semaphore(%arg11 : memref<!tpu.dma_semaphore, #tpu.memory_space<semaphore_mem>>) src(%dma_wait3A_67 : memref<128xi32, #tpu.memory_space<hbm>>) dst(%dma_wait3A_65 : memref<128xi32, #tpu.memory_space<vmem>>)
    %dma_start3A_68 = arith.constant 0 : i32
    %dma_start3A_69 = arith.constant 0 : i32
    %dma_start3A_70 = arith.constant 0 : i32
    %dma_start3A_71 = arith.constant 0 : i32
    %dma_start3A_72 = tpu.memref_slice %arg9[%dma_start3A_69, %dma_start3A_70, %dma_start3A_71] : memref<2x128x128xf32, #tpu.memory_space<vmem>> -> memref<1x128x128xf32, #tpu.memory_space<vmem>>
    %dma_start3A_73 = tpu.memref_squeeze %dma_start3A_72 : memref<1x128x128xf32, #tpu.memory_space<vmem>> -> memref<128x128xf32, #tpu.memory_space<vmem>>
    %dma_start3A_74 = arith.constant 0 : i32
    %dma_start3A_75 = tpu.memref_slice %arg7[%dma_start3A_68, %dma_start3A_74] : memref<2x128xi32, #tpu.memory_space<vmem>> -> memref<1x128xi32, #tpu.memory_space<vmem>>
    %dma_start3A_76 = tpu.memref_squeeze %dma_start3A_75 : memref<1x128xi32, #tpu.memory_space<vmem>> -> memref<128xi32, #tpu.memory_space<vmem>>
    %dma_start3A_77 = arith.constant 0 : i32
    %dma_start3A_78 = arith.constant 0 : i32
    %dma_start3A_79 = tpu.memref_slice %arg2[%dma_start3A_77, %dma_start3A_78] : memref<20000x128xf32, #tpu.memory_space<hbm>> -> memref<20000x128xf32, #tpu.memory_space<hbm>>
    tpu.enqueue_indirect_dma source(%dma_start3A_79 : memref<20000x128xf32, #tpu.memory_space<hbm>>) target(%dma_start3A_73 : memref<128x128xf32, #tpu.memory_space<vmem>>) offsets(%dma_start3A_76 : memref<128xi32, #tpu.memory_space<vmem>>) semaphore(%arg13 : memref<!tpu.dma_semaphore, #tpu.memory_space<semaphore_mem>>)
    %scan3A = arith.constant 0 : i32
    %scan3A_80 = arith.constant 0 : i32
    %scan3A_81 = arith.constant 80 : i32
    %scan3A_82 = arith.addi %scan3A_80, %scan3A_81 : i32
    %scan3A_83 = arith.constant 1 : i32
    scf.for %scan3A_127 = %scan3A_80 to %scan3A_82 step %scan3A_83  : i32 {
      %mul3A_128 = arith.constant 2 : i32
      %mul3A_129 = arith.muli %mul3A_128, %scan3A_127 : i32
      %dma_wait3A_130 = arith.constant 0 : i32
      %dma_wait3A_131 = arith.constant 0 : i32
      %dma_wait3A_132 = arith.constant 0 : i32
      %dma_wait3A_133 = arith.constant 0 : i32
      %dma_wait3A_134 = tpu.memref_slice %arg9[%dma_wait3A_131, %dma_wait3A_132, %dma_wait3A_133] : memref<2x128x128xf32, #tpu.memory_space<vmem>> -> memref<1x128x128xf32, #tpu.memory_space<vmem>>
      %dma_wait3A_135 = tpu.memref_squeeze %dma_wait3A_134 : memref<1x128x128xf32, #tpu.memory_space<vmem>> -> memref<128x128xf32, #tpu.memory_space<vmem>>
      %dma_wait3A_136 = arith.constant 0 : i32
      %dma_wait3A_137 = tpu.memref_slice %arg7[%dma_wait3A_130, %dma_wait3A_136] : memref<2x128xi32, #tpu.memory_space<vmem>> -> memref<1x128xi32, #tpu.memory_space<vmem>>
      %dma_wait3A_138 = tpu.memref_squeeze %dma_wait3A_137 : memref<1x128xi32, #tpu.memory_space<vmem>> -> memref<128xi32, #tpu.memory_space<vmem>>
      %dma_wait3A_139 = arith.constant 0 : i32
      %dma_wait3A_140 = arith.constant 0 : i32
      %dma_wait3A_141 = tpu.memref_slice %arg2[%dma_wait3A_139, %dma_wait3A_140] : memref<20000x128xf32, #tpu.memory_space<hbm>> -> memref<20000x128xf32, #tpu.memory_space<hbm>>
      tpu.wait_indirect_dma semaphore(%arg13 : memref<!tpu.dma_semaphore, #tpu.memory_space<semaphore_mem>>) src(%dma_wait3A_141 : memref<20000x128xf32, #tpu.memory_space<hbm>>) dst(%dma_wait3A_135 : memref<128x128xf32, #tpu.memory_space<vmem>>)
      %dma_wait3A_142 = arith.constant 1 : i32
      %dma_wait3A_143 = arith.constant 0 : i32
      %dma_wait3A_144 = tpu.memref_slice %arg7[%dma_wait3A_142, %dma_wait3A_143] : memref<2x128xi32, #tpu.memory_space<vmem>> -> memref<1x128xi32, #tpu.memory_space<vmem>>
      %dma_wait3A_145 = tpu.memref_squeeze %dma_wait3A_144 : memref<1x128xi32, #tpu.memory_space<vmem>> -> memref<128xi32, #tpu.memory_space<vmem>>
      %dma_wait3A_146 = arith.constant 0 : i32
      %dma_wait3A_147 = tpu.memref_slice %arg3[%dma_wait3A_146] : memref<671744xi32, #tpu.memory_space<hbm>> -> memref<128xi32, #tpu.memory_space<hbm>>
      %dma_wait3A_148 = arith.constant 0 : i32
      %dma_wait3A_149 = tpu.memref_slice %arg7[%dma_wait3A_142, %dma_wait3A_148] : memref<2x128xi32, #tpu.memory_space<vmem>> -> memref<1x128xi32, #tpu.memory_space<vmem>>
      %dma_wait3A_150 = tpu.memref_squeeze %dma_wait3A_149 : memref<1x128xi32, #tpu.memory_space<vmem>> -> memref<128xi32, #tpu.memory_space<vmem>>
      %dma_wait3A_151 = arith.constant 0 : i32
      %dma_wait3A_152 = tpu.memref_slice %arg3[%dma_wait3A_151] : memref<671744xi32, #tpu.memory_space<hbm>> -> memref<128xi32, #tpu.memory_space<hbm>>
      tpu.wait_dma2 semaphore(%arg12 : memref<!tpu.dma_semaphore, #tpu.memory_space<semaphore_mem>>) src(%dma_wait3A_152 : memref<128xi32, #tpu.memory_space<hbm>>) dst(%dma_wait3A_150 : memref<128xi32, #tpu.memory_space<vmem>>)
      %dma_wait3A_153 = arith.constant 1 : i32
      %dma_wait3A_154 = arith.constant 0 : i32
      %dma_wait3A_155 = tpu.memref_slice %arg8[%dma_wait3A_153, %dma_wait3A_154] : memref<2x128xi32, #tpu.memory_space<vmem>> -> memref<1x128xi32, #tpu.memory_space<vmem>>
      %dma_wait3A_156 = tpu.memref_squeeze %dma_wait3A_155 : memref<1x128xi32, #tpu.memory_space<vmem>> -> memref<128xi32, #tpu.memory_space<vmem>>
      %dma_wait3A_157 = arith.constant 0 : i32
      %dma_wait3A_158 = tpu.memref_slice %arg4[%dma_wait3A_157] : memref<335872xi32, #tpu.memory_space<hbm>> -> memref<128xi32, #tpu.memory_space<hbm>>
      %dma_wait3A_159 = arith.constant 0 : i32
      %dma_wait3A_160 = tpu.memref_slice %arg8[%dma_wait3A_153, %dma_wait3A_159] : memref<2x128xi32, #tpu.memory_space<vmem>> -> memref<1x128xi32, #tpu.memory_space<vmem>>
      %dma_wait3A_161 = tpu.memref_squeeze %dma_wait3A_160 : memref<1x128xi32, #tpu.memory_space<vmem>> -> memref<128xi32, #tpu.memory_space<vmem>>
      %dma_wait3A_162 = arith.constant 0 : i32
      %dma_wait3A_163 = tpu.memref_slice %arg4[%dma_wait3A_162] : memref<335872xi32, #tpu.memory_space<hbm>> -> memref<128xi32, #tpu.memory_space<hbm>>
      tpu.wait_dma2 semaphore(%arg12 : memref<!tpu.dma_semaphore, #tpu.memory_space<semaphore_mem>>) src(%dma_wait3A_163 : memref<128xi32, #tpu.memory_space<hbm>>) dst(%dma_wait3A_161 : memref<128xi32, #tpu.memory_space<vmem>>)
      %dma_start3A_164 = arith.constant 1 : i32
      %dma_start3A_165 = arith.constant 1 : i32
      %dma_start3A_166 = arith.constant 0 : i32
      %dma_start3A_167 = arith.constant 0 : i32
      %dma_start3A_168 = tpu.memref_slice %arg9[%dma_start3A_165, %dma_start3A_166, %dma_start3A_167] : memref<2x128x128xf32, #tpu.memory_space<vmem>> -> memref<1x128x128xf32, #tpu.memory_space<vmem>>
      %dma_start3A_169 = tpu.memref_squeeze %dma_start3A_168 : memref<1x128x128xf32, #tpu.memory_space<vmem>> -> memref<128x128xf32, #tpu.memory_space<vmem>>
      %dma_start3A_170 = arith.constant 0 : i32
      %dma_start3A_171 = tpu.memref_slice %arg7[%dma_start3A_164, %dma_start3A_170] : memref<2x128xi32, #tpu.memory_space<vmem>> -> memref<1x128xi32, #tpu.memory_space<vmem>>
      %dma_start3A_172 = tpu.memref_squeeze %dma_start3A_171 : memref<1x128xi32, #tpu.memory_space<vmem>> -> memref<128xi32, #tpu.memory_space<vmem>>
      %dma_start3A_173 = arith.constant 0 : i32
      %dma_start3A_174 = arith.constant 0 : i32
      %dma_start3A_175 = tpu.memref_slice %arg2[%dma_start3A_173, %dma_start3A_174] : memref<20000x128xf32, #tpu.memory_space<hbm>> -> memref<20000x128xf32, #tpu.memory_space<hbm>>
      tpu.enqueue_indirect_dma source(%dma_start3A_175 : memref<20000x128xf32, #tpu.memory_space<hbm>>) target(%dma_start3A_169 : memref<128x128xf32, #tpu.memory_space<vmem>>) offsets(%dma_start3A_172 : memref<128xi32, #tpu.memory_space<vmem>>) semaphore(%arg14 : memref<!tpu.dma_semaphore, #tpu.memory_space<semaphore_mem>>)
      %run_scoped3A = arith.constant 0 : i32
      %run_scoped3A_176 = arith.constant 0 : i32
      "tpu.region"() ({
        %run_scoped3A_277 = tpu.sem_alloc : memref<!tpu.dma_semaphore, #tpu.memory_space<semaphore_mem>>
        %dma_start3A_278 = arith.constant 0 : i32
        %dma_start3A_279 = arith.constant 0 : i32
        %dma_start3A_280 = tpu.memref_slice %arg9[%run_scoped3A, %dma_start3A_278, %dma_start3A_279] : memref<2x128x128xf32, #tpu.memory_space<vmem>> -> memref<1x128x128xf32, #tpu.memory_space<vmem>>
        %dma_start3A_281 = tpu.memref_squeeze %dma_start3A_280 : memref<1x128x128xf32, #tpu.memory_space<vmem>> -> memref<128x128xf32, #tpu.memory_space<vmem>>
        %dma_start3A_282 = arith.constant 0 : i32
        %dma_start3A_283 = tpu.memref_slice %arg8[%run_scoped3A_176, %dma_start3A_282] : memref<2x128xi32, #tpu.memory_space<vmem>> -> memref<1x128xi32, #tpu.memory_space<vmem>>
        %dma_start3A_284 = tpu.memref_squeeze %dma_start3A_283 : memref<1x128xi32, #tpu.memory_space<vmem>> -> memref<128xi32, #tpu.memory_space<vmem>>
        %dma_start3A_285 = arith.constant 0 : i32
        %dma_start3A_286 = arith.constant 0 : i32
        %dma_start3A_287 = tpu.memref_slice %arg10[%dma_start3A_285, %dma_start3A_286] : memref<10240x128xf32, #tpu.memory_space<vmem_shared>> -> memref<10240x128xf32, #tpu.memory_space<vmem_shared>>
        tpu.enqueue_indirect_dma source(%dma_start3A_281 : memref<128x128xf32, #tpu.memory_space<vmem>>) target(%dma_start3A_287 : memref<10240x128xf32, #tpu.memory_space<vmem_shared>>) offsets(%dma_start3A_284 : memref<128xi32, #tpu.memory_space<vmem>>) semaphore(%run_scoped3A_277 : memref<!tpu.dma_semaphore, #tpu.memory_space<semaphore_mem>>) {add = true}
        %dma_wait3A_288 = arith.constant 0 : i32
        %dma_wait3A_289 = arith.constant 0 : i32
        %dma_wait3A_290 = tpu.memref_slice %arg9[%run_scoped3A, %dma_wait3A_288, %dma_wait3A_289] : memref<2x128x128xf32, #tpu.memory_space<vmem>> -> memref<1x128x128xf32, #tpu.memory_space<vmem>>
        %dma_wait3A_291 = tpu.memref_squeeze %dma_wait3A_290 : memref<1x128x128xf32, #tpu.memory_space<vmem>> -> memref<128x128xf32, #tpu.memory_space<vmem>>
        %dma_wait3A_292 = arith.constant 0 : i32
        %dma_wait3A_293 = tpu.memref_slice %arg8[%run_scoped3A_176, %dma_wait3A_292] : memref<2x128xi32, #tpu.memory_space<vmem>> -> memref<1x128xi32, #tpu.memory_space<vmem>>
        %dma_wait3A_294 = tpu.memref_squeeze %dma_wait3A_293 : memref<1x128xi32, #tpu.memory_space<vmem>> -> memref<128xi32, #tpu.memory_space<vmem>>
        %dma_wait3A_295 = arith.constant 0 : i32
        %dma_wait3A_296 = arith.constant 0 : i32
        %dma_wait3A_297 = tpu.memref_slice %arg10[%dma_wait3A_295, %dma_wait3A_296] : memref<10240x128xf32, #tpu.memory_space<vmem_shared>> -> memref<10240x128xf32, #tpu.memory_space<vmem_shared>>
        tpu.wait_indirect_dma semaphore(%run_scoped3A_277 : memref<!tpu.dma_semaphore, #tpu.memory_space<semaphore_mem>>) src(%dma_wait3A_291 : memref<128x128xf32, #tpu.memory_space<vmem>>) dst(%dma_wait3A_297 : memref<10240x128xf32, #tpu.memory_space<vmem_shared>>)
        tpu.yield
      }) : () -> ()
      %add3A_177 = arith.constant 2 : i32
      %add3A_178 = arith.addi %mul3A_129, %add3A_177 : i32
      %mul3A_179 = arith.constant 16 : i32
      %mul3A_180 = arith.muli %add3A_178, %mul3A_179 : i32
      %add3A_181 = arith.addi %arg1, %mul3A_180 : i32
      %mul3A_182 = arith.constant 128 : i32
      %mul3A_183 = arith.muli %add3A_181, %mul3A_182 : i32
      %add3A_184 = arith.addi %mul3A_2, %mul3A_183 : i32
      %dma_start3A_185 = arith.constant 0 : i32
      %dma_start3A_186 = arith.constant 0 : i32
      %dma_start3A_187 = tpu.memref_slice %arg7[%dma_start3A_185, %dma_start3A_186] : memref<2x128xi32, #tpu.memory_space<vmem>> -> memref<1x128xi32, #tpu.memory_space<vmem>>
      %dma_start3A_188 = tpu.memref_squeeze %dma_start3A_187 : memref<1x128xi32, #tpu.memory_space<vmem>> -> memref<128xi32, #tpu.memory_space<vmem>>
      %dma_start3A_189 = tpu.memref_slice %arg3[%add3A_184] : memref<671744xi32, #tpu.memory_space<hbm>> -> memref<128xi32, #tpu.memory_space<hbm>>
      %dma_start3A_190 = arith.constant 0 : i32
      %dma_start3A_191 = tpu.memref_slice %arg7[%dma_start3A_185, %dma_start3A_190] : memref<2x128xi32, #tpu.memory_space<vmem>> -> memref<1x128xi32, #tpu.memory_space<vmem>>
      %dma_start3A_192 = tpu.memref_squeeze %dma_start3A_191 : memref<1x128xi32, #tpu.memory_space<vmem>> -> memref<128xi32, #tpu.memory_space<vmem>>
      %dma_start3A_193 = tpu.memref_slice %arg3[%add3A_184] : memref<671744xi32, #tpu.memory_space<hbm>> -> memref<128xi32, #tpu.memory_space<hbm>>
      tpu.enqueue_dma source(%dma_start3A_193 : memref<128xi32, #tpu.memory_space<hbm>>) target(%dma_start3A_192 : memref<128xi32, #tpu.memory_space<vmem>>) target_semaphore(%arg11 : memref<!tpu.dma_semaphore, #tpu.memory_space<semaphore_mem>>)
      %dma_start3A_194 = arith.constant 0 : i32
      %dma_start3A_195 = arith.constant 0 : i32
      %dma_start3A_196 = tpu.memref_slice %arg8[%dma_start3A_194, %dma_start3A_195] : memref<2x128xi32, #tpu.memory_space<vmem>> -> memref<1x128xi32, #tpu.memory_space<vmem>>
      %dma_start3A_197 = tpu.memref_squeeze %dma_start3A_196 : memref<1x128xi32, #tpu.memory_space<vmem>> -> memref<128xi32, #tpu.memory_space<vmem>>
      %dma_start3A_198 = tpu.memref_slice %arg4[%mul3A_183] : memref<335872xi32, #tpu.memory_space<hbm>> -> memref<128xi32, #tpu.memory_space<hbm>>
      %dma_start3A_199 = arith.constant 0 : i32
      %dma_start3A_200 = tpu.memref_slice %arg8[%dma_start3A_194, %dma_start3A_199] : memref<2x128xi32, #tpu.memory_space<vmem>> -> memref<1x128xi32, #tpu.memory_space<vmem>>
      %dma_start3A_201 = tpu.memref_squeeze %dma_start3A_200 : memref<1x128xi32, #tpu.memory_space<vmem>> -> memref<128xi32, #tpu.memory_space<vmem>>
      %dma_start3A_202 = tpu.memref_slice %arg4[%mul3A_183] : memref<335872xi32, #tpu.memory_space<hbm>> -> memref<128xi32, #tpu.memory_space<hbm>>
      tpu.enqueue_dma source(%dma_start3A_202 : memref<128xi32, #tpu.memory_space<hbm>>) target(%dma_start3A_201 : memref<128xi32, #tpu.memory_space<vmem>>) target_semaphore(%arg11 : memref<!tpu.dma_semaphore, #tpu.memory_space<semaphore_mem>>)
      %dma_wait3A_203 = arith.constant 1 : i32
      %dma_wait3A_204 = arith.constant 1 : i32
      %dma_wait3A_205 = arith.constant 0 : i32
      %dma_wait3A_206 = arith.constant 0 : i32
      %dma_wait3A_207 = tpu.memref_slice %arg9[%dma_wait3A_204, %dma_wait3A_205, %dma_wait3A_206] : memref<2x128x128xf32, #tpu.memory_space<vmem>> -> memref<1x128x128xf32, #tpu.memory_space<vmem>>
      %dma_wait3A_208 = tpu.memref_squeeze %dma_wait3A_207 : memref<1x128x128xf32, #tpu.memory_space<vmem>> -> memref<128x128xf32, #tpu.memory_space<vmem>>
      %dma_wait3A_209 = arith.constant 0 : i32
      %dma_wait3A_210 = tpu.memref_slice %arg7[%dma_wait3A_203, %dma_wait3A_209] : memref<2x128xi32, #tpu.memory_space<vmem>> -> memref<1x128xi32, #tpu.memory_space<vmem>>
      %dma_wait3A_211 = tpu.memref_squeeze %dma_wait3A_210 : memref<1x128xi32, #tpu.memory_space<vmem>> -> memref<128xi32, #tpu.memory_space<vmem>>
      %dma_wait3A_212 = arith.constant 0 : i32
      %dma_wait3A_213 = arith.constant 0 : i32
      %dma_wait3A_214 = tpu.memref_slice %arg2[%dma_wait3A_212, %dma_wait3A_213] : memref<20000x128xf32, #tpu.memory_space<hbm>> -> memref<20000x128xf32, #tpu.memory_space<hbm>>
      tpu.wait_indirect_dma semaphore(%arg14 : memref<!tpu.dma_semaphore, #tpu.memory_space<semaphore_mem>>) src(%dma_wait3A_214 : memref<20000x128xf32, #tpu.memory_space<hbm>>) dst(%dma_wait3A_208 : memref<128x128xf32, #tpu.memory_space<vmem>>)
      %dma_wait3A_215 = arith.constant 0 : i32
      %dma_wait3A_216 = arith.constant 0 : i32
      %dma_wait3A_217 = tpu.memref_slice %arg7[%dma_wait3A_215, %dma_wait3A_216] : memref<2x128xi32, #tpu.memory_space<vmem>> -> memref<1x128xi32, #tpu.memory_space<vmem>>
      %dma_wait3A_218 = tpu.memref_squeeze %dma_wait3A_217 : memref<1x128xi32, #tpu.memory_space<vmem>> -> memref<128xi32, #tpu.memory_space<vmem>>
      %dma_wait3A_219 = arith.constant 0 : i32
      %dma_wait3A_220 = tpu.memref_slice %arg3[%dma_wait3A_219] : memref<671744xi32, #tpu.memory_space<hbm>> -> memref<128xi32, #tpu.memory_space<hbm>>
      %dma_wait3A_221 = arith.constant 0 : i32
      %dma_wait3A_222 = tpu.memref_slice %arg7[%dma_wait3A_215, %dma_wait3A_221] : memref<2x128xi32, #tpu.memory_space<vmem>> -> memref<1x128xi32, #tpu.memory_space<vmem>>
      %dma_wait3A_223 = tpu.memref_squeeze %dma_wait3A_222 : memref<1x128xi32, #tpu.memory_space<vmem>> -> memref<128xi32, #tpu.memory_space<vmem>>
      %dma_wait3A_224 = arith.constant 0 : i32
      %dma_wait3A_225 = tpu.memref_slice %arg3[%dma_wait3A_224] : memref<671744xi32, #tpu.memory_space<hbm>> -> memref<128xi32, #tpu.memory_space<hbm>>
      tpu.wait_dma2 semaphore(%arg11 : memref<!tpu.dma_semaphore, #tpu.memory_space<semaphore_mem>>) src(%dma_wait3A_225 : memref<128xi32, #tpu.memory_space<hbm>>) dst(%dma_wait3A_223 : memref<128xi32, #tpu.memory_space<vmem>>)
      %dma_wait3A_226 = arith.constant 0 : i32
      %dma_wait3A_227 = arith.constant 0 : i32
      %dma_wait3A_228 = tpu.memref_slice %arg8[%dma_wait3A_226, %dma_wait3A_227] : memref<2x128xi32, #tpu.memory_space<vmem>> -> memref<1x128xi32, #tpu.memory_space<vmem>>
      %dma_wait3A_229 = tpu.memref_squeeze %dma_wait3A_228 : memref<1x128xi32, #tpu.memory_space<vmem>> -> memref<128xi32, #tpu.memory_space<vmem>>
      %dma_wait3A_230 = arith.constant 0 : i32
      %dma_wait3A_231 = tpu.memref_slice %arg4[%dma_wait3A_230] : memref<335872xi32, #tpu.memory_space<hbm>> -> memref<128xi32, #tpu.memory_space<hbm>>
      %dma_wait3A_232 = arith.constant 0 : i32
      %dma_wait3A_233 = tpu.memref_slice %arg8[%dma_wait3A_226, %dma_wait3A_232] : memref<2x128xi32, #tpu.memory_space<vmem>> -> memref<1x128xi32, #tpu.memory_space<vmem>>
      %dma_wait3A_234 = tpu.memref_squeeze %dma_wait3A_233 : memref<1x128xi32, #tpu.memory_space<vmem>> -> memref<128xi32, #tpu.memory_space<vmem>>
      %dma_wait3A_235 = arith.constant 0 : i32
      %dma_wait3A_236 = tpu.memref_slice %arg4[%dma_wait3A_235] : memref<335872xi32, #tpu.memory_space<hbm>> -> memref<128xi32, #tpu.memory_space<hbm>>
      tpu.wait_dma2 semaphore(%arg11 : memref<!tpu.dma_semaphore, #tpu.memory_space<semaphore_mem>>) src(%dma_wait3A_236 : memref<128xi32, #tpu.memory_space<hbm>>) dst(%dma_wait3A_234 : memref<128xi32, #tpu.memory_space<vmem>>)
      %dma_start3A_237 = arith.constant 0 : i32
      %dma_start3A_238 = arith.constant 0 : i32
      %dma_start3A_239 = arith.constant 0 : i32
      %dma_start3A_240 = arith.constant 0 : i32
      %dma_start3A_241 = tpu.memref_slice %arg9[%dma_start3A_238, %dma_start3A_239, %dma_start3A_240] : memref<2x128x128xf32, #tpu.memory_space<vmem>> -> memref<1x128x128xf32, #tpu.memory_space<vmem>>
      %dma_start3A_242 = tpu.memref_squeeze %dma_start3A_241 : memref<1x128x128xf32, #tpu.memory_space<vmem>> -> memref<128x128xf32, #tpu.memory_space<vmem>>
      %dma_start3A_243 = arith.constant 0 : i32
      %dma_start3A_244 = tpu.memref_slice %arg7[%dma_start3A_237, %dma_start3A_243] : memref<2x128xi32, #tpu.memory_space<vmem>> -> memref<1x128xi32, #tpu.memory_space<vmem>>
      %dma_start3A_245 = tpu.memref_squeeze %dma_start3A_244 : memref<1x128xi32, #tpu.memory_space<vmem>> -> memref<128xi32, #tpu.memory_space<vmem>>
      %dma_start3A_246 = arith.constant 0 : i32
      %dma_start3A_247 = arith.constant 0 : i32
      %dma_start3A_248 = tpu.memref_slice %arg2[%dma_start3A_246, %dma_start3A_247] : memref<20000x128xf32, #tpu.memory_space<hbm>> -> memref<20000x128xf32, #tpu.memory_space<hbm>>
      tpu.enqueue_indirect_dma source(%dma_start3A_248 : memref<20000x128xf32, #tpu.memory_space<hbm>>) target(%dma_start3A_242 : memref<128x128xf32, #tpu.memory_space<vmem>>) offsets(%dma_start3A_245 : memref<128xi32, #tpu.memory_space<vmem>>) semaphore(%arg13 : memref<!tpu.dma_semaphore, #tpu.memory_space<semaphore_mem>>)
      %run_scoped3A_249 = arith.constant 1 : i32
      %run_scoped3A_250 = arith.constant 1 : i32
      "tpu.region"() ({
        %run_scoped3A_277 = tpu.sem_alloc : memref<!tpu.dma_semaphore, #tpu.memory_space<semaphore_mem>>
        %dma_start3A_278 = arith.constant 0 : i32
        %dma_start3A_279 = arith.constant 0 : i32
        %dma_start3A_280 = tpu.memref_slice %arg9[%run_scoped3A_249, %dma_start3A_278, %dma_start3A_279] : memref<2x128x128xf32, #tpu.memory_space<vmem>> -> memref<1x128x128xf32, #tpu.memory_space<vmem>>
        %dma_start3A_281 = tpu.memref_squeeze %dma_start3A_280 : memref<1x128x128xf32, #tpu.memory_space<vmem>> -> memref<128x128xf32, #tpu.memory_space<vmem>>
        %dma_start3A_282 = arith.constant 0 : i32
        %dma_start3A_283 = tpu.memref_slice %arg8[%run_scoped3A_250, %dma_start3A_282] : memref<2x128xi32, #tpu.memory_space<vmem>> -> memref<1x128xi32, #tpu.memory_space<vmem>>
        %dma_start3A_284 = tpu.memref_squeeze %dma_start3A_283 : memref<1x128xi32, #tpu.memory_space<vmem>> -> memref<128xi32, #tpu.memory_space<vmem>>
        %dma_start3A_285 = arith.constant 0 : i32
        %dma_start3A_286 = arith.constant 0 : i32
        %dma_start3A_287 = tpu.memref_slice %arg10[%dma_start3A_285, %dma_start3A_286] : memref<10240x128xf32, #tpu.memory_space<vmem_shared>> -> memref<10240x128xf32, #tpu.memory_space<vmem_shared>>
        tpu.enqueue_indirect_dma source(%dma_start3A_281 : memref<128x128xf32, #tpu.memory_space<vmem>>) target(%dma_start3A_287 : memref<10240x128xf32, #tpu.memory_space<vmem_shared>>) offsets(%dma_start3A_284 : memref<128xi32, #tpu.memory_space<vmem>>) semaphore(%run_scoped3A_277 : memref<!tpu.dma_semaphore, #tpu.memory_space<semaphore_mem>>) {add = true}
        %dma_wait3A_288 = arith.constant 0 : i32
        %dma_wait3A_289 = arith.constant 0 : i32
        %dma_wait3A_290 = tpu.memref_slice %arg9[%run_scoped3A_249, %dma_wait3A_288, %dma_wait3A_289] : memref<2x128x128xf32, #tpu.memory_space<vmem>> -> memref<1x128x128xf32, #tpu.memory_space<vmem>>
        %dma_wait3A_291 = tpu.memref_squeeze %dma_wait3A_290 : memref<1x128x128xf32, #tpu.memory_space<vmem>> -> memref<128x128xf32, #tpu.memory_space<vmem>>
        %dma_wait3A_292 = arith.constant 0 : i32
        %dma_wait3A_293 = tpu.memref_slice %arg8[%run_scoped3A_250, %dma_wait3A_292] : memref<2x128xi32, #tpu.memory_space<vmem>> -> memref<1x128xi32, #tpu.memory_space<vmem>>
        %dma_wait3A_294 = tpu.memref_squeeze %dma_wait3A_293 : memref<1x128xi32, #tpu.memory_space<vmem>> -> memref<128xi32, #tpu.memory_space<vmem>>
        %dma_wait3A_295 = arith.constant 0 : i32
        %dma_wait3A_296 = arith.constant 0 : i32
        %dma_wait3A_297 = tpu.memref_slice %arg10[%dma_wait3A_295, %dma_wait3A_296] : memref<10240x128xf32, #tpu.memory_space<vmem_shared>> -> memref<10240x128xf32, #tpu.memory_space<vmem_shared>>
        tpu.wait_indirect_dma semaphore(%run_scoped3A_277 : memref<!tpu.dma_semaphore, #tpu.memory_space<semaphore_mem>>) src(%dma_wait3A_291 : memref<128x128xf32, #tpu.memory_space<vmem>>) dst(%dma_wait3A_297 : memref<10240x128xf32, #tpu.memory_space<vmem_shared>>)
        tpu.yield
      }) : () -> ()
      %add3A_251 = arith.constant 3 : i32
      %add3A_252 = arith.addi %mul3A_129, %add3A_251 : i32
      %mul3A_253 = arith.constant 16 : i32
      %mul3A_254 = arith.muli %add3A_252, %mul3A_253 : i32
      %add3A_255 = arith.addi %arg1, %mul3A_254 : i32
      %mul3A_256 = arith.constant 128 : i32
      %mul3A_257 = arith.muli %add3A_255, %mul3A_256 : i32
      %add3A_258 = arith.addi %mul3A_2, %mul3A_257 : i32
      %dma_start3A_259 = arith.constant 1 : i32
      %dma_start3A_260 = arith.constant 0 : i32
      %dma_start3A_261 = tpu.memref_slice %arg7[%dma_start3A_259, %dma_start3A_260] : memref<2x128xi32, #tpu.memory_space<vmem>> -> memref<1x128xi32, #tpu.memory_space<vmem>>
      %dma_start3A_262 = tpu.memref_squeeze %dma_start3A_261 : memref<1x128xi32, #tpu.memory_space<vmem>> -> memref<128xi32, #tpu.memory_space<vmem>>
      %dma_start3A_263 = tpu.memref_slice %arg3[%add3A_258] : memref<671744xi32, #tpu.memory_space<hbm>> -> memref<128xi32, #tpu.memory_space<hbm>>
      %dma_start3A_264 = arith.constant 0 : i32
      %dma_start3A_265 = tpu.memref_slice %arg7[%dma_start3A_259, %dma_start3A_264] : memref<2x128xi32, #tpu.memory_space<vmem>> -> memref<1x128xi32, #tpu.memory_space<vmem>>
      %dma_start3A_266 = tpu.memref_squeeze %dma_start3A_265 : memref<1x128xi32, #tpu.memory_space<vmem>> -> memref<128xi32, #tpu.memory_space<vmem>>
      %dma_start3A_267 = tpu.memref_slice %arg3[%add3A_258] : memref<671744xi32, #tpu.memory_space<hbm>> -> memref<128xi32, #tpu.memory_space<hbm>>
      tpu.enqueue_dma source(%dma_start3A_267 : memref<128xi32, #tpu.memory_space<hbm>>) target(%dma_start3A_266 : memref<128xi32, #tpu.memory_space<vmem>>) target_semaphore(%arg12 : memref<!tpu.dma_semaphore, #tpu.memory_space<semaphore_mem>>)
      %dma_start3A_268 = arith.constant 1 : i32
      %dma_start3A_269 = arith.constant 0 : i32
      %dma_start3A_270 = tpu.memref_slice %arg8[%dma_start3A_268, %dma_start3A_269] : memref<2x128xi32, #tpu.memory_space<vmem>> -> memref<1x128xi32, #tpu.memory_space<vmem>>
      %dma_start3A_271 = tpu.memref_squeeze %dma_start3A_270 : memref<1x128xi32, #tpu.memory_space<vmem>> -> memref<128xi32, #tpu.memory_space<vmem>>
      %dma_start3A_272 = tpu.memref_slice %arg4[%mul3A_257] : memref<335872xi32, #tpu.memory_space<hbm>> -> memref<128xi32, #tpu.memory_space<hbm>>
      %dma_start3A_273 = arith.constant 0 : i32
      %dma_start3A_274 = tpu.memref_slice %arg8[%dma_start3A_268, %dma_start3A_273] : memref<2x128xi32, #tpu.memory_space<vmem>> -> memref<1x128xi32, #tpu.memory_space<vmem>>
      %dma_start3A_275 = tpu.memref_squeeze %dma_start3A_274 : memref<1x128xi32, #tpu.memory_space<vmem>> -> memref<128xi32, #tpu.memory_space<vmem>>
      %dma_start3A_276 = tpu.memref_slice %arg4[%mul3A_257] : memref<335872xi32, #tpu.memory_space<hbm>> -> memref<128xi32, #tpu.memory_space<hbm>>
      tpu.enqueue_dma source(%dma_start3A_276 : memref<128xi32, #tpu.memory_space<hbm>>) target(%dma_start3A_275 : memref<128xi32, #tpu.memory_space<vmem>>) target_semaphore(%arg12 : memref<!tpu.dma_semaphore, #tpu.memory_space<semaphore_mem>>)
    }
    %scan3A_84 = arith.constant 80 : i32
    %dma_wait3A_85 = arith.constant 0 : i32
    %dma_wait3A_86 = arith.constant 0 : i32
    %dma_wait3A_87 = arith.constant 0 : i32
    %dma_wait3A_88 = arith.constant 0 : i32
    %dma_wait3A_89 = tpu.memref_slice %arg9[%dma_wait3A_86, %dma_wait3A_87, %dma_wait3A_88] : memref<2x128x128xf32, #tpu.memory_space<vmem>> -> memref<1x128x128xf32, #tpu.memory_space<vmem>>
    %dma_wait3A_90 = tpu.memref_squeeze %dma_wait3A_89 : memref<1x128x128xf32, #tpu.memory_space<vmem>> -> memref<128x128xf32, #tpu.memory_space<vmem>>
    %dma_wait3A_91 = arith.constant 0 : i32
    %dma_wait3A_92 = tpu.memref_slice %arg7[%dma_wait3A_85, %dma_wait3A_91] : memref<2x128xi32, #tpu.memory_space<vmem>> -> memref<1x128xi32, #tpu.memory_space<vmem>>
    %dma_wait3A_93 = tpu.memref_squeeze %dma_wait3A_92 : memref<1x128xi32, #tpu.memory_space<vmem>> -> memref<128xi32, #tpu.memory_space<vmem>>
    %dma_wait3A_94 = arith.constant 0 : i32
    %dma_wait3A_95 = arith.constant 0 : i32
    %dma_wait3A_96 = tpu.memref_slice %arg2[%dma_wait3A_94, %dma_wait3A_95] : memref<20000x128xf32, #tpu.memory_space<hbm>> -> memref<20000x128xf32, #tpu.memory_space<hbm>>
    tpu.wait_indirect_dma semaphore(%arg13 : memref<!tpu.dma_semaphore, #tpu.memory_space<semaphore_mem>>) src(%dma_wait3A_96 : memref<20000x128xf32, #tpu.memory_space<hbm>>) dst(%dma_wait3A_90 : memref<128x128xf32, #tpu.memory_space<vmem>>)
    %dma_wait3A_97 = arith.constant 1 : i32
    %dma_wait3A_98 = arith.constant 0 : i32
    %dma_wait3A_99 = tpu.memref_slice %arg7[%dma_wait3A_97, %dma_wait3A_98] : memref<2x128xi32, #tpu.memory_space<vmem>> -> memref<1x128xi32, #tpu.memory_space<vmem>>
    %dma_wait3A_100 = tpu.memref_squeeze %dma_wait3A_99 : memref<1x128xi32, #tpu.memory_space<vmem>> -> memref<128xi32, #tpu.memory_space<vmem>>
    %dma_wait3A_101 = arith.constant 0 : i32
    %dma_wait3A_102 = tpu.memref_slice %arg3[%dma_wait3A_101] : memref<671744xi32, #tpu.memory_space<hbm>> -> memref<128xi32, #tpu.memory_space<hbm>>
    %dma_wait3A_103 = arith.constant 0 : i32
    %dma_wait3A_104 = tpu.memref_slice %arg7[%dma_wait3A_97, %dma_wait3A_103] : memref<2x128xi32, #tpu.memory_space<vmem>> -> memref<1x128xi32, #tpu.memory_space<vmem>>
    %dma_wait3A_105 = tpu.memref_squeeze %dma_wait3A_104 : memref<1x128xi32, #tpu.memory_space<vmem>> -> memref<128xi32, #tpu.memory_space<vmem>>
    %dma_wait3A_106 = arith.constant 0 : i32
    %dma_wait3A_107 = tpu.memref_slice %arg3[%dma_wait3A_106] : memref<671744xi32, #tpu.memory_space<hbm>> -> memref<128xi32, #tpu.memory_space<hbm>>
    tpu.wait_dma2 semaphore(%arg12 : memref<!tpu.dma_semaphore, #tpu.memory_space<semaphore_mem>>) src(%dma_wait3A_107 : memref<128xi32, #tpu.memory_space<hbm>>) dst(%dma_wait3A_105 : memref<128xi32, #tpu.memory_space<vmem>>)
    %dma_wait3A_108 = arith.constant 1 : i32
    %dma_wait3A_109 = arith.constant 0 : i32
    %dma_wait3A_110 = tpu.memref_slice %arg8[%dma_wait3A_108, %dma_wait3A_109] : memref<2x128xi32, #tpu.memory_space<vmem>> -> memref<1x128xi32, #tpu.memory_space<vmem>>
    %dma_wait3A_111 = tpu.memref_squeeze %dma_wait3A_110 : memref<1x128xi32, #tpu.memory_space<vmem>> -> memref<128xi32, #tpu.memory_space<vmem>>
    %dma_wait3A_112 = arith.constant 0 : i32
    %dma_wait3A_113 = tpu.memref_slice %arg4[%dma_wait3A_112] : memref<335872xi32, #tpu.memory_space<hbm>> -> memref<128xi32, #tpu.memory_space<hbm>>
    %dma_wait3A_114 = arith.constant 0 : i32
    %dma_wait3A_115 = tpu.memref_slice %arg8[%dma_wait3A_108, %dma_wait3A_114] : memref<2x128xi32, #tpu.memory_space<vmem>> -> memref<1x128xi32, #tpu.memory_space<vmem>>
    %dma_wait3A_116 = tpu.memref_squeeze %dma_wait3A_115 : memref<1x128xi32, #tpu.memory_space<vmem>> -> memref<128xi32, #tpu.memory_space<vmem>>
    %dma_wait3A_117 = arith.constant 0 : i32
    %dma_wait3A_118 = tpu.memref_slice %arg4[%dma_wait3A_117] : memref<335872xi32, #tpu.memory_space<hbm>> -> memref<128xi32, #tpu.memory_space<hbm>>
    tpu.wait_dma2 semaphore(%arg12 : memref<!tpu.dma_semaphore, #tpu.memory_space<semaphore_mem>>) src(%dma_wait3A_118 : memref<128xi32, #tpu.memory_space<hbm>>) dst(%dma_wait3A_116 : memref<128xi32, #tpu.memory_space<vmem>>)
    %barrier3A_119 = arith.constant 0 : index
    tpu.barrier barrier_id(%barrier3A_119)
    %mul3A_120 = arith.constant 10240 : i32
    %mul3A_121 = arith.muli %arg0, %mul3A_120 : i32
    %mul3A_122 = arith.constant 640 : i32
    %mul3A_123 = arith.muli %arg1, %mul3A_122 : i32
    %add3A_124 = arith.addi %mul3A_121, %mul3A_123 : i32
    %mul3A_125 = arith.constant 640 : i32
    %mul3A_126 = arith.muli %arg1, %mul3A_125 : i32
    "tpu.region"() ({
      %run_scoped3A = tpu.sem_alloc : memref<!tpu.dma_semaphore, #tpu.memory_space<semaphore_mem>>
      %dma_start3A_127 = arith.constant 0 : i32
      %dma_start3A_128 = tpu.memref_slice %arg6[%add3A_124, %dma_start3A_127] : memref<20480x128xf32, #tpu.memory_space<hbm>> -> memref<640x128xf32, #tpu.memory_space<hbm>>
      %dma_start3A_129 = arith.constant 0 : i32
      %dma_start3A_130 = tpu.memref_slice %arg10[%mul3A_126, %dma_start3A_129] : memref<10240x128xf32, #tpu.memory_space<vmem_shared>> -> memref<640x128xf32, #tpu.memory_space<vmem_shared>>
      tpu.enqueue_dma source(%dma_start3A_130 : memref<640x128xf32, #tpu.memory_space<vmem_shared>>) target(%dma_start3A_128 : memref<640x128xf32, #tpu.memory_space<hbm>>) target_semaphore(%run_scoped3A : memref<!tpu.dma_semaphore, #tpu.memory_space<semaphore_mem>>)
      %dma_wait3A_131 = arith.constant 0 : i32
      %dma_wait3A_132 = tpu.memref_slice %arg6[%add3A_124, %dma_wait3A_131] : memref<20480x128xf32, #tpu.memory_space<hbm>> -> memref<640x128xf32, #tpu.memory_space<hbm>>
      %dma_wait3A_133 = arith.constant 0 : i32
      %dma_wait3A_134 = tpu.memref_slice %arg10[%mul3A_126, %dma_wait3A_133] : memref<10240x128xf32, #tpu.memory_space<vmem_shared>> -> memref<640x128xf32, #tpu.memory_space<vmem_shared>>
      tpu.wait_dma2 semaphore(%run_scoped3A : memref<!tpu.dma_semaphore, #tpu.memory_space<semaphore_mem>>) src(%dma_wait3A_134 : memref<640x128xf32, #tpu.memory_space<vmem_shared>>) dst(%dma_wait3A_132 : memref<640x128xf32, #tpu.memory_space<hbm>>)
      tpu.yield
    }) : () -> ()
    return
  }
}

module attributes {stable_mosaic.version = 14 : i64} {
  func.func @_tc_pre_body(%arg0: i32, %arg1: memref<1000x128xf32, #tpu.memory_space<vmem>>, %arg2: memref<128x256xf32, #tpu.memory_space<vmem>>, %arg3: memref<1x256xf32, #tpu.memory_space<vmem>>, %arg4: memref<1000x256xf32, #tpu.memory_space<vmem>>) attributes {dimension_semantics = [#tpu.dimension_semantics<arbitrary>], iteration_bounds = array<i64: 10>, scalar_prefetch = 0 : i64, scratch_operands = 0 : i64, tpu.core_type = #tpu.core_type<tc>, window_params = [{transform_indices = @transform_0, window_bounds = array<i64: 1000, 128>}, {pipeline_mode = #tpu.pipeline_mode<synchronous>, transform_indices = @transform_1, window_bounds = array<i64: 128, 256>}, {pipeline_mode = #tpu.pipeline_mode<synchronous>, transform_indices = @transform_2, window_bounds = array<i64: 1, 256>}, {transform_indices = @transform_3, window_bounds = array<i64: 1000, 256>}]} {
    %get3A = arith.constant 0 : index
    %get3A_0 = arith.constant 0 : index
    %get3A_1 = vector.load %arg1[%get3A, %get3A_0] : memref<1000x128xf32, #tpu.memory_space<vmem>>, vector<1000x128xf32>
    %get3A_2 = arith.constant 0 : index
    %get3A_3 = arith.constant 0 : index
    %get3A_4 = vector.load %arg2[%get3A_2, %get3A_3] : memref<128x256xf32, #tpu.memory_space<vmem>>, vector<128x256xf32>
    %dot_general3A = arith.constant dense<0.000000e+00> : vector<1000x256xf32>
    %dot_general3A_5 = tpu.matmul %get3A_1, %get3A_4, %dot_general3A {dimension_numbers = #tpu.dot_dimension_numbers<[1], [0], [0], [1], [0, 0, 1, 1], [], []>, precision = #tpu.contract_precision<fp32>, transpose_lhs_hint = false} : vector<1000x128xf32>, vector<128x256xf32>, vector<1000x256xf32> -> vector<1000x256xf32>
    %get3A_6 = arith.constant 0 : index
    %get3A_7 = arith.constant 0 : index
    %get3A_8 = vector.load %arg3[%get3A_6, %get3A_7] : memref<1x256xf32, #tpu.memory_space<vmem>>, vector<1x256xf32>
    %add3A = vector.broadcast %get3A_8 : vector<1x256xf32> to vector<1000x256xf32>
    %add3A_9 = arith.addf %dot_general3A_5, %add3A : vector<1000x256xf32>
    %swap3A = arith.constant 0 : index
    %swap3A_10 = arith.constant 0 : index
    %swap3A_11 = vector.load %arg4[%swap3A, %swap3A_10] : memref<1000x256xf32, #tpu.memory_space<vmem>>, vector<1000x256xf32>
    tpu.vector_store %arg4[%swap3A, %swap3A_10], %add3A_9 {strides = array<i32>} : memref<1000x256xf32, #tpu.memory_space<vmem>>, vector<1000x256xf32>,
    return
  }
  func.func @transform_0(%arg0: i32) -> (i32, i32) {
    %c0_i32 = arith.constant 0 : i32
    %c0_i32_0 = arith.constant 0 : i32
    return %arg0, %c0_i32 : i32, i32
  }
  func.func @transform_1(%arg0: i32) -> (i32, i32) {
    %c0_i32 = arith.constant 0 : i32
    %c0_i32_0 = arith.constant 0 : i32
    %c0_i32_1 = arith.constant 0 : i32
    return %c0_i32, %c0_i32_0 : i32, i32
  }
  func.func @transform_2(%arg0: i32) -> (i32, i32) {
    %c0_i32 = arith.constant 0 : i32
    %c0_i32_0 = arith.constant 0 : i32
    %c0_i32_1 = arith.constant 0 : i32
    return %c0_i32, %c0_i32_0 : i32, i32
  }
  func.func @transform_3(%arg0: i32) -> (i32, i32) {
    %c0_i32 = arith.constant 0 : i32
    %c0_i32_0 = arith.constant 0 : i32
    return %arg0, %c0_i32 : i32, i32
  }
}

module attributes {stable_mosaic.version = 14 : i64} {
  func.func @_tc_post1_body(%arg0: i32, %arg1: memref<1000x256xf32, #tpu.memory_space<vmem>>, %arg2: memref<1000x128xf32, #tpu.memory_space<vmem>>, %arg3: memref<1000x128xf32, #tpu.memory_space<vmem>>, %arg4: memref<1000x1xf32, #tpu.memory_space<vmem>>, %arg5: memref<1000x1xf32, #tpu.memory_space<vmem>>, %arg6: memref<128x256xf32, #tpu.memory_space<vmem>>, %arg7: memref<2x1000x128xf32, #tpu.memory_space<vmem>>, %arg8: memref<1000x1xf32, #tpu.memory_space<vmem>>) attributes {dimension_semantics = [#tpu.dimension_semantics<arbitrary>], iteration_bounds = array<i64: 10>, scalar_prefetch = 0 : i64, scratch_operands = 0 : i64, tpu.core_type = #tpu.core_type<tc>, window_params = [{transform_indices = @transform_0, window_bounds = array<i64: 1000, 256>}, {transform_indices = @transform_1, window_bounds = array<i64: 1000, 128>}, {transform_indices = @transform_2, window_bounds = array<i64: 1000, 128>}, {transform_indices = @transform_3, window_bounds = array<i64: 1000, 1>}, {transform_indices = @transform_4, window_bounds = array<i64: 1000, 1>}, {pipeline_mode = #tpu.pipeline_mode<synchronous>, transform_indices = @transform_5, window_bounds = array<i64: 128, 256>}, {transform_indices = @transform_6, window_bounds = array<i64: 2, 1000, 128>}, {transform_indices = @transform_7, window_bounds = array<i64: 1000, 1>}]} {
    %get3A = arith.constant 0 : index
    %get3A_0 = arith.constant 0 : index
    %get3A_1 = vector.load %arg4[%get3A, %get3A_0] : memref<1000x1xf32, #tpu.memory_space<vmem>>, vector<1000x1xf32>
    %get3A_2 = arith.constant 0 : index
    %get3A_3 = arith.constant 0 : index
    %get3A_4 = vector.load %arg5[%get3A_2, %get3A_3] : memref<1000x1xf32, #tpu.memory_space<vmem>>, vector<1000x1xf32>
    %add3A = arith.addf %get3A_1, %get3A_4 : vector<1000x1xf32>
    %max3A = arith.constant 1.000000e+00 : f32
    %max3A_5 = vector.broadcast %max3A : f32 to vector<1000x1xf32>
    %max3A_6 = arith.maximumf %add3A, %max3A_5 : vector<1000x1xf32>
    %div3A = arith.constant 1.000000e+00 : f32
    %div3A_7 = vector.broadcast %div3A : f32 to vector<1000x1xf32>
    %div3A_8 = arith.divf %div3A_7, %max3A_6 : vector<1000x1xf32>
    %get3A_9 = arith.constant 0 : index
    %get3A_10 = arith.constant 0 : index
    %get3A_11 = vector.load %arg1[%get3A_9, %get3A_10] : memref<1000x256xf32, #tpu.memory_space<vmem>>, vector<1000x256xf32>
    %get3A_12 = arith.constant 0 : index
    %get3A_13 = arith.constant 0 : index
    %get3A_14 = vector.load %arg2[%get3A_12, %get3A_13] : memref<1000x128xf32, #tpu.memory_space<vmem>>, vector<1000x128xf32>
    %get3A_15 = arith.constant 0 : index
    %get3A_16 = arith.constant 0 : index
    %get3A_17 = vector.load %arg3[%get3A_15, %get3A_16] : memref<1000x128xf32, #tpu.memory_space<vmem>>, vector<1000x128xf32>
    %add3A_18 = arith.addf %get3A_14, %get3A_17 : vector<1000x128xf32>
    %mul3A = vector.broadcast %div3A_8 : vector<1000x1xf32> to vector<1000x128xf32>
    %mul3A_19 = arith.mulf %add3A_18, %mul3A : vector<1000x128xf32>
    %get3A_20 = arith.constant 0 : index
    %get3A_21 = arith.constant 0 : index
    %get3A_22 = vector.load %arg6[%get3A_20, %get3A_21] : memref<128x256xf32, #tpu.memory_space<vmem>>, vector<128x256xf32>
    %dot_general3A = arith.constant dense<0.000000e+00> : vector<1000x256xf32>
    %dot_general3A_23 = tpu.matmul %mul3A_19, %get3A_22, %dot_general3A {dimension_numbers = #tpu.dot_dimension_numbers<[1], [0], [0], [1], [0, 0, 1, 1], [], []>, precision = #tpu.contract_precision<fp32>, transpose_lhs_hint = false} : vector<1000x128xf32>, vector<128x256xf32>, vector<1000x256xf32> -> vector<1000x256xf32>
    %add3A_24 = arith.addf %get3A_11, %dot_general3A_23 : vector<1000x256xf32>
    %max3A_25 = arith.constant 0.000000e+00 : f32
    %max3A_26 = vector.broadcast %max3A_25 : f32 to vector<1000x256xf32>
    %max3A_27 = arith.maximumf %add3A_24, %max3A_26 : vector<1000x256xf32>
    %slice3A = vector.extract_strided_slice %max3A_27 {offsets = [0, 0], sizes = [1000, 128], strides = [1, 1]} : vector<1000x256xf32> to vector<1000x128xf32>
    %swap3A = arith.constant 0 : index
    %swap3A_28 = arith.constant 0 : index
    %swap3A_29 = arith.constant 0 : index
    %swap3A_30 = vector.load %arg7[%swap3A, %swap3A_28, %swap3A_29] : memref<2x1000x128xf32, #tpu.memory_space<vmem>>, vector<1x1000x128xf32>
    %swap3A_31 = vector.shape_cast %swap3A_30 : vector<1x1000x128xf32> to vector<1000x128xf32>
    %swap3A_32 = vector.shape_cast %slice3A : vector<1000x128xf32> to vector<1x1000x128xf32>
    tpu.vector_store %arg7[%swap3A, %swap3A_28, %swap3A_29], %swap3A_32 {strides = array<i32>} : memref<2x1000x128xf32, #tpu.memory_space<vmem>>, vector<1x1000x128xf32>,
    %slice3A_33 = vector.extract_strided_slice %max3A_27 {offsets = [0, 128], sizes = [1000, 128], strides = [1, 1]} : vector<1000x256xf32> to vector<1000x128xf32>
    %swap3A_34 = arith.constant 1 : index
    %swap3A_35 = arith.constant 0 : index
    %swap3A_36 = arith.constant 0 : index
    %swap3A_37 = vector.load %arg7[%swap3A_34, %swap3A_35, %swap3A_36] : memref<2x1000x128xf32, #tpu.memory_space<vmem>>, vector<1x1000x128xf32>
    %swap3A_38 = vector.shape_cast %swap3A_37 : vector<1x1000x128xf32> to vector<1000x128xf32>
    %swap3A_39 = vector.shape_cast %slice3A_33 : vector<1000x128xf32> to vector<1x1000x128xf32>
    tpu.vector_store %arg7[%swap3A_34, %swap3A_35, %swap3A_36], %swap3A_39 {strides = array<i32>} : memref<2x1000x128xf32, #tpu.memory_space<vmem>>, vector<1x1000x128xf32>,
    %swap3A_40 = arith.constant 0 : index
    %swap3A_41 = arith.constant 0 : index
    %swap3A_42 = vector.load %arg8[%swap3A_40, %swap3A_41] : memref<1000x1xf32, #tpu.memory_space<vmem>>, vector<1000x1xf32>
    tpu.vector_store %arg8[%swap3A_40, %swap3A_41], %add3A {strides = array<i32>} : memref<1000x1xf32, #tpu.memory_space<vmem>>, vector<1000x1xf32>,
    return
  }
  func.func @transform_0(%arg0: i32) -> (i32, i32) {
    %c0_i32 = arith.constant 0 : i32
    %c0_i32_0 = arith.constant 0 : i32
    return %arg0, %c0_i32 : i32, i32
  }
  func.func @transform_1(%arg0: i32) -> (i32, i32) {
    %c0_i32 = arith.constant 0 : i32
    %c0_i32_0 = arith.constant 0 : i32
    return %arg0, %c0_i32 : i32, i32
  }
  func.func @transform_2(%arg0: i32) -> (i32, i32) {
    %c0_i32 = arith.constant 0 : i32
    %c0_i32_0 = arith.constant 0 : i32
    return %arg0, %c0_i32 : i32, i32
  }
  func.func @transform_3(%arg0: i32) -> (i32, i32) {
    %c0_i32 = arith.constant 0 : i32
    %c0_i32_0 = arith.constant 0 : i32
    return %arg0, %c0_i32 : i32, i32
  }
  func.func @transform_4(%arg0: i32) -> (i32, i32) {
    %c0_i32 = arith.constant 0 : i32
    %c0_i32_0 = arith.constant 0 : i32
    return %arg0, %c0_i32 : i32, i32
  }
  func.func @transform_5(%arg0: i32) -> (i32, i32) {
    %c0_i32 = arith.constant 0 : i32
    %c0_i32_0 = arith.constant 0 : i32
    %c0_i32_1 = arith.constant 0 : i32
    return %c0_i32, %c0_i32_0 : i32, i32
  }
  func.func @transform_6(%arg0: i32) -> (i32, i32, i32) {
    %c0_i32 = arith.constant 0 : i32
    %c0_i32_0 = arith.constant 0 : i32
    %c0_i32_1 = arith.constant 0 : i32
    return %c0_i32, %arg0, %c0_i32_0 : i32, i32, i32
  }
  func.func @transform_7(%arg0: i32) -> (i32, i32) {
    %c0_i32 = arith.constant 0 : i32
    %c0_i32_0 = arith.constant 0 : i32
    return %arg0, %c0_i32 : i32, i32
  }
}

module attributes {stable_mosaic.version = 14 : i64} {
  func.func @_tc_pre_body(%arg0: i32, %arg1: memref<1000x128xf32, #tpu.memory_space<vmem>>, %arg2: memref<1000x128xf32, #tpu.memory_space<vmem>>, %arg3: memref<128x256xf32, #tpu.memory_space<vmem>>, %arg4: memref<128x256xf32, #tpu.memory_space<vmem>>, %arg5: memref<1x256xf32, #tpu.memory_space<vmem>>, %arg6: memref<1000x256xf32, #tpu.memory_space<vmem>>) attributes {dimension_semantics = [#tpu.dimension_semantics<arbitrary>], iteration_bounds = array<i64: 10>, scalar_prefetch = 0 : i64, scratch_operands = 0 : i64, tpu.core_type = #tpu.core_type<tc>, window_params = [{transform_indices = @transform_0, window_bounds = array<i64: 1000, 128>}, {transform_indices = @transform_1, window_bounds = array<i64: 1000, 128>}, {pipeline_mode = #tpu.pipeline_mode<synchronous>, transform_indices = @transform_2, window_bounds = array<i64: 128, 256>}, {pipeline_mode = #tpu.pipeline_mode<synchronous>, transform_indices = @transform_3, window_bounds = array<i64: 128, 256>}, {pipeline_mode = #tpu.pipeline_mode<synchronous>, transform_indices = @transform_4, window_bounds = array<i64: 1, 256>}, {transform_indices = @transform_5, window_bounds = array<i64: 1000, 256>}]} {
    %get3A = arith.constant 0 : index
    %get3A_0 = arith.constant 0 : index
    %get3A_1 = vector.load %arg1[%get3A, %get3A_0] : memref<1000x128xf32, #tpu.memory_space<vmem>>, vector<1000x128xf32>
    %get3A_2 = arith.constant 0 : index
    %get3A_3 = arith.constant 0 : index
    %get3A_4 = vector.load %arg3[%get3A_2, %get3A_3] : memref<128x256xf32, #tpu.memory_space<vmem>>, vector<128x256xf32>
    %dot_general3A = arith.constant dense<0.000000e+00> : vector<1000x256xf32>
    %dot_general3A_5 = tpu.matmul %get3A_1, %get3A_4, %dot_general3A {dimension_numbers = #tpu.dot_dimension_numbers<[1], [0], [0], [1], [0, 0, 1, 1], [], []>, precision = #tpu.contract_precision<fp32>, transpose_lhs_hint = false} : vector<1000x128xf32>, vector<128x256xf32>, vector<1000x256xf32> -> vector<1000x256xf32>
    %get3A_6 = arith.constant 0 : index
    %get3A_7 = arith.constant 0 : index
    %get3A_8 = vector.load %arg2[%get3A_6, %get3A_7] : memref<1000x128xf32, #tpu.memory_space<vmem>>, vector<1000x128xf32>
    %get3A_9 = arith.constant 0 : index
    %get3A_10 = arith.constant 0 : index
    %get3A_11 = vector.load %arg4[%get3A_9, %get3A_10] : memref<128x256xf32, #tpu.memory_space<vmem>>, vector<128x256xf32>
    %dot_general3A_12 = arith.constant dense<0.000000e+00> : vector<1000x256xf32>
    %dot_general3A_13 = tpu.matmul %get3A_8, %get3A_11, %dot_general3A_12 {dimension_numbers = #tpu.dot_dimension_numbers<[1], [0], [0], [1], [0, 0, 1, 1], [], []>, precision = #tpu.contract_precision<fp32>, transpose_lhs_hint = false} : vector<1000x128xf32>, vector<128x256xf32>, vector<1000x256xf32> -> vector<1000x256xf32>
    %add3A = arith.addf %dot_general3A_5, %dot_general3A_13 : vector<1000x256xf32>
    %get3A_14 = arith.constant 0 : index
    %get3A_15 = arith.constant 0 : index
    %get3A_16 = vector.load %arg5[%get3A_14, %get3A_15] : memref<1x256xf32, #tpu.memory_space<vmem>>, vector<1x256xf32>
    %add3A_17 = vector.broadcast %get3A_16 : vector<1x256xf32> to vector<1000x256xf32>
    %add3A_18 = arith.addf %add3A, %add3A_17 : vector<1000x256xf32>
    %swap3A = arith.constant 0 : index
    %swap3A_19 = arith.constant 0 : index
    %swap3A_20 = vector.load %arg6[%swap3A, %swap3A_19] : memref<1000x256xf32, #tpu.memory_space<vmem>>, vector<1000x256xf32>
    tpu.vector_store %arg6[%swap3A, %swap3A_19], %add3A_18 {strides = array<i32>} : memref<1000x256xf32, #tpu.memory_space<vmem>>, vector<1000x256xf32>,
    return
  }
  func.func @transform_0(%arg0: i32) -> (i32, i32) {
    %c0_i32 = arith.constant 0 : i32
    %c0_i32_0 = arith.constant 0 : i32
    return %arg0, %c0_i32 : i32, i32
  }
  func.func @transform_1(%arg0: i32) -> (i32, i32) {
    %c0_i32 = arith.constant 0 : i32
    %c0_i32_0 = arith.constant 0 : i32
    return %arg0, %c0_i32 : i32, i32
  }
  func.func @transform_2(%arg0: i32) -> (i32, i32) {
    %c0_i32 = arith.constant 0 : i32
    %c0_i32_0 = arith.constant 0 : i32
    %c0_i32_1 = arith.constant 0 : i32
    return %c0_i32, %c0_i32_0 : i32, i32
  }
  func.func @transform_3(%arg0: i32) -> (i32, i32) {
    %c0_i32 = arith.constant 0 : i32
    %c0_i32_0 = arith.constant 0 : i32
    %c0_i32_1 = arith.constant 0 : i32
    return %c0_i32, %c0_i32_0 : i32, i32
  }
  func.func @transform_4(%arg0: i32) -> (i32, i32) {
    %c0_i32 = arith.constant 0 : i32
    %c0_i32_0 = arith.constant 0 : i32
    %c0_i32_1 = arith.constant 0 : i32
    return %c0_i32, %c0_i32_0 : i32, i32
  }
  func.func @transform_5(%arg0: i32) -> (i32, i32) {
    %c0_i32 = arith.constant 0 : i32
    %c0_i32_0 = arith.constant 0 : i32
    return %arg0, %c0_i32 : i32, i32
  }
}

module attributes {stable_mosaic.version = 14 : i64} {
  func.func @_tc_post_body(%arg0: i32, %arg1: memref<1000x256xf32, #tpu.memory_space<vmem>>, %arg2: memref<1000x128xf32, #tpu.memory_space<vmem>>, %arg3: memref<1000x128xf32, #tpu.memory_space<vmem>>, %arg4: memref<1000x1xf32, #tpu.memory_space<vmem>>, %arg5: memref<128x256xf32, #tpu.memory_space<vmem>>, %arg6: memref<128x256xf32, #tpu.memory_space<vmem>>, %arg7: memref<2x1000x128xf32, #tpu.memory_space<vmem>>) attributes {dimension_semantics = [#tpu.dimension_semantics<arbitrary>], iteration_bounds = array<i64: 10>, scalar_prefetch = 0 : i64, scratch_operands = 0 : i64, tpu.core_type = #tpu.core_type<tc>, window_params = [{transform_indices = @transform_0, window_bounds = array<i64: 1000, 256>}, {transform_indices = @transform_1, window_bounds = array<i64: 1000, 128>}, {transform_indices = @transform_2, window_bounds = array<i64: 1000, 128>}, {transform_indices = @transform_3, window_bounds = array<i64: 1000, 1>}, {pipeline_mode = #tpu.pipeline_mode<synchronous>, transform_indices = @transform_4, window_bounds = array<i64: 128, 256>}, {pipeline_mode = #tpu.pipeline_mode<synchronous>, transform_indices = @transform_5, window_bounds = array<i64: 128, 256>}, {transform_indices = @transform_6, window_bounds = array<i64: 2, 1000, 128>}]} {
    %get3A = arith.constant 0 : index
    %get3A_0 = arith.constant 0 : index
    %get3A_1 = vector.load %arg4[%get3A, %get3A_0] : memref<1000x1xf32, #tpu.memory_space<vmem>>, vector<1000x1xf32>
    %max3A = arith.constant 1.000000e+00 : f32
    %max3A_2 = vector.broadcast %max3A : f32 to vector<1000x1xf32>
    %max3A_3 = arith.maximumf %get3A_1, %max3A_2 : vector<1000x1xf32>
    %div3A = arith.constant 1.000000e+00 : f32
    %div3A_4 = vector.broadcast %div3A : f32 to vector<1000x1xf32>
    %div3A_5 = arith.divf %div3A_4, %max3A_3 : vector<1000x1xf32>
    %get3A_6 = arith.constant 0 : index
    %get3A_7 = arith.constant 0 : index
    %get3A_8 = vector.load %arg1[%get3A_6, %get3A_7] : memref<1000x256xf32, #tpu.memory_space<vmem>>, vector<1000x256xf32>
    %get3A_9 = arith.constant 0 : index
    %get3A_10 = arith.constant 0 : index
    %get3A_11 = vector.load %arg2[%get3A_9, %get3A_10] : memref<1000x128xf32, #tpu.memory_space<vmem>>, vector<1000x128xf32>
    %mul3A = vector.broadcast %div3A_5 : vector<1000x1xf32> to vector<1000x128xf32>
    %mul3A_12 = arith.mulf %get3A_11, %mul3A : vector<1000x128xf32>
    %get3A_13 = arith.constant 0 : index
    %get3A_14 = arith.constant 0 : index
    %get3A_15 = vector.load %arg5[%get3A_13, %get3A_14] : memref<128x256xf32, #tpu.memory_space<vmem>>, vector<128x256xf32>
    %dot_general3A = arith.constant dense<0.000000e+00> : vector<1000x256xf32>
    %dot_general3A_16 = tpu.matmul %mul3A_12, %get3A_15, %dot_general3A {dimension_numbers = #tpu.dot_dimension_numbers<[1], [0], [0], [1], [0, 0, 1, 1], [], []>, precision = #tpu.contract_precision<fp32>, transpose_lhs_hint = false} : vector<1000x128xf32>, vector<128x256xf32>, vector<1000x256xf32> -> vector<1000x256xf32>
    %add3A = arith.addf %get3A_8, %dot_general3A_16 : vector<1000x256xf32>
    %get3A_17 = arith.constant 0 : index
    %get3A_18 = arith.constant 0 : index
    %get3A_19 = vector.load %arg3[%get3A_17, %get3A_18] : memref<1000x128xf32, #tpu.memory_space<vmem>>, vector<1000x128xf32>
    %mul3A_20 = vector.broadcast %div3A_5 : vector<1000x1xf32> to vector<1000x128xf32>
    %mul3A_21 = arith.mulf %get3A_19, %mul3A_20 : vector<1000x128xf32>
    %get3A_22 = arith.constant 0 : index
    %get3A_23 = arith.constant 0 : index
    %get3A_24 = vector.load %arg6[%get3A_22, %get3A_23] : memref<128x256xf32, #tpu.memory_space<vmem>>, vector<128x256xf32>
    %dot_general3A_25 = arith.constant dense<0.000000e+00> : vector<1000x256xf32>
    %dot_general3A_26 = tpu.matmul %mul3A_21, %get3A_24, %dot_general3A_25 {dimension_numbers = #tpu.dot_dimension_numbers<[1], [0], [0], [1], [0, 0, 1, 1], [], []>, precision = #tpu.contract_precision<fp32>, transpose_lhs_hint = false} : vector<1000x128xf32>, vector<128x256xf32>, vector<1000x256xf32> -> vector<1000x256xf32>
    %add3A_27 = arith.addf %add3A, %dot_general3A_26 : vector<1000x256xf32>
    %max3A_28 = arith.constant 0.000000e+00 : f32
    %max3A_29 = vector.broadcast %max3A_28 : f32 to vector<1000x256xf32>
    %max3A_30 = arith.maximumf %add3A_27, %max3A_29 : vector<1000x256xf32>
    %slice3A = vector.extract_strided_slice %max3A_30 {offsets = [0, 0], sizes = [1000, 128], strides = [1, 1]} : vector<1000x256xf32> to vector<1000x128xf32>
    %swap3A = arith.constant 0 : index
    %swap3A_31 = arith.constant 0 : index
    %swap3A_32 = arith.constant 0 : index
    %swap3A_33 = vector.load %arg7[%swap3A, %swap3A_31, %swap3A_32] : memref<2x1000x128xf32, #tpu.memory_space<vmem>>, vector<1x1000x128xf32>
    %swap3A_34 = vector.shape_cast %swap3A_33 : vector<1x1000x128xf32> to vector<1000x128xf32>
    %swap3A_35 = vector.shape_cast %slice3A : vector<1000x128xf32> to vector<1x1000x128xf32>
    tpu.vector_store %arg7[%swap3A, %swap3A_31, %swap3A_32], %swap3A_35 {strides = array<i32>} : memref<2x1000x128xf32, #tpu.memory_space<vmem>>, vector<1x1000x128xf32>,
    %slice3A_36 = vector.extract_strided_slice %max3A_30 {offsets = [0, 128], sizes = [1000, 128], strides = [1, 1]} : vector<1000x256xf32> to vector<1000x128xf32>
    %swap3A_37 = arith.constant 1 : index
    %swap3A_38 = arith.constant 0 : index
    %swap3A_39 = arith.constant 0 : index
    %swap3A_40 = vector.load %arg7[%swap3A_37, %swap3A_38, %swap3A_39] : memref<2x1000x128xf32, #tpu.memory_space<vmem>>, vector<1x1000x128xf32>
    %swap3A_41 = vector.shape_cast %swap3A_40 : vector<1x1000x128xf32> to vector<1000x128xf32>
    %swap3A_42 = vector.shape_cast %slice3A_36 : vector<1000x128xf32> to vector<1x1000x128xf32>
    tpu.vector_store %arg7[%swap3A_37, %swap3A_38, %swap3A_39], %swap3A_42 {strides = array<i32>} : memref<2x1000x128xf32, #tpu.memory_space<vmem>>, vector<1x1000x128xf32>,
    return
  }
  func.func @transform_0(%arg0: i32) -> (i32, i32) {
    %c0_i32 = arith.constant 0 : i32
    %c0_i32_0 = arith.constant 0 : i32
    return %arg0, %c0_i32 : i32, i32
  }
  func.func @transform_1(%arg0: i32) -> (i32, i32) {
    %c0_i32 = arith.constant 0 : i32
    %c0_i32_0 = arith.constant 0 : i32
    return %arg0, %c0_i32 : i32, i32
  }
  func.func @transform_2(%arg0: i32) -> (i32, i32) {
    %c0_i32 = arith.constant 0 : i32
    %c0_i32_0 = arith.constant 0 : i32
    return %arg0, %c0_i32 : i32, i32
  }
  func.func @transform_3(%arg0: i32) -> (i32, i32) {
    %c0_i32 = arith.constant 0 : i32
    %c0_i32_0 = arith.constant 0 : i32
    return %arg0, %c0_i32 : i32, i32
  }
  func.func @transform_4(%arg0: i32) -> (i32, i32) {
    %c0_i32 = arith.constant 0 : i32
    %c0_i32_0 = arith.constant 0 : i32
    %c0_i32_1 = arith.constant 0 : i32
    return %c0_i32, %c0_i32_0 : i32, i32
  }
  func.func @transform_5(%arg0: i32) -> (i32, i32) {
    %c0_i32 = arith.constant 0 : i32
    %c0_i32_0 = arith.constant 0 : i32
    %c0_i32_1 = arith.constant 0 : i32
    return %c0_i32, %c0_i32_0 : i32, i32
  }
  func.func @transform_6(%arg0: i32) -> (i32, i32, i32) {
    %c0_i32 = arith.constant 0 : i32
    %c0_i32_0 = arith.constant 0 : i32
    %c0_i32_1 = arith.constant 0 : i32
    return %c0_i32, %arg0, %c0_i32_0 : i32, i32, i32
  }
}

module attributes {stable_mosaic.version = 14 : i64} {
  func.func @_tc_post_body(%arg0: i32, %arg1: memref<1000x256xf32, #tpu.memory_space<vmem>>, %arg2: memref<1000x128xf32, #tpu.memory_space<vmem>>, %arg3: memref<1000x128xf32, #tpu.memory_space<vmem>>, %arg4: memref<1000x1xf32, #tpu.memory_space<vmem>>, %arg5: memref<128x256xf32, #tpu.memory_space<vmem>>, %arg6: memref<128x256xf32, #tpu.memory_space<vmem>>, %arg7: memref<1000x256xf32, #tpu.memory_space<vmem>>) attributes {dimension_semantics = [#tpu.dimension_semantics<arbitrary>], iteration_bounds = array<i64: 10>, scalar_prefetch = 0 : i64, scratch_operands = 0 : i64, tpu.core_type = #tpu.core_type<tc>, window_params = [{transform_indices = @transform_0, window_bounds = array<i64: 1000, 256>}, {transform_indices = @transform_1, window_bounds = array<i64: 1000, 128>}, {transform_indices = @transform_2, window_bounds = array<i64: 1000, 128>}, {transform_indices = @transform_3, window_bounds = array<i64: 1000, 1>}, {pipeline_mode = #tpu.pipeline_mode<synchronous>, transform_indices = @transform_4, window_bounds = array<i64: 128, 256>}, {pipeline_mode = #tpu.pipeline_mode<synchronous>, transform_indices = @transform_5, window_bounds = array<i64: 128, 256>}, {transform_indices = @transform_6, window_bounds = array<i64: 1000, 256>}]} {
    %get3A = arith.constant 0 : index
    %get3A_0 = arith.constant 0 : index
    %get3A_1 = vector.load %arg4[%get3A, %get3A_0] : memref<1000x1xf32, #tpu.memory_space<vmem>>, vector<1000x1xf32>
    %max3A = arith.constant 1.000000e+00 : f32
    %max3A_2 = vector.broadcast %max3A : f32 to vector<1000x1xf32>
    %max3A_3 = arith.maximumf %get3A_1, %max3A_2 : vector<1000x1xf32>
    %div3A = arith.constant 1.000000e+00 : f32
    %div3A_4 = vector.broadcast %div3A : f32 to vector<1000x1xf32>
    %div3A_5 = arith.divf %div3A_4, %max3A_3 : vector<1000x1xf32>
    %get3A_6 = arith.constant 0 : index
    %get3A_7 = arith.constant 0 : index
    %get3A_8 = vector.load %arg1[%get3A_6, %get3A_7] : memref<1000x256xf32, #tpu.memory_space<vmem>>, vector<1000x256xf32>
    %get3A_9 = arith.constant 0 : index
    %get3A_10 = arith.constant 0 : index
    %get3A_11 = vector.load %arg2[%get3A_9, %get3A_10] : memref<1000x128xf32, #tpu.memory_space<vmem>>, vector<1000x128xf32>
    %mul3A = vector.broadcast %div3A_5 : vector<1000x1xf32> to vector<1000x128xf32>
    %mul3A_12 = arith.mulf %get3A_11, %mul3A : vector<1000x128xf32>
    %get3A_13 = arith.constant 0 : index
    %get3A_14 = arith.constant 0 : index
    %get3A_15 = vector.load %arg5[%get3A_13, %get3A_14] : memref<128x256xf32, #tpu.memory_space<vmem>>, vector<128x256xf32>
    %dot_general3A = arith.constant dense<0.000000e+00> : vector<1000x256xf32>
    %dot_general3A_16 = tpu.matmul %mul3A_12, %get3A_15, %dot_general3A {dimension_numbers = #tpu.dot_dimension_numbers<[1], [0], [0], [1], [0, 0, 1, 1], [], []>, precision = #tpu.contract_precision<fp32>, transpose_lhs_hint = false} : vector<1000x128xf32>, vector<128x256xf32>, vector<1000x256xf32> -> vector<1000x256xf32>
    %add3A = arith.addf %get3A_8, %dot_general3A_16 : vector<1000x256xf32>
    %get3A_17 = arith.constant 0 : index
    %get3A_18 = arith.constant 0 : index
    %get3A_19 = vector.load %arg3[%get3A_17, %get3A_18] : memref<1000x128xf32, #tpu.memory_space<vmem>>, vector<1000x128xf32>
    %mul3A_20 = vector.broadcast %div3A_5 : vector<1000x1xf32> to vector<1000x128xf32>
    %mul3A_21 = arith.mulf %get3A_19, %mul3A_20 : vector<1000x128xf32>
    %get3A_22 = arith.constant 0 : index
    %get3A_23 = arith.constant 0 : index
    %get3A_24 = vector.load %arg6[%get3A_22, %get3A_23] : memref<128x256xf32, #tpu.memory_space<vmem>>, vector<128x256xf32>
    %dot_general3A_25 = arith.constant dense<0.000000e+00> : vector<1000x256xf32>
    %dot_general3A_26 = tpu.matmul %mul3A_21, %get3A_24, %dot_general3A_25 {dimension_numbers = #tpu.dot_dimension_numbers<[1], [0], [0], [1], [0, 0, 1, 1], [], []>, precision = #tpu.contract_precision<fp32>, transpose_lhs_hint = false} : vector<1000x128xf32>, vector<128x256xf32>, vector<1000x256xf32> -> vector<1000x256xf32>
    %add3A_27 = arith.addf %add3A, %dot_general3A_26 : vector<1000x256xf32>
    %swap3A = arith.constant 0 : index
    %swap3A_28 = arith.constant 0 : index
    %swap3A_29 = vector.load %arg7[%swap3A, %swap3A_28] : memref<1000x256xf32, #tpu.memory_space<vmem>>, vector<1000x256xf32>
    tpu.vector_store %arg7[%swap3A, %swap3A_28], %add3A_27 {strides = array<i32>} : memref<1000x256xf32, #tpu.memory_space<vmem>>, vector<1000x256xf32>,
    return
  }
  func.func @transform_0(%arg0: i32) -> (i32, i32) {
    %c0_i32 = arith.constant 0 : i32
    %c0_i32_0 = arith.constant 0 : i32
    return %arg0, %c0_i32 : i32, i32
  }
  func.func @transform_1(%arg0: i32) -> (i32, i32) {
    %c0_i32 = arith.constant 0 : i32
    %c0_i32_0 = arith.constant 0 : i32
    return %arg0, %c0_i32 : i32, i32
  }
  func.func @transform_2(%arg0: i32) -> (i32, i32) {
    %c0_i32 = arith.constant 0 : i32
    %c0_i32_0 = arith.constant 0 : i32
    return %arg0, %c0_i32 : i32, i32
  }
  func.func @transform_3(%arg0: i32) -> (i32, i32) {
    %c0_i32 = arith.constant 0 : i32
    %c0_i32_0 = arith.constant 0 : i32
    return %arg0, %c0_i32 : i32, i32
  }
  func.func @transform_4(%arg0: i32) -> (i32, i32) {
    %c0_i32 = arith.constant 0 : i32
    %c0_i32_0 = arith.constant 0 : i32
    %c0_i32_1 = arith.constant 0 : i32
    return %c0_i32, %c0_i32_0 : i32, i32
  }
  func.func @transform_5(%arg0: i32) -> (i32, i32) {
    %c0_i32 = arith.constant 0 : i32
    %c0_i32_0 = arith.constant 0 : i32
    %c0_i32_1 = arith.constant 0 : i32
    return %c0_i32, %c0_i32_0 : i32, i32
  }
  func.func @transform_6(%arg0: i32) -> (i32, i32) {
    %c0_i32 = arith.constant 0 : i32
    %c0_i32_0 = arith.constant 0 : i32
    return %arg0, %c0_i32 : i32, i32
  }
}

</mosaic_0001>

<sc_bundles>
// kernel: kernel.12.cloned.1.call-start
scs
__scs_entry_jumppad:
0x0: {  	(pc) =	sbr.rel $0x88, $3  }
0x1: {  	(tag) =	ssettag $0x0;
	lr =	simm.s32 $0x1  }
0x2: {  	[smem:$0x3F96] =	sst lr;
	_ =	strace $0xD0000000  }
0x3: {  	_ = 	snop  }
0x4: {  	_ = 	snop  }
0x5: {  	_ = 	snop  }
0x6: {  	_ = 	snop  }
0x7: {  	_ = 	snop  }
__scs_overlays_trampoline_lowered:
0x8: {  	[smem:$0x3FA5] =	sst s0  }
0x9: {  	[smem:$0x3FA6] =	sst s1  }
0xa: {  	[smem:$0x3FA7] =	sst s2  }
0xb: {  	[smem:$0x3FA8] =	sst s3  }
0xc: {  	[smem:$0x3FA9] =	sst s4  }
0xd: {  	[smem:$0x3FAA] =	sst s5  }
0xe: {  	[smem:$0x3FAB] =	sst s6  }
0xf: {  	[smem:$0x3FAC] =	sst s7  }
0x10: {  	[smem:$0x3FAD] =	sst s8  }
0x11: {  	[smem:$0x3FAE] =	sst s9;
	s0 =	simm.s32 @!p0 $0x0  }
0x12: {  	s1 =	sld [smem:$0x3F94];
	s0 =	simm.s32 @p0 $0x1  }
0x13: {  	[smem:$0x3FAF] =	sst s0;
	s0 =	simm.s32 @!p1 $0x0  }
0x14: {  	s2 =	sld [smem:$0x3F93];
	s0 =	simm.s32 @p1 $0x1  }
0x15: {  	[smem:$0x3FB0] =	sst s0;
	s0 =	simm.s32 @!p2 $0x0  }
0x16: {  	s3 =	sld [smem:$0x3FDB];
	s0 =	simm.s32 @p2 $0x1  }
0x17: {  	s4 =	simm.s32 $0x1BF5;
	[smem:$0x3FB2] =	sst s0  }
0x18: {  	s0 =	sld [smem:$0x3F95];
	_ =	swait.ge [sflag:s4], $0x0  }
0x19: {  	s7 =	sld [smem:$0x3F96]  }
0x1a: {  	s8 =	sadd.s32 $0xFFFFE003, lr  }
0x1b: {  	s9 =	sadd.s32 $0xFFFFFEF7, lr;
	s5 =	simm.s32 $0xFFFFFFFF;
	p2 =	slt.u32 s8, $0xFFFFF086  }
0x1c: {  	p1 =	slt.u32 s9, $0xF7A;
	s5 =	simm.s32 @!p2 $0x0  }
0x1d: {  	s5 =	simm.s32 @p1 $0x1;
	p0 =	seq.s32 s7, s2  }
0x1e: {  	s7 =	smul.u32 @!p0 $0xF7A, s2;
	p2 =	seq.s32 @!p0 s5, $0x0  }
0x1f: {  	s9 =	smul.u32 $0xF7A, s1;
	s8 =	simm.s32 @!p0 $0x1BF5;
	p2 =	por !p2, p0  }
0x20: {  	[sflag:s8] =	ssyncset.s32 @!p0 $0xFFFFF086;
	s6 =	sadd.s32 @!p0 s3, s7;
	s7 =	simm.s32 @!p0 $0x108  }
0x21: {  	s3 =	sadd.s32 s3, s9;
	s6 =	sadd.s32 @!p0 $0x88, s6;
	s7 =	simm.s32 @p2 $0x1082  }
0x22: {  	[simem:s7], [sflag:s8] =	dma.local @!p0 [hbm:s6], $0xF7A  }
0x23: {  	s9 =	sor.u32 $0xD0000000, s2;
	s6 =	simm.s32 $0x108;
	_ =	swait.ge @!p0 [sflag:s8], $0x0  }
0x24: {  	s3 =	sadd.s32 $0x88, s3;
	s6 =	simm.s32 @!p1 $0x1082;
	[sflag:s4] =	ssyncset.s32 $0xFFFFF086  }
0x25: {  	[simem:s6], [sflag:s4] =	dma.local [hbm:s3], $0xF7A  }
0x26: {  	[smem:$0x3F96] =	sst s1;
	(tag) =	ssettag s2;
	_ =	strace s9  }
0x27: {  	s1 =	sld [smem:$0x3FA6]  }
0x28: {  	s2 =	sld [smem:$0x3FA7]  }
0x29: {  	s4 =	sld [smem:$0x3FA9]  }
0x2a: {  	p0 =	seq.s32 s5, $0x0;
	s5 =	sld [smem:$0x3FAA]  }
0x2b: {  	s6 =	sld [smem:$0x3FAB]  }
0x2c: {  	s7 =	sld [smem:$0x3FAC]  }
0x2d: {  	s3 =	simm.s32 $0x108;
	s8 =	sld [smem:$0x3FAD]  }
0x2e: {  	s3 =	simm.s32 @!p0 $0x1082;
	s9 =	sld [smem:$0x3FAE]  }
0x2f: {  	lr =	sadd.s32 s0, s3;
	s0 =	sld [smem:$0x3FA5]  }
0x30: {  	s3 =	sld [smem:$0x3FA8]  }
0x31: {  	[smem:$0x3FB1] =	sst s10  }
0x32: {  	s10 =	sld [smem:$0x3FAF];
	_ =	sdelay $0x3  }
0x33: {  	p0 =	seq.s32 s10, $0x1;
	s10 =	sld [smem:$0x3FB1];
	_ =	sdelay $0x3  }
0x34: {  	[smem:$0x3FB1] =	sst s10  }
0x35: {  	s10 =	sld [smem:$0x3FB0];
	_ =	sdelay $0x3  }
0x36: {  	p1 =	seq.s32 s10, $0x1;
	s10 =	sld [smem:$0x3FB1];
	_ =	sdelay $0x3  }
0x37: {  	[smem:$0x3FB1] =	sst s10  }
0x38: {  	s10 =	sld [smem:$0x3FB2]  }
0x39: {  	_ = 	snop;
	(pc) =	sbr.ind lr, $3  }
0x3a: {  	_ = 	snop  }
0x3b: {  	_ = 	snop  }
0x3c: {  	p2 =	seq.s32 s10, $0x1;
	s10 =	sld [smem:$0x3FB1]  }
0x3d: {  	_ =	shalt  }
0x3e: {  	_ =	shalt  }
0x3f: {  	_ =	shalt  }
0x40: {  	_ =	shalt  }
0x41: {  	_ =	shalt  }
0x42: {  	_ =	shalt  }
0x43: {  	_ =	shalt  }
0x44: {  	_ =	shalt  }
0x45: {  	_ =	shalt  }
0x46: {  	_ =	shalt  }
0x47: {  	_ =	shalt  }
0x48: {  	_ =	shalt  }
0x49: {  	_ =	shalt  }
0x4a: {  	_ =	shalt  }
0x4b: {  	_ =	shalt  }
0x4c: {  	_ =	shalt  }
0x4d: {  	_ =	shalt  }
0x4e: {  	_ =	shalt  }
0x4f: {  	_ =	shalt  }
0x50: {  	_ =	shalt  }
0x51: {  	_ =	shalt  }
0x52: {  	_ =	shalt  }
0x53: {  	_ =	shalt  }
0x54: {  	_ =	shalt  }
0x55: {  	_ =	shalt  }
0x56: {  	_ =	shalt  }
0x57: {  	_ =	shalt  }
0x58: {  	_ =	shalt  }
0x59: {  	_ =	shalt  }
0x5a: {  	_ =	shalt  }
0x5b: {  	_ =	shalt  }
0x5c: {  	_ =	shalt  }
0x5d: {  	_ =	shalt  }
0x5e: {  	_ =	shalt  }
0x5f: {  	_ =	shalt  }
0x60: {  	_ =	shalt  }
0x61: {  	_ =	shalt  }
0x62: {  	_ =	shalt  }
0x63: {  	_ =	shalt  }
0x64: {  	_ =	shalt  }
0x65: {  	_ =	shalt  }
0x66: {  	_ =	shalt  }
0x67: {  	_ =	shalt  }
0x68: {  	_ =	shalt  }
0x69: {  	_ =	shalt  }
0x6a: {  	_ =	shalt  }
0x6b: {  	_ =	shalt  }
0x6c: {  	_ =	shalt  }
0x6d: {  	_ =	shalt  }
0x6e: {  	_ =	shalt  }
0x6f: {  	_ =	shalt  }
0x70: {  	_ =	shalt  }
0x71: {  	_ =	shalt  }
0x72: {  	_ =	shalt  }
0x73: {  	_ =	shalt  }
0x74: {  	_ =	shalt  }
0x75: {  	_ =	shalt  }
0x76: {  	_ =	shalt  }
0x77: {  	_ =	shalt  }
0x78: {  	_ =	shalt  }
0x79: {  	_ =	shalt  }
0x7a: {  	_ =	shalt  }
0x7b: {  	_ =	shalt  }
0x7c: {  	_ =	shalt  }
0x7d: {  	_ =	shalt  }
0x7e: {  	_ =	shalt  }
0x7f: {  	_ =	shalt  }
0x80: {  	_ =	shalt  }
0x81: {  	_ =	shalt  }
0x82: {  	_ =	shalt  }
0x83: {  	_ =	shalt  }
0x84: {  	_ =	shalt  }
0x85: {  	_ =	shalt  }
0x86: {  	_ =	shalt  }
0x87: {  	_ =	shalt  }
.Lfunc_end0:
.L_simem_size_0:
called_computation_lowered:
.L_overlay_start_0:
0x88: {  	s2 =	sld [smem:$0x3FD9]  }
0x89: {  	s3 =	sld [smem:$0x3FFE];
	_ =	sdelay $0x1  }
0x8a: {  	s1 =	srdreg.scid  }
0x8b: {  	s0 =	sand.u32 $0x1, s1  }
0x8c: {  	s17 =	sshll.u32 s0, $0xA;
	s2 =	sadd.s32 s3, s2  }
0x8d: {  	s2 =	sadd.s32 s2, s17  }
0x8e: {  	[smem:$0x3FBD] =	sst s2  }
0x8f: {  	_ = 	snop  }
0x90: {  	(tm) =	ssettm $0x1  }
0x91: {  	s18 =	sld [smem:$0x3FFB];
	_ =	sdelay $0x3  }
0x92: {  	_ =	strace s18  }
0x93: {  	s2 =	sld [smem:$0x3FFC];
	_ =	sdelay $0x3  }
0x94: {  	_ =	strace s2  }
0x95: {  	s2 =	sld [smem:$0x3FFD];
	_ =	sdelay $0x3  }
0x96: {  	_ =	strace s2  }
0x97: {  	_ =	strace $0x8FFFFFFF  }
0x98: {  	s19 =	sld [smem:$0x3FDB];
	_ =	sdelay $0x1  }
0x99: {  	s20 =	simm.s32 $_scs_section_size  }
0x9a: {  	s4 =	simm.s32 $_size__tile_overlayer_lowered;
	s5 =	simm.s32 $_tile_overlayer_lowered  }
0x9b: {  	s6 =	simm.s32 $0x1BFF;
	s21 =	sshll.u32 s5, $0x1;
	s3 =	sadd.s32 s20, s19  }
0x9c: {  	s22 =	simm.s32 $0x0;
	s4 =	sshll.u32 s4, $0x1;
	s5 =	sadd.s32 s21, s3  }
0x9d: {  	[timem:s22], [sflag:s6] =	dma.local [hbm:s5], s4  }
0x9e: {  	_ =	swait.ge [sflag:s6], s4  }
0x9f: {  	s4 =	ssub.s32 $0x0, s4;
	[sflag:s6] =	ssyncset.done $0x0  }
0xa0: {  	[sflag:s6] =	ssyncadd.s32 s4;
	_ =	sdelay $0x1  }
0xa1: {  	s23 =	simm.s32 $0x1B8B  }
0xa2: {  	_ =	swait.ge [sflag:s23], $0x1  }
0xa3: {  	[sflag:s23] =	ssyncset.done $0x0  }
0xa4: {  	[sflag:s23] =	ssyncadd.s32 $0xFFFFFFFF  }
0xa5: {  	s4 =	sld [smem:$0x0]  }
0xa6: {  	s5 =	sand.u32 $0xFFFFFFFE, s1  }
0xa7: {  	p0 =	sne.s32 s1, s5  }
0xa8: {  	s5 =	sshll.u32 @p0 s5, $0xE  }
0xa9: {  	s5 =	sadd.s32 @p0 $0x11B8D, s5;
	s6 =	sshll.u32 @p0 s4, $0x11  }
0xaa: {  	s5 =	sor.u32 @p0 s6, s5  }
0xab: {  	[sflag:s5] =	ssyncadd.remote.s32 @p0 $0x1;
	_ =	sdelay $0x1  }
0xac: {  	s5 =	simm.s32 @p0 $0x1B8D  }
0xad: {  	_ =	swait.eq @p0 [sflag:s5], $0x1  }
0xae: {  	[sflag:s5] =	ssyncadd.s32 @p0 $0xFFFFFFFF  }
0xaf: {  	s6 =	sshll.u32 @!p0 s1, $0xE  }
0xb0: {  	s6 =	sor.u32 @!p0 $0x4000, s6;
	s5 =	simm.s32 @!p0 $0x1B8D  }
0xb1: {  	s4 =	sshll.u32 @!p0 s4, $0x11;
	s6 =	sadd.s32 @!p0 $0x11B8D, s6;
	_ =	swait.eq @!p0 [sflag:s5], $0x1  }
0xb2: {  	s4 =	sor.u32 @!p0 s4, s6;
	[sflag:s5] =	ssyncadd.s32 @!p0 $0xFFFFFFFF  }
0xb3: {  	s25 =	simm.s32 $0x1B8E;
	s24 =	sld [smem:$0x3FFE];
	[sflag:s4] =	ssyncadd.remote.s32 @!p0 $0x1  }
0xb4: {  	s26 =	simm.s32 $execute0_lowered;
	[smem:$0x3FD2] =	sst s25  }
0xb5: {  	s5 =	sshll.u32 s26, $0x1;
	_ =	strace $0x80000049;
	[dreg:$0x1] =	wrdreg $0xFFFFFFFF  }
0xb6: {  	s28 =	simm.s32 $_size_execute0_lowered;
	s3 =	sadd.s32 s3, s5;
	[dreg:$0x0] =	wrdreg $0x0  }
0xb7: {  	s5 =	sshll.u32 s28, $0x1;
	[dreg:$0x2] =	wrdreg s3  }
0xb8: {  	[dreg:$0x3] =	wrdreg s5  }
0xb9: {  	[dreg:$0x4] =	wrdreg $0xC0  }
0xba: {  	_ =	task [dreg:s22], $0x5FFFF  }
0xbb: {  	[dreg:$0x1] =	wrdreg $0xFFFFFFFF  }
0xbc: {  	[dreg:$0x0] =	wrdreg $0x60  }
0xbd: {  	[dreg:$0x2] =	wrdreg s24  }
0xbe: {  	[dreg:$0x3] =	wrdreg $0x41000  }
0xbf: {  	[dreg:$0x4] =	wrdreg $0x9  }
0xc0: {  	_ =	task.clear_ibuf [dreg:s22], $0x5FFFF;
	_ =	strace $0x90000049  }
0xc1: {  	s29 =	simm.s32 $0x9;
	_ =	strace $0x8000004B  }
0xc2: {  	_ =	swait.ge [sflag:s29], $0x1  }
0xc3: {  	[sflag:s29] =	ssyncadd.s32 $0xFFFFFFFF  }
0xc4: {  	_ =	strace $0x9000004B  }
0xc5: {  	_ =	sfence  }
0xc6: {  	s30 =	sld [smem:$0x0];
	_ =	sdelay $0x2  }
0xc7: {  	s31 =	sshll.u32 s1, $0xD;
	s1 =	sshrl.u32 s1, $0x2  }
0xc8: {  	s4 =	sand.u32 $0x4000, s31;
	s1 =	sadd.s32 s1, s30  }
0xc9: {  	s0 =	sor.u32 s4, s0;
	s1 =	sshll.u32 s1, $0x11  }
0xca: {  	s0 =	sor.u32 s1, s0  }
0xcb: {  	s0 =	sadd.s32 $0x8F2B, s0  }
0xcc: {  	[sflag:s0] =	ssyncadd.remote.s32 $0x1  }
0xcd: {  	_ =	sfence.sel $0xFFFF  }
0xce: {  	[dreg:$0x0] =	wrdreg $0xFFFFFFFF;
	(pc) =	sbr.abs _section_cstart, $3  }
0xcf: {  	[dreg:$0x1] =	wrdreg $0xFFFFFFFF  }
0xd0: {  	_ =	task.clear_ibuf [dreg:s22], $0x2FFFF;
	_ =	strace $0x9FFFFFFF  }
0xd1: {  	(tm) =	ssettm $0x7FFFFFFF  }
tec
execute0_lowered:
.L_overlay_start_1:
0x0: {  	(tag) =	ssettag $0x1  }
0x1: {  	s6 =	rddreg [dreg:$0x0]  }
0x2: {  	s2 =	rddreg [dreg:$0x1]  }
0x3: {  	s0 =	rddreg [dreg:$0x2]  }
0x4: {  	s3 =	simm.s32 $0x0;
	s4 =	srdreg.scid;
	s1 =	stileid.u32  }
0x5: {  	s15 =	simm.s32 $0x80;
	s16 =	simm.s32 $0x1;
	s17 =	simm.s32 $0x2  }
0x6: {  	s18 =	simm.s32 $0x0;
	[smem:$0x7FF] =	sst s3;
	s8 =	smul.u32 $0x2800, s1  }
0x7: {  	s7 =	sand.u32 $0x1, s4;
	s10 =	sadd.s32 $0xE400, s6;
	s12 =	smul.u32 $0x50000, s1  }
0x8: {  	s4 =	sadd.s32 $0x6B000, s6;
	s5 =	sadd.s32 $0x18800, s6;
	s9 =	smul.u32 $0x28000, s7  }
0x9: {  	s29 =	sshll.u32 s1, $0x6;
	s31 =	sshll.u32 s1, $0x4;
	s11 =	smul.u32 $0x500, s7  }
0xa: {  	_ =	strace $0x8000004A;
	s22 =	ssub.s32 $0x2, s7;
	s30 =	smul.u32 $0x5000, s7  }
0xb: {  	s7 =	sor.u32 $0x1C03, s29;
	s23 =	sshrl.u32 s22, $0x1;
	s26 =	sshrl.u32 s12, $0x2  }
0xc: {  	s8 =	sadd.s32 s8, s9;
	s24 =	sor.u32 s1, s11;
	s25 =	ssub.s32 s22, s23  }
0xd: {  	s14 =	sadd.s32 s26, s2;
	s12 =	sadd.s32 s30, s10;
	s13 =	sadd.s32 s8, s6  }
0xe: {  	s28 =	sshll.u32 s24, $0x4;
	s11 =	sadd.s32 s31, s12;
	s12 =	sshrl.u32 s14, $0x3  }
0xf: {  	s14 =	simm.s32 $0x100;
	s6 =	sadd.s32 s10, s28;
	s9 =	sadd.s32 $0x6B800, s13  }
0x10: {  	s10 =	smax.u32 s25, $0x1;
	s13 =	simm.s32 $0x3;
	s8 =	sadd.s32 $0x100, s6  }
.LBB2_1:
0x11: {  	[spmem:s12], [sflag:s7] =	dma.local [hbm:s5], $0x2800  }
0x12: {  	_ =	swait.ge [sflag:s13], $0x2800  }
0x13: {  	[sflag:s13] =	ssyncset.done $0x0  }
0x14: {  	[sflag:s13] =	ssyncadd.s32 $0xFFFFD800  }
0x15: {  	[tilespmem:s14], [sflag:$0x3] =	stream.linear.gather [hbm4b:s4+s3], $0x4000, $0x38;
	[tilespmem:$0x18100] =	vst v63  }
0x16: {  	_ =	swait.ge [sflag:s13], $0x4000  }
0x17: {  	[sflag:s13] =	ssyncset.done $0x0  }
0x18: {  	[sflag:s13] =	ssyncadd.s32 $0xFFFFC000  }
0x19: {  	[bflag:$0x0] =	sbarrier.arrive $0xFFFF  }
0x1a: {  	[tilespmem:s3], [sflag:$0x1] =	stream.linear.gather [hbm4b:s6+s3], $0x80, $0x38;
	[tilespmem:$0x18100] =	vst v63  }
0x1b: {  	_ = 	snop  }
0x1c: {  	[tilespmem:s15], [sflag:$0x2] =	stream.linear.gather [hbm4b:s8+s3], $0x80, $0x38;
	[tilespmem:$0x18100] =	vst v63  }
0x1d: {  	_ =	swait.ge [sflag:s16], $0x80  }
0x1e: {  	[sflag:s16] =	ssyncset.done $0x0  }
0x1f: {  	[sflag:s16] =	ssyncadd.s32 $0xFFFFFF80  }
0x20: {  	[spmem:s2] =	stream.indirect.scatter.add.f32 [tilespmem:s14], [sflag:$0x3], $0x80, s3, s15, $0xb8;
	[tilespmem:$0x18100] =	vst v63  }
0x21: {  	_ =	swait.ge [sflag:s13], $0x4000  }
0x22: {  	s20 =	sadd.s32 $0xFFFFB000, s11;
	[sflag:s13] =	ssyncset.done $0x0  }
0x23: {  	s19 =	sadd.s32 $0x5200, s20;
	[sflag:s13] =	ssyncadd.s32 $0xFFFFC000  }
0x24: {  	[tilespmem:s3], [sflag:$0x1] =	stream.linear.gather [hbm4b:s19+s3], $0x80, $0x38;
	[tilespmem:$0x18100] =	vst v63  }
0x25: {  	_ =	swait.ge [sflag:s17], $0x80  }
0x26: {  	[sflag:s17] =	ssyncset.done $0x0  }
0x27: {  	[sflag:s17] =	ssyncadd.s32 $0xFFFFFF80  }
0x28: {  	[spmem:s2] =	stream.indirect.scatter.add.f32 [tilespmem:s14], [sflag:$0x3], $0x80, s15, s15, $0xb8;
	[tilespmem:$0x18100] =	vst v63  }
0x29: {  	_ =	swait.ge [sflag:s13], $0x4000  }
0x2a: {  	[sflag:s13] =	ssyncset.done $0x0  }
0x2b: {  	s20 =	sadd.s32 $0x5300, s20;
	s19 =	simm.s32 $0xFFFFB200;
	[sflag:s13] =	ssyncadd.s32 $0xFFFFC000  }
.LBB2_2:
0x2c: {  	[tilespmem:s15], [sflag:$0x2] =	stream.linear.gather [hbm4b:s20+s3], $0x80, $0x38;
	[tilespmem:$0x18100] =	vst v63  }
0x2d: {  	s20 =	smov.u32 s19  }
0x2e: {  	p0 =	sne.s32 s19, $0xFFFFFE00;
	s19 =	sadd.s32 $0x200, s19;
	_ =	swait.ge [sflag:s16], $0x80  }
0x2f: {  	[sflag:s16] =	ssyncset.done $0x0  }
0x30: {  	[sflag:s16] =	ssyncadd.s32 $0xFFFFFF80  }
0x31: {  	[spmem:s2] =	stream.indirect.scatter.add.f32 [tilespmem:s14], [sflag:$0x3], $0x80, s3, s15, $0xb8;
	[tilespmem:$0x18100] =	vst v63  }
0x32: {  	_ =	swait.ge [sflag:s13], $0x4000  }
0x33: {  	s20 =	sadd.s32 s20, s11;
	[sflag:s13] =	ssyncset.done $0x0  }
0x34: {  	s21 =	sadd.s32 $0x5200, s20;
	[sflag:s13] =	ssyncadd.s32 $0xFFFFC000  }
0x35: {  	[tilespmem:s3], [sflag:$0x1] =	stream.linear.gather [hbm4b:s21+s3], $0x80, $0x38;
	[tilespmem:$0x18100] =	vst v63  }
0x36: {  	_ =	swait.ge [sflag:s17], $0x80  }
0x37: {  	[sflag:s17] =	ssyncset.done $0x0  }
.Ltmp0:
0x38: {  	[sflag:s17] =	ssyncadd.s32 $0xFFFFFF80;
	(pc) =	sbr.rel @p0 .LBB2_2-.Ltmp0, $4  }
0x39: {  	[spmem:s2] =	stream.indirect.scatter.add.f32 [tilespmem:s14], [sflag:$0x3], $0x80, s15, s15, $0xb8;
	[tilespmem:$0x18100] =	vst v63  }
0x3a: {  	_ =	swait.ge [sflag:s13], $0x4000  }
0x3b: {  	[sflag:s13] =	ssyncset.done $0x0  }
0x3c: {  	s20 =	sadd.s32 $0x5300, s20;
	[sflag:s13] =	ssyncadd.s32 $0xFFFFC000  }
0x3d: {  	[tilespmem:s15], [sflag:$0x2] =	stream.linear.gather [hbm4b:s20+s3], $0x80, $0x38;
	[tilespmem:$0x18100] =	vst v63  }
0x3e: {  	_ =	swait.ge [sflag:s16], $0x80  }
0x3f: {  	[sflag:s16] =	ssyncset.done $0x0  }
0x40: {  	[sflag:s16] =	ssyncadd.s32 $0xFFFFFF80  }
0x41: {  	_ =	swait.ge [sflag:s17], $0x80  }
0x42: {  	s18 =	sadd.s32 $0x1, s18;
	[sflag:s17] =	ssyncset.done $0x0  }
0x43: {  	p0 =	sne.s32 s18, s10;
	[sflag:s17] =	ssyncadd.s32 $0xFFFFFF80  }
.Ltmp1:
0x44: {  	[bflag:$0x0] =	sbarrier.arrive $0xFFFF;
	(pc) =	sbr.rel @p0 .LBB2_1-.Ltmp1, $4  }
0x45: {  	[hbm:s9], [sflag:s7] =	dma.local [spmem:s12], $0x2800  }
0x46: {  	_ =	swait.ge [sflag:s13], $0x2800  }
0x47: {  	[sflag:s13] =	ssyncset.done $0x0  }
0x48: {  	[sflag:s13] =	ssyncadd.s32 $0xFFFFD800  }
0x49: {  	_ =	sfence.sel $0x180000  }
0x4a: {  	[bflag:$0x0] =	sbarrier.arrive $0xFFFF  }
0x4b: {  	p0 =	sne.s32 s1, $0x0;
	_ =	strace $0x9000004A  }
0x4c: {  	s0 =	sadd.s32 @!p0 $0x100000, s0;
	[bflag:$0x2] =	sbarrier.arrive $0xFFFF  }
0x4d: {  	[sflag:s0] =	ssyncadd.tile.s32 @!p0 $0x1;
	_ =	shalt  }
.Lfunc_end2:
_tile_overlayer_lowered:
.L_overlay_start_2:
0x4e: {  	(tag) =	ssettag $0x2  }
0x4f: {  	s0 =	rddreg [dreg:$0x0];
	s2 =	stileid.u32  }
0x50: {  	s1 =	rddreg [dreg:$0x1];
	p0 =	sne.s32 s2, $0x0  }
0x51: {  	s3 =	rddreg [dreg:$0x2];
	[bflag:$0x3] =	sbarrier.arrive $0xFFFF;
	s2 =	simm.s32 @!p0 $0x1C03  }
0x52: {  	[timem:s3], [sflag:s2] =	dma.local @!p0 [hbm:s0], s1  }
0x53: {  	s0 =	simm.s32 @!p0 $0x3  }
0x54: {  	_ =	swait.ge @!p0 [sflag:s0], s1  }
0x55: {  	s1 =	ssub.s32 @!p0 $0x0, s1;
	[sflag:s0] =	ssyncset.done @!p0 $0x0  }
0x56: {  	[sflag:s0] =	ssyncadd.s32 @!p0 s1  }
0x57: {  	[bflag:$0x3] =	sbarrier.arrive $0xFFFF  }
0x58: {  	_ =	shalt  }

// kernel: kernel.15.cloned.1.call-start
scs
__scs_entry_jumppad:
0x0: {  	(pc) =	sbr.rel $0x88, $3  }
0x1: {  	(tag) =	ssettag $0x0;
	lr =	simm.s32 $0x1  }
0x2: {  	[smem:$0x3F96] =	sst lr;
	_ =	strace $0xD0000000  }
0x3: {  	_ = 	snop  }
0x4: {  	_ = 	snop  }
0x5: {  	_ = 	snop  }
0x6: {  	_ = 	snop  }
0x7: {  	_ = 	snop  }
__scs_overlays_trampoline_lowered:
0x8: {  	[smem:$0x3FA5] =	sst s0  }
0x9: {  	[smem:$0x3FA6] =	sst s1  }
0xa: {  	[smem:$0x3FA7] =	sst s2  }
0xb: {  	[smem:$0x3FA8] =	sst s3  }
0xc: {  	[smem:$0x3FA9] =	sst s4  }
0xd: {  	[smem:$0x3FAA] =	sst s5  }
0xe: {  	[smem:$0x3FAB] =	sst s6  }
0xf: {  	[smem:$0x3FAC] =	sst s7  }
0x10: {  	[smem:$0x3FAD] =	sst s8  }
0x11: {  	[smem:$0x3FAE] =	sst s9;
	s0 =	simm.s32 @!p0 $0x0  }
0x12: {  	s1 =	sld [smem:$0x3F94];
	s0 =	simm.s32 @p0 $0x1  }
0x13: {  	[smem:$0x3FAF] =	sst s0;
	s0 =	simm.s32 @!p1 $0x0  }
0x14: {  	s2 =	sld [smem:$0x3F93];
	s0 =	simm.s32 @p1 $0x1  }
0x15: {  	[smem:$0x3FB0] =	sst s0;
	s0 =	simm.s32 @!p2 $0x0  }
0x16: {  	s3 =	sld [smem:$0x3FDB];
	s0 =	simm.s32 @p2 $0x1  }
0x17: {  	s4 =	simm.s32 $0x1BF5;
	[smem:$0x3FB2] =	sst s0  }
0x18: {  	s0 =	sld [smem:$0x3F95];
	_ =	swait.ge [sflag:s4], $0x0  }
0x19: {  	s7 =	sld [smem:$0x3F96]  }
0x1a: {  	s8 =	sadd.s32 $0xFFFFE003, lr  }
0x1b: {  	s9 =	sadd.s32 $0xFFFFFEF7, lr;
	s5 =	simm.s32 $0xFFFFFFFF;
	p2 =	slt.u32 s8, $0xFFFFF086  }
0x1c: {  	p1 =	slt.u32 s9, $0xF7A;
	s5 =	simm.s32 @!p2 $0x0  }
0x1d: {  	s5 =	simm.s32 @p1 $0x1;
	p0 =	seq.s32 s7, s2  }
0x1e: {  	s7 =	smul.u32 @!p0 $0xF7A, s2;
	p2 =	seq.s32 @!p0 s5, $0x0  }
0x1f: {  	s9 =	smul.u32 $0xF7A, s1;
	s8 =	simm.s32 @!p0 $0x1BF5;
	p2 =	por !p2, p0  }
0x20: {  	[sflag:s8] =	ssyncset.s32 @!p0 $0xFFFFF086;
	s6 =	sadd.s32 @!p0 s3, s7;
	s7 =	simm.s32 @!p0 $0x108  }
0x21: {  	s3 =	sadd.s32 s3, s9;
	s6 =	sadd.s32 @!p0 $0x88, s6;
	s7 =	simm.s32 @p2 $0x1082  }
0x22: {  	[simem:s7], [sflag:s8] =	dma.local @!p0 [hbm:s6], $0xF7A  }
0x23: {  	s9 =	sor.u32 $0xD0000000, s2;
	s6 =	simm.s32 $0x108;
	_ =	swait.ge @!p0 [sflag:s8], $0x0  }
0x24: {  	s3 =	sadd.s32 $0x88, s3;
	s6 =	simm.s32 @!p1 $0x1082;
	[sflag:s4] =	ssyncset.s32 $0xFFFFF086  }
0x25: {  	[simem:s6], [sflag:s4] =	dma.local [hbm:s3], $0xF7A  }
0x26: {  	[smem:$0x3F96] =	sst s1;
	(tag) =	ssettag s2;
	_ =	strace s9  }
0x27: {  	s1 =	sld [smem:$0x3FA6]  }
0x28: {  	s2 =	sld [smem:$0x3FA7]  }
0x29: {  	s4 =	sld [smem:$0x3FA9]  }
0x2a: {  	p0 =	seq.s32 s5, $0x0;
	s5 =	sld [smem:$0x3FAA]  }
0x2b: {  	s6 =	sld [smem:$0x3FAB]  }
0x2c: {  	s7 =	sld [smem:$0x3FAC]  }
0x2d: {  	s3 =	simm.s32 $0x108;
	s8 =	sld [smem:$0x3FAD]  }
0x2e: {  	s3 =	simm.s32 @!p0 $0x1082;
	s9 =	sld [smem:$0x3FAE]  }
0x2f: {  	lr =	sadd.s32 s0, s3;
	s0 =	sld [smem:$0x3FA5]  }
0x30: {  	s3 =	sld [smem:$0x3FA8]  }
0x31: {  	[smem:$0x3FB1] =	sst s10  }
0x32: {  	s10 =	sld [smem:$0x3FAF];
	_ =	sdelay $0x3  }
0x33: {  	p0 =	seq.s32 s10, $0x1;
	s10 =	sld [smem:$0x3FB1];
	_ =	sdelay $0x3  }
0x34: {  	[smem:$0x3FB1] =	sst s10  }
0x35: {  	s10 =	sld [smem:$0x3FB0];
	_ =	sdelay $0x3  }
0x36: {  	p1 =	seq.s32 s10, $0x1;
	s10 =	sld [smem:$0x3FB1];
	_ =	sdelay $0x3  }
0x37: {  	[smem:$0x3FB1] =	sst s10  }
0x38: {  	s10 =	sld [smem:$0x3FB2]  }
0x39: {  	_ = 	snop;
	(pc) =	sbr.ind lr, $3  }
0x3a: {  	_ = 	snop  }
0x3b: {  	_ = 	snop  }
0x3c: {  	p2 =	seq.s32 s10, $0x1;
	s10 =	sld [smem:$0x3FB1]  }
0x3d: {  	_ =	shalt  }
0x3e: {  	_ =	shalt  }
0x3f: {  	_ =	shalt  }
0x40: {  	_ =	shalt  }
0x41: {  	_ =	shalt  }
0x42: {  	_ =	shalt  }
0x43: {  	_ =	shalt  }
0x44: {  	_ =	shalt  }
0x45: {  	_ =	shalt  }
0x46: {  	_ =	shalt  }
0x47: {  	_ =	shalt  }
0x48: {  	_ =	shalt  }
0x49: {  	_ =	shalt  }
0x4a: {  	_ =	shalt  }
0x4b: {  	_ =	shalt  }
0x4c: {  	_ =	shalt  }
0x4d: {  	_ =	shalt  }
0x4e: {  	_ =	shalt  }
0x4f: {  	_ =	shalt  }
0x50: {  	_ =	shalt  }
0x51: {  	_ =	shalt  }
0x52: {  	_ =	shalt  }
0x53: {  	_ =	shalt  }
0x54: {  	_ =	shalt  }
0x55: {  	_ =	shalt  }
0x56: {  	_ =	shalt  }
0x57: {  	_ =	shalt  }
0x58: {  	_ =	shalt  }
0x59: {  	_ =	shalt  }
0x5a: {  	_ =	shalt  }
0x5b: {  	_ =	shalt  }
0x5c: {  	_ =	shalt  }
0x5d: {  	_ =	shalt  }
0x5e: {  	_ =	shalt  }
0x5f: {  	_ =	shalt  }
0x60: {  	_ =	shalt  }
0x61: {  	_ =	shalt  }
0x62: {  	_ =	shalt  }
0x63: {  	_ =	shalt  }
0x64: {  	_ =	shalt  }
0x65: {  	_ =	shalt  }
0x66: {  	_ =	shalt  }
0x67: {  	_ =	shalt  }
0x68: {  	_ =	shalt  }
0x69: {  	_ =	shalt  }
0x6a: {  	_ =	shalt  }
0x6b: {  	_ =	shalt  }
0x6c: {  	_ =	shalt  }
0x6d: {  	_ =	shalt  }
0x6e: {  	_ =	shalt  }
0x6f: {  	_ =	shalt  }
0x70: {  	_ =	shalt  }
0x71: {  	_ =	shalt  }
0x72: {  	_ =	shalt  }
0x73: {  	_ =	shalt  }
0x74: {  	_ =	shalt  }
0x75: {  	_ =	shalt  }
0x76: {  	_ =	shalt  }
0x77: {  	_ =	shalt  }
0x78: {  	_ =	shalt  }
0x79: {  	_ =	shalt  }
0x7a: {  	_ =	shalt  }
0x7b: {  	_ =	shalt  }
0x7c: {  	_ =	shalt  }
0x7d: {  	_ =	shalt  }
0x7e: {  	_ =	shalt  }
0x7f: {  	_ =	shalt  }
0x80: {  	_ =	shalt  }
0x81: {  	_ =	shalt  }
0x82: {  	_ =	shalt  }
0x83: {  	_ =	shalt  }
0x84: {  	_ =	shalt  }
0x85: {  	_ =	shalt  }
0x86: {  	_ =	shalt  }
0x87: {  	_ =	shalt  }
.Lfunc_end0:
.L_simem_size_0:
called_computation.1_lowered:
.L_overlay_start_0:
0x88: {  	s2 =	sld [smem:$0x3FD9]  }
0x89: {  	s3 =	sld [smem:$0x3FFE];
	_ =	sdelay $0x1  }
0x8a: {  	s1 =	srdreg.scid  }
0x8b: {  	s0 =	sand.u32 $0x1, s1  }
0x8c: {  	s17 =	sshll.u32 s0, $0xA;
	s2 =	sadd.s32 s3, s2  }
0x8d: {  	s2 =	sadd.s32 s2, s17  }
0x8e: {  	[smem:$0x3FBD] =	sst s2  }
0x8f: {  	_ = 	snop  }
0x90: {  	s2 =	sld [smem:$0x3FC9];
	(tm) =	ssettm $0x1  }
0x91: {  	s18 =	sld [smem:$0x3FFB];
	_ =	sdelay $0x3  }
0x92: {  	_ =	strace s18  }
0x93: {  	s3 =	sld [smem:$0x3FFC];
	_ =	sdelay $0x3  }
0x94: {  	_ =	strace s3  }
0x95: {  	s3 =	sld [smem:$0x3FFD];
	_ =	sdelay $0x3  }
0x96: {  	_ =	strace s3  }
0x97: {  	_ =	strace $0x8FFFFFFF  }
0x98: {  	s19 =	sld [smem:$0x3FDB];
	_ =	sdelay $0x1  }
0x99: {  	s4 =	simm.s32 $_scs_section_size  }
0x9a: {  	s5 =	simm.s32 $_size__tile_overlayer_lowered;
	s6 =	simm.s32 $_tile_overlayer_lowered  }
0x9b: {  	s22 =	simm.s32 $0x1BFF;
	s21 =	sshll.u32 s6, $0x1;
	s3 =	sadd.s32 s4, s19  }
0x9c: {  	s7 =	simm.s32 $0x0;
	s20 =	sshll.u32 s5, $0x1;
	s5 =	sadd.s32 s21, s3  }
0x9d: {  	[timem:s7], [sflag:s22] =	dma.local [hbm:s5], s20  }
0x9e: {  	_ =	swait.ge [sflag:s22], s20  }
0x9f: {  	s4 =	ssub.s32 $0x0, s20;
	[sflag:s22] =	ssyncset.done $0x0  }
0xa0: {  	[sflag:s22] =	ssyncadd.s32 s4;
	_ =	sdelay $0x1  }
0xa1: {  	s23 =	simm.s32 $0x1B8B  }
0xa2: {  	_ =	swait.ge [sflag:s23], $0x1  }
0xa3: {  	[sflag:s23] =	ssyncset.done $0x0  }
0xa4: {  	s25 =	simm.s32 $0x1B8E;
	s24 =	sld [smem:$0x3FFE];
	[sflag:s23] =	ssyncadd.s32 $0xFFFFFFFF  }
0xa5: {  	s26 =	simm.s32 $execute0_lowered;
	[smem:$0x3FD2] =	sst s25  }
0xa6: {  	s5 =	sshll.u32 s26, $0x1;
	_ =	strace $0x80000046;
	[dreg:$0x1] =	wrdreg $0xFFFFFFFF  }
0xa7: {  	s28 =	simm.s32 $_size_execute0_lowered;
	s3 =	sadd.s32 s3, s5;
	[dreg:$0x0] =	wrdreg $0x0  }
0xa8: {  	s5 =	sshll.u32 s28, $0x1;
	[dreg:$0x2] =	wrdreg s3  }
0xa9: {  	[dreg:$0x3] =	wrdreg s5  }
0xaa: {  	[dreg:$0x4] =	wrdreg $0xC0  }
0xab: {  	_ =	task [dreg:s7], $0x5FFFF  }
0xac: {  	[dreg:$0x1] =	wrdreg $0xFFFFFFFF  }
0xad: {  	[dreg:$0x0] =	wrdreg $0x60  }
0xae: {  	[dreg:$0x2] =	wrdreg s2  }
0xaf: {  	[dreg:$0x3] =	wrdreg s24  }
0xb0: {  	[dreg:$0x4] =	wrdreg $0x82000  }
0xb1: {  	[dreg:$0x5] =	wrdreg $0xA  }
0xb2: {  	_ =	task.clear_ibuf [dreg:s7], $0x6FFFF;
	_ =	strace $0x90000046  }
0xb3: {  	s29 =	simm.s32 $0xA;
	_ =	strace $0x80000048  }
0xb4: {  	_ =	swait.ge [sflag:s29], $0x1  }
0xb5: {  	[sflag:s29] =	ssyncadd.s32 $0xFFFFFFFF  }
0xb6: {  	_ =	strace $0x90000048  }
0xb7: {  	_ =	sfence  }
0xb8: {  	s30 =	sld [smem:$0x0];
	_ =	sdelay $0x2  }
0xb9: {  	s31 =	sshll.u32 s1, $0xD;
	s1 =	sshrl.u32 s1, $0x2  }
0xba: {  	s3 =	sand.u32 $0x4000, s31;
	s1 =	sadd.s32 s1, s30  }
0xbb: {  	s0 =	sor.u32 s3, s0;
	s1 =	sshll.u32 s1, $0x11  }
0xbc: {  	s0 =	sor.u32 s1, s0  }
0xbd: {  	s0 =	sadd.s32 $0x8F2B, s0  }
0xbe: {  	[sflag:s0] =	ssyncadd.remote.s32 $0x1  }
0xbf: {  	_ =	sfence.sel $0xFFFF  }
0xc0: {  	[dreg:$0x0] =	wrdreg $0xFFFFFFFF;
	(pc) =	sbr.abs _section_cstart, $3  }
0xc1: {  	[dreg:$0x1] =	wrdreg $0xFFFFFFFF  }
0xc2: {  	_ =	task.clear_ibuf [dreg:s7], $0x2FFFF;
	_ =	strace $0x9FFFFFFF  }
0xc3: {  	(tm) =	ssettm $0x7FFFFFFF  }
tec
execute0_lowered:
.L_overlay_start_1:
0x0: {  	(tag) =	ssettag $0x1  }
0x1: {  	s1 =	rddreg [dreg:$0x0]  }
0x2: {  	s6 =	rddreg [dreg:$0x1]  }
0x3: {  	s2 =	rddreg [dreg:$0x2]  }
0x4: {  	s0 =	rddreg [dreg:$0x3];
	s4 =	simm.s32 $0x0  }
0x5: {  	s5 =	srdreg.scid;
	s3 =	stileid.u32;
	s18 =	simm.s32 $0x80  }
0x6: {  	s19 =	simm.s32 $0x180;
	s20 =	simm.s32 $0x1;
	s21 =	simm.s32 $0x200  }
0x7: {  	s22 =	simm.s32 $0x3;
	s23 =	simm.s32 $0x2;
	[smem:$0x7FF] =	sst s4  }
0x8: {  	s9 =	sand.u32 $0x1, s5;
	s7 =	smul.u32 $0x2800, s3;
	s12 =	sadd.s32 $0x4000, s6  }
0x9: {  	s13 =	sadd.s32 $0xE400, s6;
	s5 =	sadd.s32 $0x18800, s6;
	s14 =	smul.u32 $0x50000, s3  }
0xa: {  	s28 =	sshll.u32 s3, $0x6;
	s31 =	sshll.u32 s3, $0x4;
	s8 =	smul.u32 $0x28000, s9  }
0xb: {  	_ =	strace $0x80000047;
	s10 =	ssub.s32 $0x2, s9;
	s11 =	smul.u32 $0x500, s9  }
0xc: {  	s30 =	smul.u32 $0x5000, s9;
	s24 =	sshrl.u32 s10, $0x1;
	s26 =	sshrl.u32 s14, $0x2  }
0xd: {  	s7 =	sadd.s32 s7, s8;
	s16 =	ssub.s32 s10, s24;
	s25 =	sor.u32 s3, s11  }
0xe: {  	s17 =	sadd.s32 s26, s2;
	s14 =	sadd.s32 s30, s12;
	s24 =	simm.s32 $0x4200  }
0xf: {  	s26 =	simm.s32 $0x0;
	s15 =	sadd.s32 s7, s6;
	s29 =	sshll.u32 s25, $0x4  }
0x10: {  	s6 =	sor.u32 $0x1C05, s28;
	s14 =	sadd.s32 s31, s14;
	s25 =	simm.s32 $0x4  }
0x11: {  	s7 =	sadd.s32 s12, s29;
	s8 =	sadd.s32 s13, s29;
	s10 =	sor.u32 $0x100, s29  }
0x12: {  	s11 =	sadd.s32 $0x1B000, s15;
	s15 =	sshrl.u32 s17, $0x3;
	s17 =	simm.s32 $0x100  }
0x13: {  	s9 =	sadd.s32 s12, s10;
	s10 =	sadd.s32 s13, s10;
	s13 =	sadd.s32 s30, s13  }
0x14: {  	s12 =	smax.u32 s16, $0x1;
	s16 =	simm.s32 $0x5;
	s13 =	sadd.s32 s31, s13  }
.LBB2_1:
0x15: {  	[spmem:s15], [sflag:s6] =	dma.local [hbm:s5], $0x2800  }
0x16: {  	_ =	swait.ge [sflag:s16], $0x2800  }
0x17: {  	[sflag:s16] =	ssyncset.done $0x0  }
0x18: {  	[sflag:s16] =	ssyncadd.s32 $0xFFFFD800  }
0x19: {  	[bflag:$0x0] =	sbarrier.arrive $0xFFFF  }
0x1a: {  	[tilespmem:s4], [sflag:$0x1] =	stream.linear.gather [hbm4b:s7+s4], $0x80, $0x38;
	[tilespmem:$0x1C200] =	vst v63  }
0x1b: {  	_ = 	snop  }
0x1c: {  	[tilespmem:s17], [sflag:$0x1] =	stream.linear.gather [hbm4b:s8+s4], $0x80, $0x38;
	[tilespmem:$0x1C200] =	vst v63  }
0x1d: {  	_ = 	snop  }
0x1e: {  	[tilespmem:s18], [sflag:$0x2] =	stream.linear.gather [hbm4b:s9+s4], $0x80, $0x38;
	[tilespmem:$0x1C200] =	vst v63  }
0x1f: {  	_ = 	snop  }
0x20: {  	[tilespmem:s19], [sflag:$0x2] =	stream.linear.gather [hbm4b:s10+s4], $0x80, $0x38;
	[tilespmem:$0x1C200] =	vst v63  }
0x21: {  	_ =	swait.ge [sflag:s20], $0x80  }
0x22: {  	[sflag:s20] =	ssyncset.done $0x0  }
0x23: {  	[sflag:s20] =	ssyncadd.s32 $0xFFFFFF80  }
0x24: {  	_ =	swait.ge [sflag:s20], $0x80  }
0x25: {  	[sflag:s20] =	ssyncset.done $0x0  }
0x26: {  	[sflag:s20] =	ssyncadd.s32 $0xFFFFFF80  }
0x27: {  	[tilespmem:s21], [sflag:$0x3] =	stream.indirect.gather [hbm4b:s1+s18], $0x80, s4, s18, $0xb8;
	[tilespmem:$0x1C200] =	vst v63  }
0x28: {  	_ =	swait.ge [sflag:s22], $0x4000  }
0x29: {  	[sflag:s22] =	ssyncset.done $0x0  }
0x2a: {  	[sflag:s22] =	ssyncadd.s32 $0xFFFFC000  }
0x2b: {  	_ =	swait.ge [sflag:s23], $0x80  }
0x2c: {  	[sflag:s23] =	ssyncset.done $0x0  }
0x2d: {  	[sflag:s23] =	ssyncadd.s32 $0xFFFFFF80  }
0x2e: {  	_ =	swait.ge [sflag:s23], $0x80  }
0x2f: {  	[sflag:s23] =	ssyncset.done $0x0  }
0x30: {  	[sflag:s23] =	ssyncadd.s32 $0xFFFFFF80  }
0x31: {  	[tilespmem:s24], [sflag:$0x4] =	stream.indirect.gather [hbm4b:s1+s18], $0x80, s18, s18, $0xb8;
	[tilespmem:$0x1C200] =	vst v63  }
0x32: {  	_ = 	snop  }
0x33: {  	[spmem:s2] =	stream.indirect.scatter.add.f32 [tilespmem:s21], [sflag:$0x5], $0x80, s17, s18, $0xb8;
	[tilespmem:$0x1C200] =	vst v63  }
0x34: {  	_ =	swait.ge [sflag:s16], $0x4000  }
0x35: {  	s28 =	sadd.s32 $0x0, s14;
	[sflag:s16] =	ssyncset.done $0x0  }
0x36: {  	s30 =	sadd.s32 $0x0, s13;
	s29 =	sadd.s32 $0x200, s28;
	[sflag:s16] =	ssyncadd.s32 $0xFFFFC000  }
0x37: {  	[tilespmem:s4], [sflag:$0x1] =	stream.linear.gather [hbm4b:s29+s4], $0x80, $0x38;
	[tilespmem:$0x1C200] =	vst v63  }
0x38: {  	s29 =	sadd.s32 $0x200, s30  }
0x39: {  	[tilespmem:s17], [sflag:$0x1] =	stream.linear.gather [hbm4b:s29+s4], $0x80, $0x38;
	[tilespmem:$0x1C200] =	vst v63  }
0x3a: {  	_ =	swait.ge [sflag:s25], $0x4000  }
0x3b: {  	[sflag:s25] =	ssyncset.done $0x0  }
0x3c: {  	[sflag:s25] =	ssyncadd.s32 $0xFFFFC000  }
0x3d: {  	_ =	swait.ge [sflag:s20], $0x80  }
0x3e: {  	[sflag:s20] =	ssyncset.done $0x0  }
0x3f: {  	[sflag:s20] =	ssyncadd.s32 $0xFFFFFF80  }
0x40: {  	_ =	swait.ge [sflag:s20], $0x80  }
0x41: {  	[sflag:s20] =	ssyncset.done $0x0  }
0x42: {  	[sflag:s20] =	ssyncadd.s32 $0xFFFFFF80  }
0x43: {  	[tilespmem:s21], [sflag:$0x3] =	stream.indirect.gather [hbm4b:s1+s18], $0x80, s4, s18, $0xb8;
	[tilespmem:$0x1C200] =	vst v63  }
0x44: {  	_ = 	snop  }
0x45: {  	[spmem:s2] =	stream.indirect.scatter.add.f32 [tilespmem:s24], [sflag:$0x5], $0x80, s19, s18, $0xb8;
	[tilespmem:$0x1C200] =	vst v63  }
0x46: {  	_ =	swait.ge [sflag:s16], $0x4000  }
0x47: {  	[sflag:s16] =	ssyncset.done $0x0  }
0x48: {  	s28 =	sadd.s32 $0x300, s28;
	[sflag:s16] =	ssyncadd.s32 $0xFFFFC000  }
0x49: {  	[tilespmem:s18], [sflag:$0x2] =	stream.linear.gather [hbm4b:s28+s4], $0x80, $0x38;
	[tilespmem:$0x1C200] =	vst v63  }
0x4a: {  	s29 =	sadd.s32 $0x300, s30;
	s28 =	simm.s32 $0x200  }
.LBB2_2:
0x4b: {  	[tilespmem:s19], [sflag:$0x2] =	stream.linear.gather [hbm4b:s29+s4], $0x80, $0x38;
	[tilespmem:$0x1C200] =	vst v63  }
0x4c: {  	s29 =	smov.u32 s28  }
0x4d: {  	p0 =	sne.s32 s28, $0x4E00;
	s28 =	sadd.s32 $0x200, s28;
	_ =	swait.ge [sflag:s22], $0x4000  }
0x4e: {  	[sflag:s22] =	ssyncset.done $0x0  }
0x4f: {  	[sflag:s22] =	ssyncadd.s32 $0xFFFFC000  }
0x50: {  	_ =	swait.ge [sflag:s23], $0x80  }
0x51: {  	[sflag:s23] =	ssyncset.done $0x0  }
0x52: {  	[sflag:s23] =	ssyncadd.s32 $0xFFFFFF80  }
0x53: {  	_ =	swait.ge [sflag:s23], $0x80  }
0x54: {  	[sflag:s23] =	ssyncset.done $0x0  }
0x55: {  	[sflag:s23] =	ssyncadd.s32 $0xFFFFFF80  }
0x56: {  	[tilespmem:s24], [sflag:$0x4] =	stream.indirect.gather [hbm4b:s1+s18], $0x80, s18, s18, $0xb8;
	[tilespmem:$0x1C200] =	vst v63  }
0x57: {  	_ = 	snop  }
0x58: {  	[spmem:s2] =	stream.indirect.scatter.add.f32 [tilespmem:s21], [sflag:$0x5], $0x80, s17, s18, $0xb8;
	[tilespmem:$0x1C200] =	vst v63  }
0x59: {  	_ =	swait.ge [sflag:s16], $0x4000  }
0x5a: {  	s30 =	sadd.s32 s29, s14;
	[sflag:s16] =	ssyncset.done $0x0  }
0x5b: {  	s29 =	sadd.s32 s29, s13;
	s31 =	sadd.s32 $0x200, s30;
	[sflag:s16] =	ssyncadd.s32 $0xFFFFC000  }
0x5c: {  	[tilespmem:s4], [sflag:$0x1] =	stream.linear.gather [hbm4b:s31+s4], $0x80, $0x38;
	[tilespmem:$0x1C200] =	vst v63  }
0x5d: {  	s31 =	sadd.s32 $0x200, s29  }
0x5e: {  	[tilespmem:s17], [sflag:$0x1] =	stream.linear.gather [hbm4b:s31+s4], $0x80, $0x38;
	[tilespmem:$0x1C200] =	vst v63  }
0x5f: {  	_ =	swait.ge [sflag:s25], $0x4000  }
0x60: {  	[sflag:s25] =	ssyncset.done $0x0  }
0x61: {  	[sflag:s25] =	ssyncadd.s32 $0xFFFFC000  }
0x62: {  	_ =	swait.ge [sflag:s20], $0x80  }
0x63: {  	[sflag:s20] =	ssyncset.done $0x0  }
0x64: {  	[sflag:s20] =	ssyncadd.s32 $0xFFFFFF80  }
0x65: {  	_ =	swait.ge [sflag:s20], $0x80  }
0x66: {  	[sflag:s20] =	ssyncset.done $0x0  }
0x67: {  	[sflag:s20] =	ssyncadd.s32 $0xFFFFFF80  }
0x68: {  	[tilespmem:s21], [sflag:$0x3] =	stream.indirect.gather [hbm4b:s1+s18], $0x80, s4, s18, $0xb8;
	[tilespmem:$0x1C200] =	vst v63  }
0x69: {  	_ = 	snop  }
0x6a: {  	[spmem:s2] =	stream.indirect.scatter.add.f32 [tilespmem:s24], [sflag:$0x5], $0x80, s19, s18, $0xb8;
	[tilespmem:$0x1C200] =	vst v63  }
.Ltmp0:
0x6b: {  	_ =	swait.ge [sflag:s16], $0x4000;
	(pc) =	sbr.rel @p0 .LBB2_2-.Ltmp0, $4  }
0x6c: {  	[sflag:s16] =	ssyncset.done $0x0  }
0x6d: {  	s30 =	sadd.s32 $0x300, s30;
	[sflag:s16] =	ssyncadd.s32 $0xFFFFC000  }
0x6e: {  	[tilespmem:s18], [sflag:$0x2] =	stream.linear.gather [hbm4b:s30+s4], $0x80, $0x38;
	[tilespmem:$0x1C200] =	vst v63  }
0x6f: {  	s29 =	sadd.s32 $0x300, s29  }
0x70: {  	[tilespmem:s19], [sflag:$0x2] =	stream.linear.gather [hbm4b:s29+s4], $0x80, $0x38;
	[tilespmem:$0x1C200] =	vst v63  }
0x71: {  	_ =	swait.ge [sflag:s22], $0x4000  }
0x72: {  	[sflag:s22] =	ssyncset.done $0x0  }
0x73: {  	[sflag:s22] =	ssyncadd.s32 $0xFFFFC000  }
0x74: {  	_ =	swait.ge [sflag:s23], $0x80  }
0x75: {  	[sflag:s23] =	ssyncset.done $0x0  }
0x76: {  	[sflag:s23] =	ssyncadd.s32 $0xFFFFFF80  }
0x77: {  	_ =	swait.ge [sflag:s23], $0x80  }
0x78: {  	s26 =	sadd.s32 $0x1, s26;
	[sflag:s23] =	ssyncset.done $0x0  }
0x79: {  	p0 =	sne.s32 s26, s12;
	[sflag:s23] =	ssyncadd.s32 $0xFFFFFF80  }
.Ltmp1:
0x7a: {  	[bflag:$0x0] =	sbarrier.arrive $0xFFFF;
	(pc) =	sbr.rel @p0 .LBB2_1-.Ltmp1, $4  }
0x7b: {  	[hbm:s11], [sflag:s6] =	dma.local [spmem:s15], $0x2800  }
0x7c: {  	_ =	swait.ge [sflag:s16], $0x2800  }
0x7d: {  	[sflag:s16] =	ssyncset.done $0x0  }
0x7e: {  	[sflag:s16] =	ssyncadd.s32 $0xFFFFD800  }
0x7f: {  	_ =	sfence.sel $0x180000  }
0x80: {  	[bflag:$0x0] =	sbarrier.arrive $0xFFFF  }
0x81: {  	p0 =	sne.s32 s3, $0x0;
	_ =	strace $0x90000047  }
0x82: {  	s0 =	sadd.s32 @!p0 $0x100000, s0;
	[bflag:$0x2] =	sbarrier.arrive $0xFFFF  }
0x83: {  	[sflag:s0] =	ssyncadd.tile.s32 @!p0 $0x1;
	_ =	shalt  }
.Lfunc_end2:
_tile_overlayer_lowered:
.L_overlay_start_2:
0x84: {  	(tag) =	ssettag $0x2  }
0x85: {  	s0 =	rddreg [dreg:$0x0];
	s2 =	stileid.u32  }
0x86: {  	s1 =	rddreg [dreg:$0x1];
	p0 =	sne.s32 s2, $0x0  }
0x87: {  	s3 =	rddreg [dreg:$0x2];
	[bflag:$0x3] =	sbarrier.arrive $0xFFFF;
	s2 =	simm.s32 @!p0 $0x1C05  }
0x88: {  	[timem:s3], [sflag:s2] =	dma.local @!p0 [hbm:s0], s1  }
0x89: {  	s0 =	simm.s32 @!p0 $0x5  }
0x8a: {  	_ =	swait.ge @!p0 [sflag:s0], s1  }
0x8b: {  	s1 =	ssub.s32 @!p0 $0x0, s1;
	[sflag:s0] =	ssyncset.done @!p0 $0x0  }
0x8c: {  	[sflag:s0] =	ssyncadd.s32 @!p0 s1  }
0x8d: {  	[bflag:$0x3] =	sbarrier.arrive $0xFFFF  }
0x8e: {  	_ =	shalt  }

// kernel: kernel.18.cloned.1.call-start
scs
__scs_entry_jumppad:
0x0: {  	(pc) =	sbr.rel $0x88, $3  }
0x1: {  	(tag) =	ssettag $0x0;
	lr =	simm.s32 $0x1  }
0x2: {  	[smem:$0x3F96] =	sst lr;
	_ =	strace $0xD0000000  }
0x3: {  	_ = 	snop  }
0x4: {  	_ = 	snop  }
0x5: {  	_ = 	snop  }
0x6: {  	_ = 	snop  }
0x7: {  	_ = 	snop  }
__scs_overlays_trampoline_lowered:
0x8: {  	[smem:$0x3FA5] =	sst s0  }
0x9: {  	[smem:$0x3FA6] =	sst s1  }
0xa: {  	[smem:$0x3FA7] =	sst s2  }
0xb: {  	[smem:$0x3FA8] =	sst s3  }
0xc: {  	[smem:$0x3FA9] =	sst s4  }
0xd: {  	[smem:$0x3FAA] =	sst s5  }
0xe: {  	[smem:$0x3FAB] =	sst s6  }
0xf: {  	[smem:$0x3FAC] =	sst s7  }
0x10: {  	[smem:$0x3FAD] =	sst s8  }
0x11: {  	[smem:$0x3FAE] =	sst s9;
	s0 =	simm.s32 @!p0 $0x0  }
0x12: {  	s1 =	sld [smem:$0x3F94];
	s0 =	simm.s32 @p0 $0x1  }
0x13: {  	[smem:$0x3FAF] =	sst s0;
	s0 =	simm.s32 @!p1 $0x0  }
0x14: {  	s2 =	sld [smem:$0x3F93];
	s0 =	simm.s32 @p1 $0x1  }
0x15: {  	[smem:$0x3FB0] =	sst s0;
	s0 =	simm.s32 @!p2 $0x0  }
0x16: {  	s3 =	sld [smem:$0x3FDB];
	s0 =	simm.s32 @p2 $0x1  }
0x17: {  	s4 =	simm.s32 $0x1BF5;
	[smem:$0x3FB2] =	sst s0  }
0x18: {  	s0 =	sld [smem:$0x3F95];
	_ =	swait.ge [sflag:s4], $0x0  }
0x19: {  	s7 =	sld [smem:$0x3F96]  }
0x1a: {  	s8 =	sadd.s32 $0xFFFFE003, lr  }
0x1b: {  	s9 =	sadd.s32 $0xFFFFFEF7, lr;
	s5 =	simm.s32 $0xFFFFFFFF;
	p2 =	slt.u32 s8, $0xFFFFF086  }
0x1c: {  	p1 =	slt.u32 s9, $0xF7A;
	s5 =	simm.s32 @!p2 $0x0  }
0x1d: {  	s5 =	simm.s32 @p1 $0x1;
	p0 =	seq.s32 s7, s2  }
0x1e: {  	s7 =	smul.u32 @!p0 $0xF7A, s2;
	p2 =	seq.s32 @!p0 s5, $0x0  }
0x1f: {  	s9 =	smul.u32 $0xF7A, s1;
	s8 =	simm.s32 @!p0 $0x1BF5;
	p2 =	por !p2, p0  }
0x20: {  	[sflag:s8] =	ssyncset.s32 @!p0 $0xFFFFF086;
	s6 =	sadd.s32 @!p0 s3, s7;
	s7 =	simm.s32 @!p0 $0x108  }
0x21: {  	s3 =	sadd.s32 s3, s9;
	s6 =	sadd.s32 @!p0 $0x88, s6;
	s7 =	simm.s32 @p2 $0x1082  }
0x22: {  	[simem:s7], [sflag:s8] =	dma.local @!p0 [hbm:s6], $0xF7A  }
0x23: {  	s9 =	sor.u32 $0xD0000000, s2;
	s6 =	simm.s32 $0x108;
	_ =	swait.ge @!p0 [sflag:s8], $0x0  }
0x24: {  	s3 =	sadd.s32 $0x88, s3;
	s6 =	simm.s32 @!p1 $0x1082;
	[sflag:s4] =	ssyncset.s32 $0xFFFFF086  }
0x25: {  	[simem:s6], [sflag:s4] =	dma.local [hbm:s3], $0xF7A  }
0x26: {  	[smem:$0x3F96] =	sst s1;
	(tag) =	ssettag s2;
	_ =	strace s9  }
0x27: {  	s1 =	sld [smem:$0x3FA6]  }
0x28: {  	s2 =	sld [smem:$0x3FA7]  }
0x29: {  	s4 =	sld [smem:$0x3FA9]  }
0x2a: {  	p0 =	seq.s32 s5, $0x0;
	s5 =	sld [smem:$0x3FAA]  }
0x2b: {  	s6 =	sld [smem:$0x3FAB]  }
0x2c: {  	s7 =	sld [smem:$0x3FAC]  }
0x2d: {  	s3 =	simm.s32 $0x108;
	s8 =	sld [smem:$0x3FAD]  }
0x2e: {  	s3 =	simm.s32 @!p0 $0x1082;
	s9 =	sld [smem:$0x3FAE]  }
0x2f: {  	lr =	sadd.s32 s0, s3;
	s0 =	sld [smem:$0x3FA5]  }
0x30: {  	s3 =	sld [smem:$0x3FA8]  }
0x31: {  	[smem:$0x3FB1] =	sst s10  }
0x32: {  	s10 =	sld [smem:$0x3FAF];
	_ =	sdelay $0x3  }
0x33: {  	p0 =	seq.s32 s10, $0x1;
	s10 =	sld [smem:$0x3FB1];
	_ =	sdelay $0x3  }
0x34: {  	[smem:$0x3FB1] =	sst s10  }
0x35: {  	s10 =	sld [smem:$0x3FB0];
	_ =	sdelay $0x3  }
0x36: {  	p1 =	seq.s32 s10, $0x1;
	s10 =	sld [smem:$0x3FB1];
	_ =	sdelay $0x3  }
0x37: {  	[smem:$0x3FB1] =	sst s10  }
0x38: {  	s10 =	sld [smem:$0x3FB2]  }
0x39: {  	_ = 	snop;
	(pc) =	sbr.ind lr, $3  }
0x3a: {  	_ = 	snop  }
0x3b: {  	_ = 	snop  }
0x3c: {  	p2 =	seq.s32 s10, $0x1;
	s10 =	sld [smem:$0x3FB1]  }
0x3d: {  	_ =	shalt  }
0x3e: {  	_ =	shalt  }
0x3f: {  	_ =	shalt  }
0x40: {  	_ =	shalt  }
0x41: {  	_ =	shalt  }
0x42: {  	_ =	shalt  }
0x43: {  	_ =	shalt  }
0x44: {  	_ =	shalt  }
0x45: {  	_ =	shalt  }
0x46: {  	_ =	shalt  }
0x47: {  	_ =	shalt  }
0x48: {  	_ =	shalt  }
0x49: {  	_ =	shalt  }
0x4a: {  	_ =	shalt  }
0x4b: {  	_ =	shalt  }
0x4c: {  	_ =	shalt  }
0x4d: {  	_ =	shalt  }
0x4e: {  	_ =	shalt  }
0x4f: {  	_ =	shalt  }
0x50: {  	_ =	shalt  }
0x51: {  	_ =	shalt  }
0x52: {  	_ =	shalt  }
0x53: {  	_ =	shalt  }
0x54: {  	_ =	shalt  }
0x55: {  	_ =	shalt  }
0x56: {  	_ =	shalt  }
0x57: {  	_ =	shalt  }
0x58: {  	_ =	shalt  }
0x59: {  	_ =	shalt  }
0x5a: {  	_ =	shalt  }
0x5b: {  	_ =	shalt  }
0x5c: {  	_ =	shalt  }
0x5d: {  	_ =	shalt  }
0x5e: {  	_ =	shalt  }
0x5f: {  	_ =	shalt  }
0x60: {  	_ =	shalt  }
0x61: {  	_ =	shalt  }
0x62: {  	_ =	shalt  }
0x63: {  	_ =	shalt  }
0x64: {  	_ =	shalt  }
0x65: {  	_ =	shalt  }
0x66: {  	_ =	shalt  }
0x67: {  	_ =	shalt  }
0x68: {  	_ =	shalt  }
0x69: {  	_ =	shalt  }
0x6a: {  	_ =	shalt  }
0x6b: {  	_ =	shalt  }
0x6c: {  	_ =	shalt  }
0x6d: {  	_ =	shalt  }
0x6e: {  	_ =	shalt  }
0x6f: {  	_ =	shalt  }
0x70: {  	_ =	shalt  }
0x71: {  	_ =	shalt  }
0x72: {  	_ =	shalt  }
0x73: {  	_ =	shalt  }
0x74: {  	_ =	shalt  }
0x75: {  	_ =	shalt  }
0x76: {  	_ =	shalt  }
0x77: {  	_ =	shalt  }
0x78: {  	_ =	shalt  }
0x79: {  	_ =	shalt  }
0x7a: {  	_ =	shalt  }
0x7b: {  	_ =	shalt  }
0x7c: {  	_ =	shalt  }
0x7d: {  	_ =	shalt  }
0x7e: {  	_ =	shalt  }
0x7f: {  	_ =	shalt  }
0x80: {  	_ =	shalt  }
0x81: {  	_ =	shalt  }
0x82: {  	_ =	shalt  }
0x83: {  	_ =	shalt  }
0x84: {  	_ =	shalt  }
0x85: {  	_ =	shalt  }
0x86: {  	_ =	shalt  }
0x87: {  	_ =	shalt  }
.Lfunc_end0:
.L_simem_size_0:
called_computation.2_lowered:
.L_overlay_start_0:
0x88: {  	s2 =	sld [smem:$0x3FD9]  }
0x89: {  	s3 =	sld [smem:$0x3FFE];
	_ =	sdelay $0x1  }
0x8a: {  	s1 =	srdreg.scid  }
0x8b: {  	s0 =	sand.u32 $0x1, s1  }
0x8c: {  	s16 =	sshll.u32 s0, $0xA;
	s2 =	sadd.s32 s3, s2  }
0x8d: {  	s2 =	sadd.s32 s2, s16  }
0x8e: {  	[smem:$0x3FBD] =	sst s2  }
0x8f: {  	_ = 	snop  }
0x90: {  	(tm) =	ssettm $0x1  }
0x91: {  	s17 =	sld [smem:$0x3FFB];
	_ =	sdelay $0x3  }
0x92: {  	_ =	strace s17  }
0x93: {  	s2 =	sld [smem:$0x3FFC];
	_ =	sdelay $0x3  }
0x94: {  	_ =	strace s2  }
0x95: {  	s2 =	sld [smem:$0x3FFD];
	_ =	sdelay $0x3  }
0x96: {  	_ =	strace s2  }
0x97: {  	_ =	strace $0x8FFFFFFF  }
0x98: {  	s18 =	sld [smem:$0x3FDB];
	_ =	sdelay $0x1  }
0x99: {  	s19 =	simm.s32 $_scs_section_size  }
0x9a: {  	s4 =	simm.s32 $_size__tile_overlayer_lowered;
	s5 =	simm.s32 $_tile_overlayer_lowered  }
0x9b: {  	s22 =	simm.s32 $0x1BFF;
	s21 =	sshll.u32 s5, $0x1;
	s2 =	sadd.s32 s19, s18  }
0x9c: {  	s6 =	simm.s32 $0x0;
	s20 =	sshll.u32 s4, $0x1;
	s4 =	sadd.s32 s21, s2  }
0x9d: {  	[timem:s6], [sflag:s22] =	dma.local [hbm:s4], s20  }
0x9e: {  	_ =	swait.ge [sflag:s22], s20  }
0x9f: {  	s3 =	ssub.s32 $0x0, s20;
	[sflag:s22] =	ssyncset.done $0x0  }
0xa0: {  	[sflag:s22] =	ssyncadd.s32 s3;
	_ =	sdelay $0x1  }
0xa1: {  	s23 =	simm.s32 $0x1B8B  }
0xa2: {  	_ =	swait.ge [sflag:s23], $0x1  }
0xa3: {  	[sflag:s23] =	ssyncset.done $0x0  }
0xa4: {  	s25 =	simm.s32 $0x1B8E;
	s24 =	sld [smem:$0x3FFE];
	[sflag:s23] =	ssyncadd.s32 $0xFFFFFFFF  }
0xa5: {  	s26 =	simm.s32 $execute0_lowered;
	[smem:$0x3FD2] =	sst s25  }
0xa6: {  	s4 =	sshll.u32 s26, $0x1;
	_ =	strace $0x8000004C;
	[dreg:$0x1] =	wrdreg $0xFFFFFFFF  }
0xa7: {  	s28 =	simm.s32 $_size_execute0_lowered;
	s2 =	sadd.s32 s2, s4;
	[dreg:$0x0] =	wrdreg $0x0  }
0xa8: {  	s4 =	sshll.u32 s28, $0x1;
	[dreg:$0x2] =	wrdreg s2  }
0xa9: {  	[dreg:$0x3] =	wrdreg s4  }
0xaa: {  	[dreg:$0x4] =	wrdreg $0xC0  }
0xab: {  	_ =	task [dreg:s6], $0x5FFFF  }
0xac: {  	[dreg:$0x1] =	wrdreg $0xFFFFFFFF  }
0xad: {  	[dreg:$0x0] =	wrdreg $0x60  }
0xae: {  	[dreg:$0x2] =	wrdreg s24  }
0xaf: {  	[dreg:$0x3] =	wrdreg $0x82000  }
0xb0: {  	[dreg:$0x4] =	wrdreg $0x9  }
0xb1: {  	_ =	task.clear_ibuf [dreg:s6], $0x5FFFF;
	_ =	strace $0x9000004C  }
0xb2: {  	s29 =	simm.s32 $0x9;
	_ =	strace $0x8000004E  }
0xb3: {  	_ =	swait.ge [sflag:s29], $0x1  }
0xb4: {  	[sflag:s29] =	ssyncadd.s32 $0xFFFFFFFF  }
0xb5: {  	_ =	strace $0x9000004E  }
0xb6: {  	_ =	sfence  }
0xb7: {  	s30 =	sld [smem:$0x0];
	_ =	sdelay $0x2  }
0xb8: {  	s31 =	sshll.u32 s1, $0xD;
	s1 =	sshrl.u32 s1, $0x2  }
0xb9: {  	s3 =	sand.u32 $0x4000, s31;
	s1 =	sadd.s32 s1, s30  }
0xba: {  	s0 =	sor.u32 s3, s0;
	s1 =	sshll.u32 s1, $0x11  }
0xbb: {  	s0 =	sor.u32 s1, s0  }
0xbc: {  	s0 =	sadd.s32 $0x8F2B, s0  }
0xbd: {  	[sflag:s0] =	ssyncadd.remote.s32 $0x1  }
0xbe: {  	_ =	sfence.sel $0xFFFF  }
0xbf: {  	[dreg:$0x0] =	wrdreg $0xFFFFFFFF;
	(pc) =	sbr.abs _section_cstart, $3  }
0xc0: {  	[dreg:$0x1] =	wrdreg $0xFFFFFFFF  }
0xc1: {  	_ =	task.clear_ibuf [dreg:s6], $0x2FFFF;
	_ =	strace $0x9FFFFFFF  }
0xc2: {  	(tm) =	ssettm $0x7FFFFFFF  }
0xc3: {  	_ =	shalt  }
tec
execute0_lowered:
.L_overlay_start_1:
0x0: {  	(tag) =	ssettag $0x1  }
0x1: {  	s7 =	rddreg [dreg:$0x0]  }
0x2: {  	s2 =	rddreg [dreg:$0x1];
	s3 =	simm.s32 $0x0;
	s4 =	srdreg.scid  }
0x3: {  	s0 =	stileid.u32;
	s18 =	simm.s32 $0x100;
	s19 =	simm.s32 $0x80  }
0x4: {  	s20 =	simm.s32 $0x180;
	s28 =	simm.s32 $0x0;
	[smem:$0x7FF] =	sst s3  }
0x5: {  	s8 =	sand.u32 $0x1, s4;
	s6 =	smul.u32 $0x2800, s0;
	s4 =	sadd.s32 $0x42200, s7  }
0x6: {  	s5 =	sadd.s32 $0xBB800, s7;
	s11 =	sadd.s32 $0xE400, s7;
	s12 =	smul.u32 $0x50000, s0  }
0x7: {  	s23 =	sshll.u32 s0, $0x6;
	s24 =	sshll.u32 s0, $0x7;
	s29 =	sshll.u32 s0, $0x4  }
0x8: {  	_ =	strace $0x8000004D;
	s9 =	smul.u32 $0x28000, s8;
	s10 =	ssub.s32 $0x2, s8  }
0x9: {  	s8 =	smul.u32 $0x52000, s8;
	s25 =	sor.u32 $0x800, s24;
	s21 =	sshrl.u32 s10, $0x1  }
0xa: {  	s22 =	sshrl.u32 s12, $0x2;
	s12 =	sshrl.u32 s25, $0x3;
	s9 =	sadd.s32 s6, s9  }
0xb: {  	s6 =	sadd.s32 $0x18800, s7;
	s14 =	ssub.s32 s10, s21;
	s16 =	sadd.s32 s22, s2  }
0xc: {  	s15 =	sor.u32 s24, s8;
	s17 =	sor.u32 s8, s25;
	s21 =	simm.s32 $0x1  }
0xd: {  	s22 =	simm.s32 $0x200;
	s24 =	simm.s32 $0x2;
	s25 =	simm.s32 $0x4200  }
0xe: {  	s13 =	sadd.s32 s9, s7;
	s7 =	sor.u32 $0x1C05, s23;
	s26 =	sshrl.u32 s15, $0x3  }
0xf: {  	s9 =	sadd.s32 s11, s29;
	s30 =	sshrl.u32 s17, $0x3;
	s31 =	sor.u32 $0x1800, s15  }
0x10: {  	s11 =	sadd.s32 s11, s12;
	s15 =	sor.u32 $0x1000, s15;
	s16 =	sshrl.u32 s16, $0x3  }
0x11: {  	s23 =	simm.s32 $0x3;
	s8 =	sadd.s32 s5, s26;
	s10 =	sadd.s32 s5, s30  }
0x12: {  	s12 =	sadd.s32 $0xD0000, s13;
	s17 =	sshrl.u32 s31, $0x3;
	s13 =	smax.u32 s14, $0x1  }
0x13: {  	s26 =	simm.s32 $0x4;
	s14 =	sadd.s32 s17, s5;
	s17 =	simm.s32 $0x5  }
.LBB2_1:
0x14: {  	[spmem:s16], [sflag:s7] =	dma.local [hbm:s6], $0x2800  }
0x15: {  	_ =	swait.ge [sflag:s17], $0x2800  }
0x16: {  	[sflag:s17] =	ssyncset.done $0x0  }
0x17: {  	[sflag:s17] =	ssyncadd.s32 $0xFFFFD800  }
0x18: {  	[bflag:$0x0] =	sbarrier.arrive $0xFFFF  }
0x19: {  	[tilespmem:s3], [sflag:$0x1] =	stream.linear.gather [hbm4b:s8+s3], $0x80, $0x38;
	[tilespmem:$0x1C200] =	vst v63  }
0x1a: {  	_ = 	snop  }
0x1b: {  	[tilespmem:s18], [sflag:$0x1] =	stream.linear.gather [hbm4b:s9+s3], $0x80, $0x38;
	[tilespmem:$0x1C200] =	vst v63  }
0x1c: {  	_ = 	snop  }
0x1d: {  	[tilespmem:s19], [sflag:$0x2] =	stream.linear.gather [hbm4b:s10+s3], $0x80, $0x38;
	[tilespmem:$0x1C200] =	vst v63  }
0x1e: {  	_ = 	snop  }
0x1f: {  	[tilespmem:s20], [sflag:$0x2] =	stream.linear.gather [hbm4b:s11+s3], $0x80, $0x38;
	[tilespmem:$0x1C200] =	vst v63  }
0x20: {  	_ =	swait.ge [sflag:s21], $0x80  }
0x21: {  	[sflag:s21] =	ssyncset.done $0x0  }
0x22: {  	[sflag:s21] =	ssyncadd.s32 $0xFFFFFF80  }
0x23: {  	_ =	swait.ge [sflag:s21], $0x80  }
0x24: {  	[sflag:s21] =	ssyncset.done $0x0  }
0x25: {  	[sflag:s21] =	ssyncadd.s32 $0xFFFFFF80  }
0x26: {  	[tilespmem:s22], [sflag:$0x3] =	stream.indirect.gather [hbm4b:s4+s19], $0x80, s3, s19, $0xb8;
	[tilespmem:$0x1C200] =	vst v63  }
0x27: {  	_ =	swait.ge [sflag:s23], $0x4000  }
0x28: {  	[sflag:s23] =	ssyncset.done $0x0  }
0x29: {  	[sflag:s23] =	ssyncadd.s32 $0xFFFFC000  }
0x2a: {  	_ =	swait.ge [sflag:s24], $0x80  }
0x2b: {  	[sflag:s24] =	ssyncset.done $0x0  }
0x2c: {  	[sflag:s24] =	ssyncadd.s32 $0xFFFFFF80  }
0x2d: {  	_ =	swait.ge [sflag:s24], $0x80  }
0x2e: {  	[sflag:s24] =	ssyncset.done $0x0  }
0x2f: {  	[sflag:s24] =	ssyncadd.s32 $0xFFFFFF80  }
0x30: {  	[tilespmem:s25], [sflag:$0x4] =	stream.indirect.gather [hbm4b:s4+s19], $0x80, s19, s19, $0xb8;
	[tilespmem:$0x1C200] =	vst v63  }
0x31: {  	_ = 	snop  }
0x32: {  	[spmem:s2] =	stream.indirect.scatter.add.f32 [tilespmem:s22], [sflag:$0x5], $0x80, s18, s19, $0xb8;
	[tilespmem:$0x1C200] =	vst v63  }
0x33: {  	_ =	swait.ge [sflag:s17], $0x4000  }
0x34: {  	s29 =	sshrl.u32 s15, $0x3;
	[sflag:s17] =	ssyncset.done $0x0  }
0x35: {  	s30 =	sadd.s32 $0x0, s9;
	s29 =	sadd.s32 s5, s29;
	[sflag:s17] =	ssyncadd.s32 $0xFFFFC000  }
0x36: {  	[tilespmem:s3], [sflag:$0x1] =	stream.linear.gather [hbm4b:s29+s3], $0x80, $0x38;
	[tilespmem:$0x1C200] =	vst v63  }
0x37: {  	s29 =	sadd.s32 $0x200, s30  }
0x38: {  	[tilespmem:s18], [sflag:$0x1] =	stream.linear.gather [hbm4b:s29+s3], $0x80, $0x38;
	[tilespmem:$0x1C200] =	vst v63  }
0x39: {  	_ =	swait.ge [sflag:s26], $0x4000  }
0x3a: {  	[sflag:s26] =	ssyncset.done $0x0  }
0x3b: {  	[sflag:s26] =	ssyncadd.s32 $0xFFFFC000  }
0x3c: {  	_ =	swait.ge [sflag:s21], $0x80  }
0x3d: {  	[sflag:s21] =	ssyncset.done $0x0  }
0x3e: {  	[sflag:s21] =	ssyncadd.s32 $0xFFFFFF80  }
0x3f: {  	_ =	swait.ge [sflag:s21], $0x80  }
0x40: {  	[sflag:s21] =	ssyncset.done $0x0  }
0x41: {  	[sflag:s21] =	ssyncadd.s32 $0xFFFFFF80  }
0x42: {  	[tilespmem:s22], [sflag:$0x3] =	stream.indirect.gather [hbm4b:s4+s19], $0x80, s3, s19, $0xb8;
	[tilespmem:$0x1C200] =	vst v63  }
0x43: {  	_ = 	snop  }
0x44: {  	[spmem:s2] =	stream.indirect.scatter.add.f32 [tilespmem:s25], [sflag:$0x5], $0x80, s20, s19, $0xb8;
	[tilespmem:$0x1C200] =	vst v63  }
0x45: {  	_ =	swait.ge [sflag:s17], $0x4000  }
0x46: {  	[sflag:s17] =	ssyncset.done $0x0  }
0x47: {  	s29 =	sadd.s32 $0x0, s14;
	[sflag:s17] =	ssyncadd.s32 $0xFFFFC000  }
0x48: {  	[tilespmem:s19], [sflag:$0x2] =	stream.linear.gather [hbm4b:s29+s3], $0x80, $0x38;
	[tilespmem:$0x1C200] =	vst v63  }
0x49: {  	s31 =	sadd.s32 $0x300, s30;
	s30 =	sadd.s32 $0x1000, s15;
	s29 =	simm.s32 $0x200  }
.LBB2_2:
0x4a: {  	[tilespmem:s20], [sflag:$0x2] =	stream.linear.gather [hbm4b:s31+s3], $0x80, $0x38;
	[tilespmem:$0x1C200] =	vst v63  }
0x4b: {  	s31 =	smov.u32 s29  }
0x4c: {  	p0 =	sne.s32 s29, $0x9E00;
	s29 =	sadd.s32 $0x200, s29;
	_ =	swait.ge [sflag:s23], $0x4000  }
0x4d: {  	[sflag:s23] =	ssyncset.done $0x0  }
0x4e: {  	[sflag:s23] =	ssyncadd.s32 $0xFFFFC000  }
0x4f: {  	_ =	swait.ge [sflag:s24], $0x80  }
0x50: {  	[sflag:s24] =	ssyncset.done $0x0  }
0x51: {  	[sflag:s24] =	ssyncadd.s32 $0xFFFFFF80  }
0x52: {  	_ =	swait.ge [sflag:s24], $0x80  }
0x53: {  	[sflag:s24] =	ssyncset.done $0x0  }
0x54: {  	[sflag:s24] =	ssyncadd.s32 $0xFFFFFF80  }
0x55: {  	[tilespmem:s25], [sflag:$0x4] =	stream.indirect.gather [hbm4b:s4+s19], $0x80, s19, s19, $0xb8;
	[tilespmem:$0x1C200] =	vst v63  }
0x56: {  	_ = 	snop  }
0x57: {  	[spmem:s2] =	stream.indirect.scatter.add.f32 [tilespmem:s22], [sflag:$0x5], $0x80, s18, s19, $0xb8;
	[tilespmem:$0x1C200] =	vst v63  }
0x58: {  	_ =	swait.ge [sflag:s17], $0x4000  }
0x59: {  	s0 =	sshrl.u32 s30, $0x3;
	[sflag:s17] =	ssyncset.done $0x0  }
0x5a: {  	s0 =	sadd.s32 s5, s0;
	s1 =	sadd.s32 s31, s9;
	[sflag:s17] =	ssyncadd.s32 $0xFFFFC000  }
0x5b: {  	[tilespmem:s3], [sflag:$0x1] =	stream.linear.gather [hbm4b:s0+s3], $0x80, $0x38;
	[tilespmem:$0x1C200] =	vst v63  }
0x5c: {  	s0 =	sadd.s32 $0x200, s1  }
0x5d: {  	[tilespmem:s18], [sflag:$0x1] =	stream.linear.gather [hbm4b:s0+s3], $0x80, $0x38;
	[tilespmem:$0x1C200] =	vst v63  }
0x5e: {  	_ =	swait.ge [sflag:s26], $0x4000  }
0x5f: {  	[sflag:s26] =	ssyncset.done $0x0  }
0x60: {  	[sflag:s26] =	ssyncadd.s32 $0xFFFFC000  }
0x61: {  	_ =	swait.ge [sflag:s21], $0x80  }
0x62: {  	[sflag:s21] =	ssyncset.done $0x0  }
0x63: {  	[sflag:s21] =	ssyncadd.s32 $0xFFFFFF80  }
0x64: {  	_ =	swait.ge [sflag:s21], $0x80  }
0x65: {  	[sflag:s21] =	ssyncset.done $0x0  }
0x66: {  	[sflag:s21] =	ssyncadd.s32 $0xFFFFFF80  }
0x67: {  	[tilespmem:s22], [sflag:$0x3] =	stream.indirect.gather [hbm4b:s4+s19], $0x80, s3, s19, $0xb8;
	[tilespmem:$0x1C200] =	vst v63  }
0x68: {  	_ = 	snop  }
0x69: {  	[spmem:s2] =	stream.indirect.scatter.add.f32 [tilespmem:s25], [sflag:$0x5], $0x80, s20, s19, $0xb8;
	[tilespmem:$0x1C200] =	vst v63  }
.Ltmp0:
0x6a: {  	_ =	swait.ge [sflag:s17], $0x4000;
	(pc) =	sbr.rel @p0 .LBB2_2-.Ltmp0, $4  }
0x6b: {  	[sflag:s17] =	ssyncset.done $0x0  }
0x6c: {  	s0 =	sadd.s32 s31, s14;
	[sflag:s17] =	ssyncadd.s32 $0xFFFFC000  }
0x6d: {  	[tilespmem:s19], [sflag:$0x2] =	stream.linear.gather [hbm4b:s0+s3], $0x80, $0x38;
	[tilespmem:$0x1C200] =	vst v63  }
0x6e: {  	s30 =	sadd.s32 $0x1000, s30;
	s31 =	sadd.s32 $0x300, s1  }
0x6f: {  	[tilespmem:s20], [sflag:$0x2] =	stream.linear.gather [hbm4b:s31+s3], $0x80, $0x38;
	[tilespmem:$0x1C200] =	vst v63  }
0x70: {  	_ =	swait.ge [sflag:s23], $0x4000  }
0x71: {  	[sflag:s23] =	ssyncset.done $0x0  }
0x72: {  	[sflag:s23] =	ssyncadd.s32 $0xFFFFC000  }
0x73: {  	_ =	swait.ge [sflag:s24], $0x80  }
0x74: {  	[sflag:s24] =	ssyncset.done $0x0  }
0x75: {  	[sflag:s24] =	ssyncadd.s32 $0xFFFFFF80  }
0x76: {  	_ =	swait.ge [sflag:s24], $0x80  }
0x77: {  	s28 =	sadd.s32 $0x1, s28;
	[sflag:s24] =	ssyncset.done $0x0  }
0x78: {  	p0 =	sne.s32 s28, s13;
	[sflag:s24] =	ssyncadd.s32 $0xFFFFFF80  }
.Ltmp1:
0x79: {  	[bflag:$0x0] =	sbarrier.arrive $0xFFFF;
	(pc) =	sbr.rel @p0 .LBB2_1-.Ltmp1, $4  }
0x7a: {  	[hbm:s12], [sflag:s7] =	dma.local [spmem:s16], $0x2800  }
0x7b: {  	_ =	swait.ge [sflag:s17], $0x2800  }
0x7c: {  	[sflag:s17] =	ssyncset.done $0x0  }
0x7d: {  	[sflag:s17] =	ssyncadd.s32 $0xFFFFD800  }
0x7e: {  	_ =	sfence.sel $0x180000  }
0x7f: {  	[bflag:$0x0] =	sbarrier.arrive $0xFFFF  }
0x80: {  	_ =	strace $0x9000004D  }
0x81: {  	s0 =	stileid.u32;
	[bflag:$0x2] =	sbarrier.arrive $0xFFFF  }
0x82: {  	p0 =	sne.s32 s0, $0x0;
	s0 =	rddreg [dreg:$0x2]  }
0x83: {  	s0 =	sadd.s32 @!p0 $0x100000, s0  }
0x84: {  	[sflag:s0] =	ssyncadd.tile.s32 @!p0 $0x1;
	_ =	shalt  }
.Lfunc_end2:
_tile_overlayer_lowered:
.L_overlay_start_2:
0x85: {  	(tag) =	ssettag $0x2  }
0x86: {  	s0 =	rddreg [dreg:$0x0];
	s2 =	stileid.u32  }
0x87: {  	s1 =	rddreg [dreg:$0x1];
	p0 =	sne.s32 s2, $0x0  }
0x88: {  	s3 =	rddreg [dreg:$0x2];
	[bflag:$0x3] =	sbarrier.arrive $0xFFFF;
	s2 =	simm.s32 @!p0 $0x1C05  }
0x89: {  	[timem:s3], [sflag:s2] =	dma.local @!p0 [hbm:s0], s1  }
0x8a: {  	s0 =	simm.s32 @!p0 $0x5  }
0x8b: {  	_ =	swait.ge @!p0 [sflag:s0], s1  }
0x8c: {  	s1 =	ssub.s32 @!p0 $0x0, s1;
	[sflag:s0] =	ssyncset.done @!p0 $0x0  }
0x8d: {  	[sflag:s0] =	ssyncadd.s32 @!p0 s1  }
0x8e: {  	[bflag:$0x3] =	sbarrier.arrive $0xFFFF  }
0x8f: {  	_ =	shalt  }

// kernel: kernel.21.cloned.1.call-start
scs
__scs_entry_jumppad:
0x0: {  	(pc) =	sbr.rel $0x88, $3  }
0x1: {  	(tag) =	ssettag $0x0;
	lr =	simm.s32 $0x1  }
0x2: {  	[smem:$0x3F96] =	sst lr;
	_ =	strace $0xD0000000  }
0x3: {  	_ = 	snop  }
0x4: {  	_ = 	snop  }
0x5: {  	_ = 	snop  }
0x6: {  	_ = 	snop  }
0x7: {  	_ = 	snop  }
__scs_overlays_trampoline_lowered:
0x8: {  	[smem:$0x3FA5] =	sst s0  }
0x9: {  	[smem:$0x3FA6] =	sst s1  }
0xa: {  	[smem:$0x3FA7] =	sst s2  }
0xb: {  	[smem:$0x3FA8] =	sst s3  }
0xc: {  	[smem:$0x3FA9] =	sst s4  }
0xd: {  	[smem:$0x3FAA] =	sst s5  }
0xe: {  	[smem:$0x3FAB] =	sst s6  }
0xf: {  	[smem:$0x3FAC] =	sst s7  }
0x10: {  	[smem:$0x3FAD] =	sst s8  }
0x11: {  	[smem:$0x3FAE] =	sst s9;
	s0 =	simm.s32 @!p0 $0x0  }
0x12: {  	s1 =	sld [smem:$0x3F94];
	s0 =	simm.s32 @p0 $0x1  }
0x13: {  	[smem:$0x3FAF] =	sst s0;
	s0 =	simm.s32 @!p1 $0x0  }
0x14: {  	s2 =	sld [smem:$0x3F93];
	s0 =	simm.s32 @p1 $0x1  }
0x15: {  	[smem:$0x3FB0] =	sst s0;
	s0 =	simm.s32 @!p2 $0x0  }
0x16: {  	s3 =	sld [smem:$0x3FDB];
	s0 =	simm.s32 @p2 $0x1  }
0x17: {  	s4 =	simm.s32 $0x1BF5;
	[smem:$0x3FB2] =	sst s0  }
0x18: {  	s0 =	sld [smem:$0x3F95];
	_ =	swait.ge [sflag:s4], $0x0  }
0x19: {  	s7 =	sld [smem:$0x3F96]  }
0x1a: {  	s8 =	sadd.s32 $0xFFFFE003, lr  }
0x1b: {  	s9 =	sadd.s32 $0xFFFFFEF7, lr;
	s5 =	simm.s32 $0xFFFFFFFF;
	p2 =	slt.u32 s8, $0xFFFFF086  }
0x1c: {  	p1 =	slt.u32 s9, $0xF7A;
	s5 =	simm.s32 @!p2 $0x0  }
0x1d: {  	s5 =	simm.s32 @p1 $0x1;
	p0 =	seq.s32 s7, s2  }
0x1e: {  	s7 =	smul.u32 @!p0 $0xF7A, s2;
	p2 =	seq.s32 @!p0 s5, $0x0  }
0x1f: {  	s9 =	smul.u32 $0xF7A, s1;
	s8 =	simm.s32 @!p0 $0x1BF5;
	p2 =	por !p2, p0  }
0x20: {  	[sflag:s8] =	ssyncset.s32 @!p0 $0xFFFFF086;
	s6 =	sadd.s32 @!p0 s3, s7;
	s7 =	simm.s32 @!p0 $0x108  }
0x21: {  	s3 =	sadd.s32 s3, s9;
	s6 =	sadd.s32 @!p0 $0x88, s6;
	s7 =	simm.s32 @p2 $0x1082  }
0x22: {  	[simem:s7], [sflag:s8] =	dma.local @!p0 [hbm:s6], $0xF7A  }
0x23: {  	s9 =	sor.u32 $0xD0000000, s2;
	s6 =	simm.s32 $0x108;
	_ =	swait.ge @!p0 [sflag:s8], $0x0  }
0x24: {  	s3 =	sadd.s32 $0x88, s3;
	s6 =	simm.s32 @!p1 $0x1082;
	[sflag:s4] =	ssyncset.s32 $0xFFFFF086  }
0x25: {  	[simem:s6], [sflag:s4] =	dma.local [hbm:s3], $0xF7A  }
0x26: {  	[smem:$0x3F96] =	sst s1;
	(tag) =	ssettag s2;
	_ =	strace s9  }
0x27: {  	s1 =	sld [smem:$0x3FA6]  }
0x28: {  	s2 =	sld [smem:$0x3FA7]  }
0x29: {  	s4 =	sld [smem:$0x3FA9]  }
0x2a: {  	p0 =	seq.s32 s5, $0x0;
	s5 =	sld [smem:$0x3FAA]  }
0x2b: {  	s6 =	sld [smem:$0x3FAB]  }
0x2c: {  	s7 =	sld [smem:$0x3FAC]  }
0x2d: {  	s3 =	simm.s32 $0x108;
	s8 =	sld [smem:$0x3FAD]  }
0x2e: {  	s3 =	simm.s32 @!p0 $0x1082;
	s9 =	sld [smem:$0x3FAE]  }
0x2f: {  	lr =	sadd.s32 s0, s3;
	s0 =	sld [smem:$0x3FA5]  }
0x30: {  	s3 =	sld [smem:$0x3FA8]  }
0x31: {  	[smem:$0x3FB1] =	sst s10  }
0x32: {  	s10 =	sld [smem:$0x3FAF];
	_ =	sdelay $0x3  }
0x33: {  	p0 =	seq.s32 s10, $0x1;
	s10 =	sld [smem:$0x3FB1];
	_ =	sdelay $0x3  }
0x34: {  	[smem:$0x3FB1] =	sst s10  }
0x35: {  	s10 =	sld [smem:$0x3FB0];
	_ =	sdelay $0x3  }
0x36: {  	p1 =	seq.s32 s10, $0x1;
	s10 =	sld [smem:$0x3FB1];
	_ =	sdelay $0x3  }
0x37: {  	[smem:$0x3FB1] =	sst s10  }
0x38: {  	s10 =	sld [smem:$0x3FB2]  }
0x39: {  	_ = 	snop;
	(pc) =	sbr.ind lr, $3  }
0x3a: {  	_ = 	snop  }
0x3b: {  	_ = 	snop  }
0x3c: {  	p2 =	seq.s32 s10, $0x1;
	s10 =	sld [smem:$0x3FB1]  }
0x3d: {  	_ =	shalt  }
0x3e: {  	_ =	shalt  }
0x3f: {  	_ =	shalt  }
0x40: {  	_ =	shalt  }
0x41: {  	_ =	shalt  }
0x42: {  	_ =	shalt  }
0x43: {  	_ =	shalt  }
0x44: {  	_ =	shalt  }
0x45: {  	_ =	shalt  }
0x46: {  	_ =	shalt  }
0x47: {  	_ =	shalt  }
0x48: {  	_ =	shalt  }
0x49: {  	_ =	shalt  }
0x4a: {  	_ =	shalt  }
0x4b: {  	_ =	shalt  }
0x4c: {  	_ =	shalt  }
0x4d: {  	_ =	shalt  }
0x4e: {  	_ =	shalt  }
0x4f: {  	_ =	shalt  }
0x50: {  	_ =	shalt  }
0x51: {  	_ =	shalt  }
0x52: {  	_ =	shalt  }
0x53: {  	_ =	shalt  }
0x54: {  	_ =	shalt  }
0x55: {  	_ =	shalt  }
0x56: {  	_ =	shalt  }
0x57: {  	_ =	shalt  }
0x58: {  	_ =	shalt  }
0x59: {  	_ =	shalt  }
0x5a: {  	_ =	shalt  }
0x5b: {  	_ =	shalt  }
0x5c: {  	_ =	shalt  }
0x5d: {  	_ =	shalt  }
0x5e: {  	_ =	shalt  }
0x5f: {  	_ =	shalt  }
0x60: {  	_ =	shalt  }
0x61: {  	_ =	shalt  }
0x62: {  	_ =	shalt  }
0x63: {  	_ =	shalt  }
0x64: {  	_ =	shalt  }
0x65: {  	_ =	shalt  }
0x66: {  	_ =	shalt  }
0x67: {  	_ =	shalt  }
0x68: {  	_ =	shalt  }
0x69: {  	_ =	shalt  }
0x6a: {  	_ =	shalt  }
0x6b: {  	_ =	shalt  }
0x6c: {  	_ =	shalt  }
0x6d: {  	_ =	shalt  }
0x6e: {  	_ =	shalt  }
0x6f: {  	_ =	shalt  }
0x70: {  	_ =	shalt  }
0x71: {  	_ =	shalt  }
0x72: {  	_ =	shalt  }
0x73: {  	_ =	shalt  }
0x74: {  	_ =	shalt  }
0x75: {  	_ =	shalt  }
0x76: {  	_ =	shalt  }
0x77: {  	_ =	shalt  }
0x78: {  	_ =	shalt  }
0x79: {  	_ =	shalt  }
0x7a: {  	_ =	shalt  }
0x7b: {  	_ =	shalt  }
0x7c: {  	_ =	shalt  }
0x7d: {  	_ =	shalt  }
0x7e: {  	_ =	shalt  }
0x7f: {  	_ =	shalt  }
0x80: {  	_ =	shalt  }
0x81: {  	_ =	shalt  }
0x82: {  	_ =	shalt  }
0x83: {  	_ =	shalt  }
0x84: {  	_ =	shalt  }
0x85: {  	_ =	shalt  }
0x86: {  	_ =	shalt  }
0x87: {  	_ =	shalt  }
.Lfunc_end0:
.L_simem_size_0:
called_computation.3_lowered:
.L_overlay_start_0:
0x88: {  	s2 =	sld [smem:$0x3FD9]  }
0x89: {  	s3 =	sld [smem:$0x3FFE];
	_ =	sdelay $0x1  }
0x8a: {  	s1 =	srdreg.scid  }
0x8b: {  	s0 =	sand.u32 $0x1, s1  }
0x8c: {  	s16 =	sshll.u32 s0, $0xA;
	s2 =	sadd.s32 s3, s2  }
0x8d: {  	s2 =	sadd.s32 s2, s16  }
0x8e: {  	[smem:$0x3FBD] =	sst s2  }
0x8f: {  	_ = 	snop  }
0x90: {  	(tm) =	ssettm $0x1  }
0x91: {  	s17 =	sld [smem:$0x3FFB];
	_ =	sdelay $0x3  }
0x92: {  	_ =	strace s17  }
0x93: {  	s2 =	sld [smem:$0x3FFC];
	_ =	sdelay $0x3  }
0x94: {  	_ =	strace s2  }
0x95: {  	s2 =	sld [smem:$0x3FFD];
	_ =	sdelay $0x3  }
0x96: {  	_ =	strace s2  }
0x97: {  	_ =	strace $0x8FFFFFFF  }
0x98: {  	s18 =	sld [smem:$0x3FDB];
	_ =	sdelay $0x1  }
0x99: {  	s19 =	simm.s32 $_scs_section_size  }
0x9a: {  	s4 =	simm.s32 $_size__tile_overlayer_lowered;
	s5 =	simm.s32 $_tile_overlayer_lowered  }
0x9b: {  	s22 =	simm.s32 $0x1BFF;
	s21 =	sshll.u32 s5, $0x1;
	s2 =	sadd.s32 s19, s18  }
0x9c: {  	s6 =	simm.s32 $0x0;
	s20 =	sshll.u32 s4, $0x1;
	s4 =	sadd.s32 s21, s2  }
0x9d: {  	[timem:s6], [sflag:s22] =	dma.local [hbm:s4], s20  }
0x9e: {  	_ =	swait.ge [sflag:s22], s20  }
0x9f: {  	s3 =	ssub.s32 $0x0, s20;
	[sflag:s22] =	ssyncset.done $0x0  }
0xa0: {  	[sflag:s22] =	ssyncadd.s32 s3;
	_ =	sdelay $0x1  }
0xa1: {  	s23 =	simm.s32 $0x1B8B  }
0xa2: {  	_ =	swait.ge [sflag:s23], $0x1  }
0xa3: {  	[sflag:s23] =	ssyncset.done $0x0  }
0xa4: {  	s25 =	simm.s32 $0x1B8E;
	s24 =	sld [smem:$0x3FFE];
	[sflag:s23] =	ssyncadd.s32 $0xFFFFFFFF  }
0xa5: {  	s26 =	simm.s32 $execute0_lowered;
	[smem:$0x3FD2] =	sst s25  }
0xa6: {  	s4 =	sshll.u32 s26, $0x1;
	_ =	strace $0x8000004F;
	[dreg:$0x1] =	wrdreg $0xFFFFFFFF  }
0xa7: {  	s28 =	simm.s32 $_size_execute0_lowered;
	s2 =	sadd.s32 s2, s4;
	[dreg:$0x0] =	wrdreg $0x0  }
0xa8: {  	s4 =	sshll.u32 s28, $0x1;
	[dreg:$0x2] =	wrdreg s2  }
0xa9: {  	[dreg:$0x3] =	wrdreg s4  }
0xaa: {  	[dreg:$0x4] =	wrdreg $0xC0  }
0xab: {  	_ =	task [dreg:s6], $0x5FFFF  }
0xac: {  	[dreg:$0x1] =	wrdreg $0xFFFFFFFF  }
0xad: {  	[dreg:$0x0] =	wrdreg $0x60  }
0xae: {  	[dreg:$0x2] =	wrdreg s24  }
0xaf: {  	[dreg:$0x3] =	wrdreg $0x82000  }
0xb0: {  	[dreg:$0x4] =	wrdreg $0x9  }
0xb1: {  	_ =	task.clear_ibuf [dreg:s6], $0x5FFFF;
	_ =	strace $0x9000004F  }
0xb2: {  	s29 =	simm.s32 $0x9;
	_ =	strace $0x80000051  }
0xb3: {  	_ =	swait.ge [sflag:s29], $0x1  }
0xb4: {  	[sflag:s29] =	ssyncadd.s32 $0xFFFFFFFF  }
0xb5: {  	_ =	strace $0x90000051  }
0xb6: {  	_ =	sfence  }
0xb7: {  	s30 =	sld [smem:$0x0];
	_ =	sdelay $0x2  }
0xb8: {  	s31 =	sshll.u32 s1, $0xD;
	s1 =	sshrl.u32 s1, $0x2  }
0xb9: {  	s3 =	sand.u32 $0x4000, s31;
	s1 =	sadd.s32 s1, s30  }
0xba: {  	s0 =	sor.u32 s3, s0;
	s1 =	sshll.u32 s1, $0x11  }
0xbb: {  	s0 =	sor.u32 s1, s0  }
0xbc: {  	s0 =	sadd.s32 $0x8F2B, s0  }
0xbd: {  	[sflag:s0] =	ssyncadd.remote.s32 $0x1  }
0xbe: {  	_ =	sfence.sel $0xFFFF  }
0xbf: {  	[dreg:$0x0] =	wrdreg $0xFFFFFFFF;
	(pc) =	sbr.abs _section_cstart, $3  }
0xc0: {  	[dreg:$0x1] =	wrdreg $0xFFFFFFFF  }
0xc1: {  	_ =	task.clear_ibuf [dreg:s6], $0x2FFFF;
	_ =	strace $0x9FFFFFFF  }
0xc2: {  	(tm) =	ssettm $0x7FFFFFFF  }
0xc3: {  	_ =	shalt  }
tec
execute0_lowered:
.L_overlay_start_1:
0x0: {  	(tag) =	ssettag $0x1  }
0x1: {  	s7 =	rddreg [dreg:$0x0]  }
0x2: {  	s2 =	rddreg [dreg:$0x1];
	s3 =	simm.s32 $0x0;
	s4 =	srdreg.scid  }
0x3: {  	s0 =	stileid.u32;
	s18 =	simm.s32 $0x100;
	s19 =	simm.s32 $0x80  }
0x4: {  	s20 =	simm.s32 $0x180;
	s28 =	simm.s32 $0x0;
	[smem:$0x7FF] =	sst s3  }
0x5: {  	s8 =	sand.u32 $0x1, s4;
	s6 =	smul.u32 $0x2800, s0;
	s4 =	sadd.s32 $0x1B000, s7  }
0x6: {  	s5 =	sadd.s32 $0xBB800, s7;
	s11 =	sadd.s32 $0xE400, s7;
	s12 =	smul.u32 $0x50000, s0  }
0x7: {  	s23 =	sshll.u32 s0, $0x6;
	s24 =	sshll.u32 s0, $0x7;
	s29 =	sshll.u32 s0, $0x4  }
0x8: {  	_ =	strace $0x80000050;
	s9 =	smul.u32 $0x28000, s8;
	s10 =	ssub.s32 $0x2, s8  }
0x9: {  	s8 =	smul.u32 $0x52000, s8;
	s25 =	sor.u32 $0x800, s24;
	s21 =	sshrl.u32 s10, $0x1  }
0xa: {  	s22 =	sshrl.u32 s12, $0x2;
	s12 =	sshrl.u32 s25, $0x3;
	s9 =	sadd.s32 s6, s9  }
0xb: {  	s6 =	sadd.s32 $0x18800, s7;
	s14 =	ssub.s32 s10, s21;
	s16 =	sadd.s32 s22, s2  }
0xc: {  	s15 =	sor.u32 s24, s8;
	s17 =	sor.u32 s8, s25;
	s21 =	simm.s32 $0x1  }
0xd: {  	s22 =	simm.s32 $0x200;
	s24 =	simm.s32 $0x2;
	s25 =	simm.s32 $0x4200  }
0xe: {  	s13 =	sadd.s32 s9, s7;
	s7 =	sor.u32 $0x1C05, s23;
	s26 =	sshrl.u32 s15, $0x3  }
0xf: {  	s9 =	sadd.s32 s11, s29;
	s30 =	sshrl.u32 s17, $0x3;
	s31 =	sor.u32 $0x1800, s15  }
0x10: {  	s11 =	sadd.s32 s11, s12;
	s15 =	sor.u32 $0x1000, s15;
	s16 =	sshrl.u32 s16, $0x3  }
0x11: {  	s23 =	simm.s32 $0x3;
	s8 =	sadd.s32 s5, s26;
	s10 =	sadd.s32 s5, s30  }
0x12: {  	s12 =	sadd.s32 $0x69200, s13;
	s17 =	sshrl.u32 s31, $0x3;
	s13 =	smax.u32 s14, $0x1  }
0x13: {  	s26 =	simm.s32 $0x4;
	s14 =	sadd.s32 s17, s5;
	s17 =	simm.s32 $0x5  }
.LBB2_1:
0x14: {  	[spmem:s16], [sflag:s7] =	dma.local [hbm:s6], $0x2800  }
0x15: {  	_ =	swait.ge [sflag:s17], $0x2800  }
0x16: {  	[sflag:s17] =	ssyncset.done $0x0  }
0x17: {  	[sflag:s17] =	ssyncadd.s32 $0xFFFFD800  }
0x18: {  	[bflag:$0x0] =	sbarrier.arrive $0xFFFF  }
0x19: {  	[tilespmem:s3], [sflag:$0x1] =	stream.linear.gather [hbm4b:s8+s3], $0x80, $0x38;
	[tilespmem:$0x1C200] =	vst v63  }
0x1a: {  	_ = 	snop  }
0x1b: {  	[tilespmem:s18], [sflag:$0x1] =	stream.linear.gather [hbm4b:s9+s3], $0x80, $0x38;
	[tilespmem:$0x1C200] =	vst v63  }
0x1c: {  	_ = 	snop  }
0x1d: {  	[tilespmem:s19], [sflag:$0x2] =	stream.linear.gather [hbm4b:s10+s3], $0x80, $0x38;
	[tilespmem:$0x1C200] =	vst v63  }
0x1e: {  	_ = 	snop  }
0x1f: {  	[tilespmem:s20], [sflag:$0x2] =	stream.linear.gather [hbm4b:s11+s3], $0x80, $0x38;
	[tilespmem:$0x1C200] =	vst v63  }
0x20: {  	_ =	swait.ge [sflag:s21], $0x80  }
0x21: {  	[sflag:s21] =	ssyncset.done $0x0  }
0x22: {  	[sflag:s21] =	ssyncadd.s32 $0xFFFFFF80  }
0x23: {  	_ =	swait.ge [sflag:s21], $0x80  }
0x24: {  	[sflag:s21] =	ssyncset.done $0x0  }
0x25: {  	[sflag:s21] =	ssyncadd.s32 $0xFFFFFF80  }
0x26: {  	[tilespmem:s22], [sflag:$0x3] =	stream.indirect.gather [hbm4b:s4+s19], $0x80, s3, s19, $0xb8;
	[tilespmem:$0x1C200] =	vst v63  }
0x27: {  	_ =	swait.ge [sflag:s23], $0x4000  }
0x28: {  	[sflag:s23] =	ssyncset.done $0x0  }
0x29: {  	[sflag:s23] =	ssyncadd.s32 $0xFFFFC000  }
0x2a: {  	_ =	swait.ge [sflag:s24], $0x80  }
0x2b: {  	[sflag:s24] =	ssyncset.done $0x0  }
0x2c: {  	[sflag:s24] =	ssyncadd.s32 $0xFFFFFF80  }
0x2d: {  	_ =	swait.ge [sflag:s24], $0x80  }
0x2e: {  	[sflag:s24] =	ssyncset.done $0x0  }
0x2f: {  	[sflag:s24] =	ssyncadd.s32 $0xFFFFFF80  }
0x30: {  	[tilespmem:s25], [sflag:$0x4] =	stream.indirect.gather [hbm4b:s4+s19], $0x80, s19, s19, $0xb8;
	[tilespmem:$0x1C200] =	vst v63  }
0x31: {  	_ = 	snop  }
0x32: {  	[spmem:s2] =	stream.indirect.scatter.add.f32 [tilespmem:s22], [sflag:$0x5], $0x80, s18, s19, $0xb8;
	[tilespmem:$0x1C200] =	vst v63  }
0x33: {  	_ =	swait.ge [sflag:s17], $0x4000  }
0x34: {  	s29 =	sshrl.u32 s15, $0x3;
	[sflag:s17] =	ssyncset.done $0x0  }
0x35: {  	s30 =	sadd.s32 $0x0, s9;
	s29 =	sadd.s32 s5, s29;
	[sflag:s17] =	ssyncadd.s32 $0xFFFFC000  }
0x36: {  	[tilespmem:s3], [sflag:$0x1] =	stream.linear.gather [hbm4b:s29+s3], $0x80, $0x38;
	[tilespmem:$0x1C200] =	vst v63  }
0x37: {  	s29 =	sadd.s32 $0x200, s30  }
0x38: {  	[tilespmem:s18], [sflag:$0x1] =	stream.linear.gather [hbm4b:s29+s3], $0x80, $0x38;
	[tilespmem:$0x1C200] =	vst v63  }
0x39: {  	_ =	swait.ge [sflag:s26], $0x4000  }
0x3a: {  	[sflag:s26] =	ssyncset.done $0x0  }
0x3b: {  	[sflag:s26] =	ssyncadd.s32 $0xFFFFC000  }
0x3c: {  	_ =	swait.ge [sflag:s21], $0x80  }
0x3d: {  	[sflag:s21] =	ssyncset.done $0x0  }
0x3e: {  	[sflag:s21] =	ssyncadd.s32 $0xFFFFFF80  }
0x3f: {  	_ =	swait.ge [sflag:s21], $0x80  }
0x40: {  	[sflag:s21] =	ssyncset.done $0x0  }
0x41: {  	[sflag:s21] =	ssyncadd.s32 $0xFFFFFF80  }
0x42: {  	[tilespmem:s22], [sflag:$0x3] =	stream.indirect.gather [hbm4b:s4+s19], $0x80, s3, s19, $0xb8;
	[tilespmem:$0x1C200] =	vst v63  }
0x43: {  	_ = 	snop  }
0x44: {  	[spmem:s2] =	stream.indirect.scatter.add.f32 [tilespmem:s25], [sflag:$0x5], $0x80, s20, s19, $0xb8;
	[tilespmem:$0x1C200] =	vst v63  }
0x45: {  	_ =	swait.ge [sflag:s17], $0x4000  }
0x46: {  	[sflag:s17] =	ssyncset.done $0x0  }
0x47: {  	s29 =	sadd.s32 $0x0, s14;
	[sflag:s17] =	ssyncadd.s32 $0xFFFFC000  }
0x48: {  	[tilespmem:s19], [sflag:$0x2] =	stream.linear.gather [hbm4b:s29+s3], $0x80, $0x38;
	[tilespmem:$0x1C200] =	vst v63  }
0x49: {  	s31 =	sadd.s32 $0x300, s30;
	s30 =	sadd.s32 $0x1000, s15;
	s29 =	simm.s32 $0x200  }
.LBB2_2:
0x4a: {  	[tilespmem:s20], [sflag:$0x2] =	stream.linear.gather [hbm4b:s31+s3], $0x80, $0x38;
	[tilespmem:$0x1C200] =	vst v63  }
0x4b: {  	s31 =	smov.u32 s29  }
0x4c: {  	p0 =	sne.s32 s29, $0x9E00;
	s29 =	sadd.s32 $0x200, s29;
	_ =	swait.ge [sflag:s23], $0x4000  }
0x4d: {  	[sflag:s23] =	ssyncset.done $0x0  }
0x4e: {  	[sflag:s23] =	ssyncadd.s32 $0xFFFFC000  }
0x4f: {  	_ =	swait.ge [sflag:s24], $0x80  }
0x50: {  	[sflag:s24] =	ssyncset.done $0x0  }
0x51: {  	[sflag:s24] =	ssyncadd.s32 $0xFFFFFF80  }
0x52: {  	_ =	swait.ge [sflag:s24], $0x80  }
0x53: {  	[sflag:s24] =	ssyncset.done $0x0  }
0x54: {  	[sflag:s24] =	ssyncadd.s32 $0xFFFFFF80  }
0x55: {  	[tilespmem:s25], [sflag:$0x4] =	stream.indirect.gather [hbm4b:s4+s19], $0x80, s19, s19, $0xb8;
	[tilespmem:$0x1C200] =	vst v63  }
0x56: {  	_ = 	snop  }
0x57: {  	[spmem:s2] =	stream.indirect.scatter.add.f32 [tilespmem:s22], [sflag:$0x5], $0x80, s18, s19, $0xb8;
	[tilespmem:$0x1C200] =	vst v63  }
0x58: {  	_ =	swait.ge [sflag:s17], $0x4000  }
0x59: {  	s0 =	sshrl.u32 s30, $0x3;
	[sflag:s17] =	ssyncset.done $0x0  }
0x5a: {  	s0 =	sadd.s32 s5, s0;
	s1 =	sadd.s32 s31, s9;
	[sflag:s17] =	ssyncadd.s32 $0xFFFFC000  }
0x5b: {  	[tilespmem:s3], [sflag:$0x1] =	stream.linear.gather [hbm4b:s0+s3], $0x80, $0x38;
	[tilespmem:$0x1C200] =	vst v63  }
0x5c: {  	s0 =	sadd.s32 $0x200, s1  }
0x5d: {  	[tilespmem:s18], [sflag:$0x1] =	stream.linear.gather [hbm4b:s0+s3], $0x80, $0x38;
	[tilespmem:$0x1C200] =	vst v63  }
0x5e: {  	_ =	swait.ge [sflag:s26], $0x4000  }
0x5f: {  	[sflag:s26] =	ssyncset.done $0x0  }
0x60: {  	[sflag:s26] =	ssyncadd.s32 $0xFFFFC000  }
0x61: {  	_ =	swait.ge [sflag:s21], $0x80  }
0x62: {  	[sflag:s21] =	ssyncset.done $0x0  }
0x63: {  	[sflag:s21] =	ssyncadd.s32 $0xFFFFFF80  }
0x64: {  	_ =	swait.ge [sflag:s21], $0x80  }
0x65: {  	[sflag:s21] =	ssyncset.done $0x0  }
0x66: {  	[sflag:s21] =	ssyncadd.s32 $0xFFFFFF80  }
0x67: {  	[tilespmem:s22], [sflag:$0x3] =	stream.indirect.gather [hbm4b:s4+s19], $0x80, s3, s19, $0xb8;
	[tilespmem:$0x1C200] =	vst v63  }
0x68: {  	_ = 	snop  }
0x69: {  	[spmem:s2] =	stream.indirect.scatter.add.f32 [tilespmem:s25], [sflag:$0x5], $0x80, s20, s19, $0xb8;
	[tilespmem:$0x1C200] =	vst v63  }
.Ltmp0:
0x6a: {  	_ =	swait.ge [sflag:s17], $0x4000;
	(pc) =	sbr.rel @p0 .LBB2_2-.Ltmp0, $4  }
0x6b: {  	[sflag:s17] =	ssyncset.done $0x0  }
0x6c: {  	s0 =	sadd.s32 s31, s14;
	[sflag:s17] =	ssyncadd.s32 $0xFFFFC000  }
0x6d: {  	[tilespmem:s19], [sflag:$0x2] =	stream.linear.gather [hbm4b:s0+s3], $0x80, $0x38;
	[tilespmem:$0x1C200] =	vst v63  }
0x6e: {  	s30 =	sadd.s32 $0x1000, s30;
	s31 =	sadd.s32 $0x300, s1  }
0x6f: {  	[tilespmem:s20], [sflag:$0x2] =	stream.linear.gather [hbm4b:s31+s3], $0x80, $0x38;
	[tilespmem:$0x1C200] =	vst v63  }
0x70: {  	_ =	swait.ge [sflag:s23], $0x4000  }
0x71: {  	[sflag:s23] =	ssyncset.done $0x0  }
0x72: {  	[sflag:s23] =	ssyncadd.s32 $0xFFFFC000  }
0x73: {  	_ =	swait.ge [sflag:s24], $0x80  }
0x74: {  	[sflag:s24] =	ssyncset.done $0x0  }
0x75: {  	[sflag:s24] =	ssyncadd.s32 $0xFFFFFF80  }
0x76: {  	_ =	swait.ge [sflag:s24], $0x80  }
0x77: {  	s28 =	sadd.s32 $0x1, s28;
	[sflag:s24] =	ssyncset.done $0x0  }
0x78: {  	p0 =	sne.s32 s28, s13;
	[sflag:s24] =	ssyncadd.s32 $0xFFFFFF80  }
.Ltmp1:
0x79: {  	[bflag:$0x0] =	sbarrier.arrive $0xFFFF;
	(pc) =	sbr.rel @p0 .LBB2_1-.Ltmp1, $4  }
0x7a: {  	[hbm:s12], [sflag:s7] =	dma.local [spmem:s16], $0x2800  }
0x7b: {  	_ =	swait.ge [sflag:s17], $0x2800  }
0x7c: {  	[sflag:s17] =	ssyncset.done $0x0  }
0x7d: {  	[sflag:s17] =	ssyncadd.s32 $0xFFFFD800  }
0x7e: {  	_ =	sfence.sel $0x180000  }
0x7f: {  	[bflag:$0x0] =	sbarrier.arrive $0xFFFF  }
0x80: {  	_ =	strace $0x90000050  }
0x81: {  	s0 =	stileid.u32;
	[bflag:$0x2] =	sbarrier.arrive $0xFFFF  }
0x82: {  	p0 =	sne.s32 s0, $0x0;
	s0 =	rddreg [dreg:$0x2]  }
0x83: {  	s0 =	sadd.s32 @!p0 $0x100000, s0  }
0x84: {  	[sflag:s0] =	ssyncadd.tile.s32 @!p0 $0x1;
	_ =	shalt  }
.Lfunc_end2:
_tile_overlayer_lowered:
.L_overlay_start_2:
0x85: {  	(tag) =	ssettag $0x2  }
0x86: {  	s0 =	rddreg [dreg:$0x0];
	s2 =	stileid.u32  }
0x87: {  	s1 =	rddreg [dreg:$0x1];
	p0 =	sne.s32 s2, $0x0  }
0x88: {  	s3 =	rddreg [dreg:$0x2];
	[bflag:$0x3] =	sbarrier.arrive $0xFFFF;
	s2 =	simm.s32 @!p0 $0x1C05  }
0x89: {  	[timem:s3], [sflag:s2] =	dma.local @!p0 [hbm:s0], s1  }
0x8a: {  	s0 =	simm.s32 @!p0 $0x5  }
0x8b: {  	_ =	swait.ge @!p0 [sflag:s0], s1  }
0x8c: {  	s1 =	ssub.s32 @!p0 $0x0, s1;
	[sflag:s0] =	ssyncset.done @!p0 $0x0  }
0x8d: {  	[sflag:s0] =	ssyncadd.s32 @!p0 s1  }
0x8e: {  	[bflag:$0x3] =	sbarrier.arrive $0xFFFF  }
0x8f: {  	_ =	shalt  }

</sc_bundles>
